<compile_context>
chip_gen: v7x
topology: tpu7x:2x2x1
jax: 0.10.2.dev20260603
libtpu: 0.0.44.dev20260713+nightly
codegen_flags: <defaults>
</compile_context>

<pallas_src>
import functools

import jax
import jax.numpy as jnp
from jax import lax
from jax.experimental import pallas as pl
from jax.experimental.pallas import tpu as pltpu
from jax.experimental.pallas import tpu_sc as plsc

_N_WORKERS = 32
_CHUNK = 200


def _sc_edge_sum(n_rows, d_hid):
    rpw = n_rows // _N_WORKERS
    nch = rpw // _CHUNK
    n_lane_blocks = d_hid // 16
    mesh = plsc.VectorSubcoreMesh(core_axis_name="c", subcore_axis_name="s")

    @functools.partial(
        pl.kernel,
        mesh=mesh,
        out_type=jax.ShapeDtypeStruct((_N_WORKERS, d_hid), jnp.float32),
        scratch_types=[
            pltpu.VMEM((_CHUNK, d_hid), jnp.float32),
            pltpu.VMEM((_CHUNK, d_hid), jnp.float32),
            pltpu.VMEM((d_hid,), jnp.float32),
            pltpu.SemaphoreType.DMA,
            pltpu.SemaphoreType.DMA,
        ],
        compiler_params=pltpu.CompilerParams(use_tc_tiling_on_sc=False),
    )
    def body(e_hbm, out_hbm, buf0, buf1, acc, sem0, sem1):
        wid = lax.axis_index("s") * 2 + lax.axis_index("c")
        base = wid * rpw
        for d in range(n_lane_blocks):
            acc[pl.ds(d * 16, 16)] = jnp.zeros((16,), jnp.float32)
        bufs = (buf0, buf1)
        sems = (sem0, sem1)
        pltpu.async_copy(e_hbm.at[pl.ds(base, _CHUNK)], buf0, sem0)

        def accumulate(cur):
            def grp(g, carry):
                r0 = g * 8
                for d in range(n_lane_blocks):
                    sl = pl.ds(d * 16, 16)
                    v = cur[r0, sl]
                    for rr in range(1, 8):
                        v = v + cur[r0 + rr, sl]
                    plsc.addupdate(acc.at[sl], v)
                return carry
            lax.fori_loop(0, _CHUNK // 8, grp, 0)

        def pair(k2, carry):
            for b in range(2):
                k = k2 * 2 + b
                cur, csem = bufs[b], sems[b]
                nxt, nsem = bufs[1 - b], sems[1 - b]

                @pl.when(k + 1 < nch)
                def _start_next():
                    pltpu.async_copy(
                        e_hbm.at[pl.ds(base + (k + 1) * _CHUNK, _CHUNK)],
                        nxt, nsem)

                pltpu.make_async_copy(
                    e_hbm.at[pl.ds(base, _CHUNK)], cur, csem).wait()
                accumulate(cur)
            return carry

        lax.fori_loop(0, nch // 2, pair, 0)
        pltpu.sync_copy(acc, out_hbm.at[wid])

    return body


def _tc_body(x_ref, e_ref, out_ref, accx_ref, acce_ref, *, grid):
    i = pl.program_id(0)

    @pl.when(i == 0)
    def _init():
        accx_ref[...] = jnp.zeros_like(accx_ref)
        acce_ref[...] = jnp.zeros_like(acce_ref)

    accx_ref[...] += jnp.sum(x_ref[...], axis=0, keepdims=True)
    acce_ref[...] += jnp.sum(e_ref[...], axis=0, keepdims=True)

    @pl.when(i == grid - 1)
    def _finish():
        out_ref[0:1, :] = accx_ref[...]
        out_ref[1:2, 0:acce_ref.shape[1]] = acce_ref[...]


def _combine_body(sums_ref, scp_ref, w_ref, out_ref, *, d_in, d_hid):
    sx = sums_ref[0:1, :]
    se = sums_ref[1:2, 0:d_hid]
    se += jnp.sum(scp_ref[...], axis=0, keepdims=True)
    r = jnp.sum(sx.T * w_ref[:d_in, :], axis=0, keepdims=True)
    r += jnp.sum(se.T * w_ref[d_in:, :], axis=0, keepdims=True)
    out_ref[...] = r


def kernel(x, edge_hidden, edge_index, W):
    del edge_index
    n_nodes, d_in = x.shape
    n_edges, d_hid = edge_hidden.shape

    sc_rows = 64000
    tc_rows = n_edges - sc_rows
    grid = 25
    bx = n_nodes // grid
    be = tc_rows // grid

    sc_partials = _sc_edge_sum(sc_rows, d_hid)(edge_hidden[:sc_rows])

    tc_body = functools.partial(_tc_body, grid=grid)
    sums = pl.pallas_call(
        tc_body,
        grid=(grid,),
        in_specs=[
            pl.BlockSpec((bx, d_in), lambda i: (i, 0)),
            pl.BlockSpec((be, d_hid), lambda i: (i, 0)),
        ],
        out_specs=pl.BlockSpec((2, d_in), lambda i: (0, 0)),
        out_shape=jax.ShapeDtypeStruct((2, d_in), jnp.float32),
        scratch_shapes=[
            pltpu.VMEM((1, d_in), jnp.float32),
            pltpu.VMEM((1, d_hid), jnp.float32),
        ],
    )(x, edge_hidden[sc_rows:])

    combine = functools.partial(_combine_body, d_in=d_in, d_hid=d_hid)
    out = pl.pallas_call(
        combine,
        out_shape=jax.ShapeDtypeStruct((1, d_hid), jnp.float32),
    )(sums, sc_partials, W)
    return out[0]

# --- scband reference (transcript-rebuilt; emitter-appended) ---
"""Pipeline reference for scband-read-out-19542101197170 (READ-ONLY COPY).

The authoritative reference and input builder live on the scoring server;
editing this copy changes nothing except your own understanding.
"""

import jax, jax.numpy as jnp
import numpy as np

N_NODES = 10000
N_EDGES = 160000
D_IN = 512
D_HID = 256


def setup_inputs(seed: int = 0) -> dict:
    key = jax.random.key(seed)
    k1, k2, k3, k4 = jax.random.split(key, 4)
    x = jax.random.normal(k1, (N_NODES, D_IN), dtype=jnp.float32)
    edge_hidden = jax.random.normal(k2, (N_EDGES, D_HID), dtype=jnp.float32)
    edge_index = jax.random.randint(k3, (2, N_EDGES), 0, N_NODES, dtype=jnp.int64)
    # learned parameter: weight_output ~ torch.rand((d_in + d_hid, d_hid))
    W = jax.random.uniform(k4, (D_IN + D_HID, D_HID), dtype=jnp.float32)
    return {"x": x, "edge_hidden": edge_hidden, "edge_index": edge_index, "W": W}


def reference(x, edge_hidden, edge_index, W):
    # DGL update_all with message=edge.data['hidden'], reduce=sum over mailbox,
    # apply=concat(n_input, out_sum) @ weight_output; then sum over all nodes.
    n = x.shape[0]
    dst = edge_index[1]
    # scatter-add edge messages into destination nodes (zero for isolated nodes)
    out_sum = jax.ops.segment_sum(edge_hidden, dst, num_segments=n)
    node_feat_cat = jnp.concatenate([x, out_sum], axis=-1)
    node_feat_final = jnp.matmul(node_feat_cat, W)
    result = jnp.sum(node_feat_final, axis=0)
    return result

if __name__ == "__main__":
    import jax
    _d = setup_inputs()
    print(jax.jit(kernel)(*tuple(_d.values())))

</pallas_src>

<mosaic_0001>
#map = affine_map<(d0, d1) -> (0, 0)>
module attributes {stable_mosaic.version = 14 : i64} {
  func.func @body(%arg0: i32, %arg1: i32, %arg2: memref<64000x256xf32, #tpu.memory_space<hbm>>, %arg3: memref<32x256xf32, #tpu.memory_space<hbm>>, %arg4: memref<200x256xf32, #tpu.memory_space<vmem>>, %arg5: memref<200x256xf32, #tpu.memory_space<vmem>>, %arg6: memref<256xf32, #tpu.memory_space<vmem>>, %arg7: memref<!tpu.dma_semaphore, #tpu.memory_space<semaphore_mem>>, %arg8: memref<!tpu.dma_semaphore, #tpu.memory_space<semaphore_mem>>) attributes {dimension_semantics = [#tpu.dimension_semantics<core_parallel>, #tpu.dimension_semantics<subcore_parallel>], iteration_bounds = array<i64: 2, 16>, scalar_prefetch = 0 : i64, scratch_operands = 5 : i64, tpu.core_type = #tpu.core_type<sc_vector_subcore>, window_params = [{transform_indices = #map}, {transform_indices = #map}]} {
    %mul3A = arith.constant 2 : i32
    %mul3A_0 = arith.muli %arg1, %mul3A : i32
    %add3A = arith.addi %mul3A_0, %arg0 : i32
    %mul3A_1 = arith.constant 2000 : i32
    %mul3A_2 = arith.muli %add3A, %mul3A_1 : i32
    %broadcast_in_dim3A = arith.constant 0.000000e+00 : f32
    %broadcast_in_dim3A_3 = vector.broadcast %broadcast_in_dim3A : f32 to vector<16xf32>
    %swap3A = arith.constant 0 : index
    %swap3A_4 = tpu.vector_load %arg6[%swap3A] {strides = array<i32>} : memref<256xf32, #tpu.memory_space<vmem>>, vector<16xf32>,
    %swap3A_5 = vector.shape_cast %swap3A_4 : vector<16xf32> to vector<16xf32>
    %swap3A_6 = vector.shape_cast %broadcast_in_dim3A_3 : vector<16xf32> to vector<16xf32>
    tpu.vector_store %arg6[%swap3A], %swap3A_6 {strides = array<i32>} : memref<256xf32, #tpu.memory_space<vmem>>, vector<16xf32>,
    %broadcast_in_dim3A_7 = arith.constant 0.000000e+00 : f32
    %broadcast_in_dim3A_8 = vector.broadcast %broadcast_in_dim3A_7 : f32 to vector<16xf32>
    %swap3A_9 = arith.constant 16 : index
    %swap3A_10 = tpu.vector_load %arg6[%swap3A_9] {strides = array<i32>} : memref<256xf32, #tpu.memory_space<vmem>>, vector<16xf32>,
    %swap3A_11 = vector.shape_cast %swap3A_10 : vector<16xf32> to vector<16xf32>
    %swap3A_12 = vector.shape_cast %broadcast_in_dim3A_8 : vector<16xf32> to vector<16xf32>
    tpu.vector_store %arg6[%swap3A_9], %swap3A_12 {strides = array<i32>} : memref<256xf32, #tpu.memory_space<vmem>>, vector<16xf32>,
    %broadcast_in_dim3A_13 = arith.constant 0.000000e+00 : f32
    %broadcast_in_dim3A_14 = vector.broadcast %broadcast_in_dim3A_13 : f32 to vector<16xf32>
    %swap3A_15 = arith.constant 32 : index
    %swap3A_16 = tpu.vector_load %arg6[%swap3A_15] {strides = array<i32>} : memref<256xf32, #tpu.memory_space<vmem>>, vector<16xf32>,
    %swap3A_17 = vector.shape_cast %swap3A_16 : vector<16xf32> to vector<16xf32>
    %swap3A_18 = vector.shape_cast %broadcast_in_dim3A_14 : vector<16xf32> to vector<16xf32>
    tpu.vector_store %arg6[%swap3A_15], %swap3A_18 {strides = array<i32>} : memref<256xf32, #tpu.memory_space<vmem>>, vector<16xf32>,
    %broadcast_in_dim3A_19 = arith.constant 0.000000e+00 : f32
    %broadcast_in_dim3A_20 = vector.broadcast %broadcast_in_dim3A_19 : f32 to vector<16xf32>
    %swap3A_21 = arith.constant 48 : index
    %swap3A_22 = tpu.vector_load %arg6[%swap3A_21] {strides = array<i32>} : memref<256xf32, #tpu.memory_space<vmem>>, vector<16xf32>,
    %swap3A_23 = vector.shape_cast %swap3A_22 : vector<16xf32> to vector<16xf32>
    %swap3A_24 = vector.shape_cast %broadcast_in_dim3A_20 : vector<16xf32> to vector<16xf32>
    tpu.vector_store %arg6[%swap3A_21], %swap3A_24 {strides = array<i32>} : memref<256xf32, #tpu.memory_space<vmem>>, vector<16xf32>,
    %broadcast_in_dim3A_25 = arith.constant 0.000000e+00 : f32
    %broadcast_in_dim3A_26 = vector.broadcast %broadcast_in_dim3A_25 : f32 to vector<16xf32>
    %swap3A_27 = arith.constant 64 : index
    %swap3A_28 = tpu.vector_load %arg6[%swap3A_27] {strides = array<i32>} : memref<256xf32, #tpu.memory_space<vmem>>, vector<16xf32>,
    %swap3A_29 = vector.shape_cast %swap3A_28 : vector<16xf32> to vector<16xf32>
    %swap3A_30 = vector.shape_cast %broadcast_in_dim3A_26 : vector<16xf32> to vector<16xf32>
    tpu.vector_store %arg6[%swap3A_27], %swap3A_30 {strides = array<i32>} : memref<256xf32, #tpu.memory_space<vmem>>, vector<16xf32>,
    %broadcast_in_dim3A_31 = arith.constant 0.000000e+00 : f32
    %broadcast_in_dim3A_32 = vector.broadcast %broadcast_in_dim3A_31 : f32 to vector<16xf32>
    %swap3A_33 = arith.constant 80 : index
    %swap3A_34 = tpu.vector_load %arg6[%swap3A_33] {strides = array<i32>} : memref<256xf32, #tpu.memory_space<vmem>>, vector<16xf32>,
    %swap3A_35 = vector.shape_cast %swap3A_34 : vector<16xf32> to vector<16xf32>
    %swap3A_36 = vector.shape_cast %broadcast_in_dim3A_32 : vector<16xf32> to vector<16xf32>
    tpu.vector_store %arg6[%swap3A_33], %swap3A_36 {strides = array<i32>} : memref<256xf32, #tpu.memory_space<vmem>>, vector<16xf32>,
    %broadcast_in_dim3A_37 = arith.constant 0.000000e+00 : f32
    %broadcast_in_dim3A_38 = vector.broadcast %broadcast_in_dim3A_37 : f32 to vector<16xf32>
    %swap3A_39 = arith.constant 96 : index
    %swap3A_40 = tpu.vector_load %arg6[%swap3A_39] {strides = array<i32>} : memref<256xf32, #tpu.memory_space<vmem>>, vector<16xf32>,
    %swap3A_41 = vector.shape_cast %swap3A_40 : vector<16xf32> to vector<16xf32>
    %swap3A_42 = vector.shape_cast %broadcast_in_dim3A_38 : vector<16xf32> to vector<16xf32>
    tpu.vector_store %arg6[%swap3A_39], %swap3A_42 {strides = array<i32>} : memref<256xf32, #tpu.memory_space<vmem>>, vector<16xf32>,
    %broadcast_in_dim3A_43 = arith.constant 0.000000e+00 : f32
    %broadcast_in_dim3A_44 = vector.broadcast %broadcast_in_dim3A_43 : f32 to vector<16xf32>
    %swap3A_45 = arith.constant 112 : index
    %swap3A_46 = tpu.vector_load %arg6[%swap3A_45] {strides = array<i32>} : memref<256xf32, #tpu.memory_space<vmem>>, vector<16xf32>,
    %swap3A_47 = vector.shape_cast %swap3A_46 : vector<16xf32> to vector<16xf32>
    %swap3A_48 = vector.shape_cast %broadcast_in_dim3A_44 : vector<16xf32> to vector<16xf32>
    tpu.vector_store %arg6[%swap3A_45], %swap3A_48 {strides = array<i32>} : memref<256xf32, #tpu.memory_space<vmem>>, vector<16xf32>,
    %broadcast_in_dim3A_49 = arith.constant 0.000000e+00 : f32
    %broadcast_in_dim3A_50 = vector.broadcast %broadcast_in_dim3A_49 : f32 to vector<16xf32>
    %swap3A_51 = arith.constant 128 : index
    %swap3A_52 = tpu.vector_load %arg6[%swap3A_51] {strides = array<i32>} : memref<256xf32, #tpu.memory_space<vmem>>, vector<16xf32>,
    %swap3A_53 = vector.shape_cast %swap3A_52 : vector<16xf32> to vector<16xf32>
    %swap3A_54 = vector.shape_cast %broadcast_in_dim3A_50 : vector<16xf32> to vector<16xf32>
    tpu.vector_store %arg6[%swap3A_51], %swap3A_54 {strides = array<i32>} : memref<256xf32, #tpu.memory_space<vmem>>, vector<16xf32>,
    %broadcast_in_dim3A_55 = arith.constant 0.000000e+00 : f32
    %broadcast_in_dim3A_56 = vector.broadcast %broadcast_in_dim3A_55 : f32 to vector<16xf32>
    %swap3A_57 = arith.constant 144 : index
    %swap3A_58 = tpu.vector_load %arg6[%swap3A_57] {strides = array<i32>} : memref<256xf32, #tpu.memory_space<vmem>>, vector<16xf32>,
    %swap3A_59 = vector.shape_cast %swap3A_58 : vector<16xf32> to vector<16xf32>
    %swap3A_60 = vector.shape_cast %broadcast_in_dim3A_56 : vector<16xf32> to vector<16xf32>
    tpu.vector_store %arg6[%swap3A_57], %swap3A_60 {strides = array<i32>} : memref<256xf32, #tpu.memory_space<vmem>>, vector<16xf32>,
    %broadcast_in_dim3A_61 = arith.constant 0.000000e+00 : f32
    %broadcast_in_dim3A_62 = vector.broadcast %broadcast_in_dim3A_61 : f32 to vector<16xf32>
    %swap3A_63 = arith.constant 160 : index
    %swap3A_64 = tpu.vector_load %arg6[%swap3A_63] {strides = array<i32>} : memref<256xf32, #tpu.memory_space<vmem>>, vector<16xf32>,
    %swap3A_65 = vector.shape_cast %swap3A_64 : vector<16xf32> to vector<16xf32>
    %swap3A_66 = vector.shape_cast %broadcast_in_dim3A_62 : vector<16xf32> to vector<16xf32>
    tpu.vector_store %arg6[%swap3A_63], %swap3A_66 {strides = array<i32>} : memref<256xf32, #tpu.memory_space<vmem>>, vector<16xf32>,
    %broadcast_in_dim3A_67 = arith.constant 0.000000e+00 : f32
    %broadcast_in_dim3A_68 = vector.broadcast %broadcast_in_dim3A_67 : f32 to vector<16xf32>
    %swap3A_69 = arith.constant 176 : index
    %swap3A_70 = tpu.vector_load %arg6[%swap3A_69] {strides = array<i32>} : memref<256xf32, #tpu.memory_space<vmem>>, vector<16xf32>,
    %swap3A_71 = vector.shape_cast %swap3A_70 : vector<16xf32> to vector<16xf32>
    %swap3A_72 = vector.shape_cast %broadcast_in_dim3A_68 : vector<16xf32> to vector<16xf32>
    tpu.vector_store %arg6[%swap3A_69], %swap3A_72 {strides = array<i32>} : memref<256xf32, #tpu.memory_space<vmem>>, vector<16xf32>,
    %broadcast_in_dim3A_73 = arith.constant 0.000000e+00 : f32
    %broadcast_in_dim3A_74 = vector.broadcast %broadcast_in_dim3A_73 : f32 to vector<16xf32>
    %swap3A_75 = arith.constant 192 : index
    %swap3A_76 = tpu.vector_load %arg6[%swap3A_75] {strides = array<i32>} : memref<256xf32, #tpu.memory_space<vmem>>, vector<16xf32>,
    %swap3A_77 = vector.shape_cast %swap3A_76 : vector<16xf32> to vector<16xf32>
    %swap3A_78 = vector.shape_cast %broadcast_in_dim3A_74 : vector<16xf32> to vector<16xf32>
    tpu.vector_store %arg6[%swap3A_75], %swap3A_78 {strides = array<i32>} : memref<256xf32, #tpu.memory_space<vmem>>, vector<16xf32>,
    %broadcast_in_dim3A_79 = arith.constant 0.000000e+00 : f32
    %broadcast_in_dim3A_80 = vector.broadcast %broadcast_in_dim3A_79 : f32 to vector<16xf32>
    %swap3A_81 = arith.constant 208 : index
    %swap3A_82 = tpu.vector_load %arg6[%swap3A_81] {strides = array<i32>} : memref<256xf32, #tpu.memory_space<vmem>>, vector<16xf32>,
    %swap3A_83 = vector.shape_cast %swap3A_82 : vector<16xf32> to vector<16xf32>
    %swap3A_84 = vector.shape_cast %broadcast_in_dim3A_80 : vector<16xf32> to vector<16xf32>
    tpu.vector_store %arg6[%swap3A_81], %swap3A_84 {strides = array<i32>} : memref<256xf32, #tpu.memory_space<vmem>>, vector<16xf32>,
    %broadcast_in_dim3A_85 = arith.constant 0.000000e+00 : f32
    %broadcast_in_dim3A_86 = vector.broadcast %broadcast_in_dim3A_85 : f32 to vector<16xf32>
    %swap3A_87 = arith.constant 224 : index
    %swap3A_88 = tpu.vector_load %arg6[%swap3A_87] {strides = array<i32>} : memref<256xf32, #tpu.memory_space<vmem>>, vector<16xf32>,
    %swap3A_89 = vector.shape_cast %swap3A_88 : vector<16xf32> to vector<16xf32>
    %swap3A_90 = vector.shape_cast %broadcast_in_dim3A_86 : vector<16xf32> to vector<16xf32>
    tpu.vector_store %arg6[%swap3A_87], %swap3A_90 {strides = array<i32>} : memref<256xf32, #tpu.memory_space<vmem>>, vector<16xf32>,
    %broadcast_in_dim3A_91 = arith.constant 0.000000e+00 : f32
    %broadcast_in_dim3A_92 = vector.broadcast %broadcast_in_dim3A_91 : f32 to vector<16xf32>
    %swap3A_93 = arith.constant 240 : index
    %swap3A_94 = tpu.vector_load %arg6[%swap3A_93] {strides = array<i32>} : memref<256xf32, #tpu.memory_space<vmem>>, vector<16xf32>,
    %swap3A_95 = vector.shape_cast %swap3A_94 : vector<16xf32> to vector<16xf32>
    %swap3A_96 = vector.shape_cast %broadcast_in_dim3A_92 : vector<16xf32> to vector<16xf32>
    tpu.vector_store %arg6[%swap3A_93], %swap3A_96 {strides = array<i32>} : memref<256xf32, #tpu.memory_space<vmem>>, vector<16xf32>,
    %dma_start3A = arith.constant 0 : i32
    %dma_start3A_97 = tpu.memref_slice %arg2[%mul3A_2, %dma_start3A] : memref<64000x256xf32, #tpu.memory_space<hbm>> -> memref<200x256xf32, #tpu.memory_space<hbm>>
    %dma_start3A_98 = arith.constant 0 : i32
    %dma_start3A_99 = tpu.memref_slice %arg2[%mul3A_2, %dma_start3A_98] : memref<64000x256xf32, #tpu.memory_space<hbm>> -> memref<200x256xf32, #tpu.memory_space<hbm>>
    tpu.enqueue_dma source(%dma_start3A_99 : memref<200x256xf32, #tpu.memory_space<hbm>>) target(%arg4 : memref<200x256xf32, #tpu.memory_space<vmem>>) target_semaphore(%arg7 : memref<!tpu.dma_semaphore, #tpu.memory_space<semaphore_mem>>)
    %scan3A = arith.constant 0 : i32
    %scan3A_100 = arith.constant 0 : i32
    %scan3A_101 = arith.constant 5 : i32
    %scan3A_102 = arith.addi %scan3A_100, %scan3A_101 : i32
    %scan3A_103 = arith.constant 1 : i32
    scf.for %scan3A_105 = %scan3A_100 to %scan3A_102 step %scan3A_103  : i32 {
      %mul3A_106 = arith.constant 2 : i32
      %mul3A_107 = arith.muli %scan3A_105, %mul3A_106 : i32
      %add3A_108 = arith.constant 0 : i32
      %add3A_109 = arith.addi %mul3A_107, %add3A_108 : i32
      %add3A_110 = arith.constant 1 : i32
      %add3A_111 = arith.addi %add3A_109, %add3A_110 : i32
      %lt3A = arith.constant 10 : i32
      %lt3A_112 = arith.cmpi slt, %add3A_111, %lt3A : i32
      %convert_element_type3A = arith.extui %lt3A_112 : i1 to i32
      %cond3A = arith.constant 0 : i32
      %cond3A_113 = arith.cmpi ne, %convert_element_type3A, %cond3A : i32
      scf.if %cond3A_113 {
        %add3A_144 = arith.constant 1 : i32
        %add3A_145 = arith.addi %add3A_109, %add3A_144 : i32
        %mul3A_146 = arith.constant 200 : i32
        %mul3A_147 = arith.muli %add3A_145, %mul3A_146 : i32
        %add3A_148 = arith.addi %mul3A_2, %mul3A_147 : i32
        %dma_start3A_149 = arith.constant 0 : i32
        %dma_start3A_150 = tpu.memref_slice %arg2[%add3A_148, %dma_start3A_149] : memref<64000x256xf32, #tpu.memory_space<hbm>> -> memref<200x256xf32, #tpu.memory_space<hbm>>
        %dma_start3A_151 = arith.constant 0 : i32
        %dma_start3A_152 = tpu.memref_slice %arg2[%add3A_148, %dma_start3A_151] : memref<64000x256xf32, #tpu.memory_space<hbm>> -> memref<200x256xf32, #tpu.memory_space<hbm>>
        tpu.enqueue_dma source(%dma_start3A_152 : memref<200x256xf32, #tpu.memory_space<hbm>>) target(%arg5 : memref<200x256xf32, #tpu.memory_space<vmem>>) target_semaphore(%arg8 : memref<!tpu.dma_semaphore, #tpu.memory_space<semaphore_mem>>)
      } else {
      }
      %dma_wait3A = arith.constant 0 : i32
      %dma_wait3A_114 = tpu.memref_slice %arg2[%mul3A_2, %dma_wait3A] : memref<64000x256xf32, #tpu.memory_space<hbm>> -> memref<200x256xf32, #tpu.memory_space<hbm>>
      %dma_wait3A_115 = arith.constant 0 : i32
      %dma_wait3A_116 = tpu.memref_slice %arg2[%mul3A_2, %dma_wait3A_115] : memref<64000x256xf32, #tpu.memory_space<hbm>> -> memref<200x256xf32, #tpu.memory_space<hbm>>
      tpu.wait_dma2 semaphore(%arg7 : memref<!tpu.dma_semaphore, #tpu.memory_space<semaphore_mem>>) src(%dma_wait3A_116 : memref<200x256xf32, #tpu.memory_space<hbm>>) dst(%arg4 : memref<200x256xf32, #tpu.memory_space<vmem>>)
      %scan3A_117 = arith.constant 0 : i32
      %scan3A_118 = arith.constant 0 : i32
      %scan3A_119 = arith.constant 25 : i32
      %scan3A_120 = arith.addi %scan3A_118, %scan3A_119 : i32
      %scan3A_121 = arith.constant 1 : i32
      scf.for %scan3A_144 = %scan3A_118 to %scan3A_120 step %scan3A_121  : i32 {
        %mul3A_145 = arith.constant 8 : i32
        %mul3A_146 = arith.muli %scan3A_144, %mul3A_145 : i32
        %get3A = arith.index_cast %mul3A_146 : i32 to index
        %get3A_147 = arith.constant 0 : index
        %get3A_148 = tpu.vector_load %arg4[%get3A, %get3A_147] {strides = array<i32>} : memref<200x256xf32, #tpu.memory_space<vmem>>, vector<1x16xf32>,
        %get3A_149 = vector.shape_cast %get3A_148 : vector<1x16xf32> to vector<16xf32>
        %add3A_150 = arith.constant 1 : i32
        %add3A_151 = arith.addi %mul3A_146, %add3A_150 : i32
        %get3A_152 = arith.index_cast %add3A_151 : i32 to index
        %get3A_153 = arith.constant 0 : index
        %get3A_154 = tpu.vector_load %arg4[%get3A_152, %get3A_153] {strides = array<i32>} : memref<200x256xf32, #tpu.memory_space<vmem>>, vector<1x16xf32>,
        %get3A_155 = vector.shape_cast %get3A_154 : vector<1x16xf32> to vector<16xf32>
        %add3A_156 = arith.addf %get3A_149, %get3A_155 : vector<16xf32>
        %add3A_157 = arith.constant 2 : i32
        %add3A_158 = arith.addi %mul3A_146, %add3A_157 : i32
        %get3A_159 = arith.index_cast %add3A_158 : i32 to index
        %get3A_160 = arith.constant 0 : index
        %get3A_161 = tpu.vector_load %arg4[%get3A_159, %get3A_160] {strides = array<i32>} : memref<200x256xf32, #tpu.memory_space<vmem>>, vector<1x16xf32>,
        %get3A_162 = vector.shape_cast %get3A_161 : vector<1x16xf32> to vector<16xf32>
        %add3A_163 = arith.addf %add3A_156, %get3A_162 : vector<16xf32>
        %add3A_164 = arith.constant 3 : i32
        %add3A_165 = arith.addi %mul3A_146, %add3A_164 : i32
        %get3A_166 = arith.index_cast %add3A_165 : i32 to index
        %get3A_167 = arith.constant 0 : index
        %get3A_168 = tpu.vector_load %arg4[%get3A_166, %get3A_167] {strides = array<i32>} : memref<200x256xf32, #tpu.memory_space<vmem>>, vector<1x16xf32>,
        %get3A_169 = vector.shape_cast %get3A_168 : vector<1x16xf32> to vector<16xf32>
        %add3A_170 = arith.addf %add3A_163, %get3A_169 : vector<16xf32>
        %add3A_171 = arith.constant 4 : i32
        %add3A_172 = arith.addi %mul3A_146, %add3A_171 : i32
        %get3A_173 = arith.index_cast %add3A_172 : i32 to index
        %get3A_174 = arith.constant 0 : index
        %get3A_175 = tpu.vector_load %arg4[%get3A_173, %get3A_174] {strides = array<i32>} : memref<200x256xf32, #tpu.memory_space<vmem>>, vector<1x16xf32>,
        %get3A_176 = vector.shape_cast %get3A_175 : vector<1x16xf32> to vector<16xf32>
        %add3A_177 = arith.addf %add3A_170, %get3A_176 : vector<16xf32>
        %add3A_178 = arith.constant 5 : i32
        %add3A_179 = arith.addi %mul3A_146, %add3A_178 : i32
        %get3A_180 = arith.index_cast %add3A_179 : i32 to index
        %get3A_181 = arith.constant 0 : index
        %get3A_182 = tpu.vector_load %arg4[%get3A_180, %get3A_181] {strides = array<i32>} : memref<200x256xf32, #tpu.memory_space<vmem>>, vector<1x16xf32>,
        %get3A_183 = vector.shape_cast %get3A_182 : vector<1x16xf32> to vector<16xf32>
        %add3A_184 = arith.addf %add3A_177, %get3A_183 : vector<16xf32>
        %add3A_185 = arith.constant 6 : i32
        %add3A_186 = arith.addi %mul3A_146, %add3A_185 : i32
        %get3A_187 = arith.index_cast %add3A_186 : i32 to index
        %get3A_188 = arith.constant 0 : index
        %get3A_189 = tpu.vector_load %arg4[%get3A_187, %get3A_188] {strides = array<i32>} : memref<200x256xf32, #tpu.memory_space<vmem>>, vector<1x16xf32>,
        %get3A_190 = vector.shape_cast %get3A_189 : vector<1x16xf32> to vector<16xf32>
        %add3A_191 = arith.addf %add3A_184, %get3A_190 : vector<16xf32>
        %add3A_192 = arith.constant 7 : i32
        %add3A_193 = arith.addi %mul3A_146, %add3A_192 : i32
        %get3A_194 = arith.index_cast %add3A_193 : i32 to index
        %get3A_195 = arith.constant 0 : index
        %get3A_196 = tpu.vector_load %arg4[%get3A_194, %get3A_195] {strides = array<i32>} : memref<200x256xf32, #tpu.memory_space<vmem>>, vector<1x16xf32>,
        %get3A_197 = vector.shape_cast %get3A_196 : vector<1x16xf32> to vector<16xf32>
        %add3A_198 = arith.addf %add3A_191, %get3A_197 : vector<16xf32>
        %swap3A_199 = arith.constant 0 : index
        %swap3A_200 = tpu.vector_load %arg6[%swap3A_199] {strides = array<i32>} : memref<256xf32, #tpu.memory_space<vmem>>, vector<16xf32>,
        %swap3A_201 = vector.shape_cast %swap3A_200 : vector<16xf32> to vector<16xf32>
        %swap3A_202 = vector.shape_cast %add3A_198 : vector<16xf32> to vector<16xf32>
        tpu.vector_store %arg6[%swap3A_199], %swap3A_202 {add = true, strides = array<i32>} : memref<256xf32, #tpu.memory_space<vmem>>, vector<16xf32>,
        %get3A_203 = arith.index_cast %mul3A_146 : i32 to index
        %get3A_204 = arith.constant 16 : index
        %get3A_205 = tpu.vector_load %arg4[%get3A_203, %get3A_204] {strides = array<i32>} : memref<200x256xf32, #tpu.memory_space<vmem>>, vector<1x16xf32>,
        %get3A_206 = vector.shape_cast %get3A_205 : vector<1x16xf32> to vector<16xf32>
        %add3A_207 = arith.constant 1 : i32
        %add3A_208 = arith.addi %mul3A_146, %add3A_207 : i32
        %get3A_209 = arith.index_cast %add3A_208 : i32 to index
        %get3A_210 = arith.constant 16 : index
        %get3A_211 = tpu.vector_load %arg4[%get3A_209, %get3A_210] {strides = array<i32>} : memref<200x256xf32, #tpu.memory_space<vmem>>, vector<1x16xf32>,
        %get3A_212 = vector.shape_cast %get3A_211 : vector<1x16xf32> to vector<16xf32>
        %add3A_213 = arith.addf %get3A_206, %get3A_212 : vector<16xf32>
        %add3A_214 = arith.constant 2 : i32
        %add3A_215 = arith.addi %mul3A_146, %add3A_214 : i32
        %get3A_216 = arith.index_cast %add3A_215 : i32 to index
        %get3A_217 = arith.constant 16 : index
        %get3A_218 = tpu.vector_load %arg4[%get3A_216, %get3A_217] {strides = array<i32>} : memref<200x256xf32, #tpu.memory_space<vmem>>, vector<1x16xf32>,
        %get3A_219 = vector.shape_cast %get3A_218 : vector<1x16xf32> to vector<16xf32>
        %add3A_220 = arith.addf %add3A_213, %get3A_219 : vector<16xf32>
        %add3A_221 = arith.constant 3 : i32
        %add3A_222 = arith.addi %mul3A_146, %add3A_221 : i32
        %get3A_223 = arith.index_cast %add3A_222 : i32 to index
        %get3A_224 = arith.constant 16 : index
        %get3A_225 = tpu.vector_load %arg4[%get3A_223, %get3A_224] {strides = array<i32>} : memref<200x256xf32, #tpu.memory_space<vmem>>, vector<1x16xf32>,
        %get3A_226 = vector.shape_cast %get3A_225 : vector<1x16xf32> to vector<16xf32>
        %add3A_227 = arith.addf %add3A_220, %get3A_226 : vector<16xf32>
        %add3A_228 = arith.constant 4 : i32
        %add3A_229 = arith.addi %mul3A_146, %add3A_228 : i32
        %get3A_230 = arith.index_cast %add3A_229 : i32 to index
        %get3A_231 = arith.constant 16 : index
        %get3A_232 = tpu.vector_load %arg4[%get3A_230, %get3A_231] {strides = array<i32>} : memref<200x256xf32, #tpu.memory_space<vmem>>, vector<1x16xf32>,
        %get3A_233 = vector.shape_cast %get3A_232 : vector<1x16xf32> to vector<16xf32>
        %add3A_234 = arith.addf %add3A_227, %get3A_233 : vector<16xf32>
        %add3A_235 = arith.constant 5 : i32
        %add3A_236 = arith.addi %mul3A_146, %add3A_235 : i32
        %get3A_237 = arith.index_cast %add3A_236 : i32 to index
        %get3A_238 = arith.constant 16 : index
        %get3A_239 = tpu.vector_load %arg4[%get3A_237, %get3A_238] {strides = array<i32>} : memref<200x256xf32, #tpu.memory_space<vmem>>, vector<1x16xf32>,
        %get3A_240 = vector.shape_cast %get3A_239 : vector<1x16xf32> to vector<16xf32>
        %add3A_241 = arith.addf %add3A_234, %get3A_240 : vector<16xf32>
        %add3A_242 = arith.constant 6 : i32
        %add3A_243 = arith.addi %mul3A_146, %add3A_242 : i32
        %get3A_244 = arith.index_cast %add3A_243 : i32 to index
        %get3A_245 = arith.constant 16 : index
        %get3A_246 = tpu.vector_load %arg4[%get3A_244, %get3A_245] {strides = array<i32>} : memref<200x256xf32, #tpu.memory_space<vmem>>, vector<1x16xf32>,
        %get3A_247 = vector.shape_cast %get3A_246 : vector<1x16xf32> to vector<16xf32>
        %add3A_248 = arith.addf %add3A_241, %get3A_247 : vector<16xf32>
        %add3A_249 = arith.constant 7 : i32
        %add3A_250 = arith.addi %mul3A_146, %add3A_249 : i32
        %get3A_251 = arith.index_cast %add3A_250 : i32 to index
        %get3A_252 = arith.constant 16 : index
        %get3A_253 = tpu.vector_load %arg4[%get3A_251, %get3A_252] {strides = array<i32>} : memref<200x256xf32, #tpu.memory_space<vmem>>, vector<1x16xf32>,
        %get3A_254 = vector.shape_cast %get3A_253 : vector<1x16xf32> to vector<16xf32>
        %add3A_255 = arith.addf %add3A_248, %get3A_254 : vector<16xf32>
        %swap3A_256 = arith.constant 16 : index
        %swap3A_257 = tpu.vector_load %arg6[%swap3A_256] {strides = array<i32>} : memref<256xf32, #tpu.memory_space<vmem>>, vector<16xf32>,
        %swap3A_258 = vector.shape_cast %swap3A_257 : vector<16xf32> to vector<16xf32>
        %swap3A_259 = vector.shape_cast %add3A_255 : vector<16xf32> to vector<16xf32>
        tpu.vector_store %arg6[%swap3A_256], %swap3A_259 {add = true, strides = array<i32>} : memref<256xf32, #tpu.memory_space<vmem>>, vector<16xf32>,
        %get3A_260 = arith.index_cast %mul3A_146 : i32 to index
        %get3A_261 = arith.constant 32 : index
        %get3A_262 = tpu.vector_load %arg4[%get3A_260, %get3A_261] {strides = array<i32>} : memref<200x256xf32, #tpu.memory_space<vmem>>, vector<1x16xf32>,
        %get3A_263 = vector.shape_cast %get3A_262 : vector<1x16xf32> to vector<16xf32>
        %add3A_264 = arith.constant 1 : i32
        %add3A_265 = arith.addi %mul3A_146, %add3A_264 : i32
        %get3A_266 = arith.index_cast %add3A_265 : i32 to index
        %get3A_267 = arith.constant 32 : index
        %get3A_268 = tpu.vector_load %arg4[%get3A_266, %get3A_267] {strides = array<i32>} : memref<200x256xf32, #tpu.memory_space<vmem>>, vector<1x16xf32>,
        %get3A_269 = vector.shape_cast %get3A_268 : vector<1x16xf32> to vector<16xf32>
        %add3A_270 = arith.addf %get3A_263, %get3A_269 : vector<16xf32>
        %add3A_271 = arith.constant 2 : i32
        %add3A_272 = arith.addi %mul3A_146, %add3A_271 : i32
        %get3A_273 = arith.index_cast %add3A_272 : i32 to index
        %get3A_274 = arith.constant 32 : index
        %get3A_275 = tpu.vector_load %arg4[%get3A_273, %get3A_274] {strides = array<i32>} : memref<200x256xf32, #tpu.memory_space<vmem>>, vector<1x16xf32>,
        %get3A_276 = vector.shape_cast %get3A_275 : vector<1x16xf32> to vector<16xf32>
        %add3A_277 = arith.addf %add3A_270, %get3A_276 : vector<16xf32>
        %add3A_278 = arith.constant 3 : i32
        %add3A_279 = arith.addi %mul3A_146, %add3A_278 : i32
        %get3A_280 = arith.index_cast %add3A_279 : i32 to index
        %get3A_281 = arith.constant 32 : index
        %get3A_282 = tpu.vector_load %arg4[%get3A_280, %get3A_281] {strides = array<i32>} : memref<200x256xf32, #tpu.memory_space<vmem>>, vector<1x16xf32>,
        %get3A_283 = vector.shape_cast %get3A_282 : vector<1x16xf32> to vector<16xf32>
        %add3A_284 = arith.addf %add3A_277, %get3A_283 : vector<16xf32>
        %add3A_285 = arith.constant 4 : i32
        %add3A_286 = arith.addi %mul3A_146, %add3A_285 : i32
        %get3A_287 = arith.index_cast %add3A_286 : i32 to index
        %get3A_288 = arith.constant 32 : index
        %get3A_289 = tpu.vector_load %arg4[%get3A_287, %get3A_288] {strides = array<i32>} : memref<200x256xf32, #tpu.memory_space<vmem>>, vector<1x16xf32>,
        %get3A_290 = vector.shape_cast %get3A_289 : vector<1x16xf32> to vector<16xf32>
        %add3A_291 = arith.addf %add3A_284, %get3A_290 : vector<16xf32>
        %add3A_292 = arith.constant 5 : i32
        %add3A_293 = arith.addi %mul3A_146, %add3A_292 : i32
        %get3A_294 = arith.index_cast %add3A_293 : i32 to index
        %get3A_295 = arith.constant 32 : index
        %get3A_296 = tpu.vector_load %arg4[%get3A_294, %get3A_295] {strides = array<i32>} : memref<200x256xf32, #tpu.memory_space<vmem>>, vector<1x16xf32>,
        %get3A_297 = vector.shape_cast %get3A_296 : vector<1x16xf32> to vector<16xf32>
        %add3A_298 = arith.addf %add3A_291, %get3A_297 : vector<16xf32>
        %add3A_299 = arith.constant 6 : i32
        %add3A_300 = arith.addi %mul3A_146, %add3A_299 : i32
        %get3A_301 = arith.index_cast %add3A_300 : i32 to index
        %get3A_302 = arith.constant 32 : index
        %get3A_303 = tpu.vector_load %arg4[%get3A_301, %get3A_302] {strides = array<i32>} : memref<200x256xf32, #tpu.memory_space<vmem>>, vector<1x16xf32>,
        %get3A_304 = vector.shape_cast %get3A_303 : vector<1x16xf32> to vector<16xf32>
        %add3A_305 = arith.addf %add3A_298, %get3A_304 : vector<16xf32>
        %add3A_306 = arith.constant 7 : i32
        %add3A_307 = arith.addi %mul3A_146, %add3A_306 : i32
        %get3A_308 = arith.index_cast %add3A_307 : i32 to index
        %get3A_309 = arith.constant 32 : index
        %get3A_310 = tpu.vector_load %arg4[%get3A_308, %get3A_309] {strides = array<i32>} : memref<200x256xf32, #tpu.memory_space<vmem>>, vector<1x16xf32>,
        %get3A_311 = vector.shape_cast %get3A_310 : vector<1x16xf32> to vector<16xf32>
        %add3A_312 = arith.addf %add3A_305, %get3A_311 : vector<16xf32>
        %swap3A_313 = arith.constant 32 : index
        %swap3A_314 = tpu.vector_load %arg6[%swap3A_313] {strides = array<i32>} : memref<256xf32, #tpu.memory_space<vmem>>, vector<16xf32>,
        %swap3A_315 = vector.shape_cast %swap3A_314 : vector<16xf32> to vector<16xf32>
        %swap3A_316 = vector.shape_cast %add3A_312 : vector<16xf32> to vector<16xf32>
        tpu.vector_store %arg6[%swap3A_313], %swap3A_316 {add = true, strides = array<i32>} : memref<256xf32, #tpu.memory_space<vmem>>, vector<16xf32>,
        %get3A_317 = arith.index_cast %mul3A_146 : i32 to index
        %get3A_318 = arith.constant 48 : index
        %get3A_319 = tpu.vector_load %arg4[%get3A_317, %get3A_318] {strides = array<i32>} : memref<200x256xf32, #tpu.memory_space<vmem>>, vector<1x16xf32>,
        %get3A_320 = vector.shape_cast %get3A_319 : vector<1x16xf32> to vector<16xf32>
        %add3A_321 = arith.constant 1 : i32
        %add3A_322 = arith.addi %mul3A_146, %add3A_321 : i32
        %get3A_323 = arith.index_cast %add3A_322 : i32 to index
        %get3A_324 = arith.constant 48 : index
        %get3A_325 = tpu.vector_load %arg4[%get3A_323, %get3A_324] {strides = array<i32>} : memref<200x256xf32, #tpu.memory_space<vmem>>, vector<1x16xf32>,
        %get3A_326 = vector.shape_cast %get3A_325 : vector<1x16xf32> to vector<16xf32>
        %add3A_327 = arith.addf %get3A_320, %get3A_326 : vector<16xf32>
        %add3A_328 = arith.constant 2 : i32
        %add3A_329 = arith.addi %mul3A_146, %add3A_328 : i32
        %get3A_330 = arith.index_cast %add3A_329 : i32 to index
        %get3A_331 = arith.constant 48 : index
        %get3A_332 = tpu.vector_load %arg4[%get3A_330, %get3A_331] {strides = array<i32>} : memref<200x256xf32, #tpu.memory_space<vmem>>, vector<1x16xf32>,
        %get3A_333 = vector.shape_cast %get3A_332 : vector<1x16xf32> to vector<16xf32>
        %add3A_334 = arith.addf %add3A_327, %get3A_333 : vector<16xf32>
        %add3A_335 = arith.constant 3 : i32
        %add3A_336 = arith.addi %mul3A_146, %add3A_335 : i32
        %get3A_337 = arith.index_cast %add3A_336 : i32 to index
        %get3A_338 = arith.constant 48 : index
        %get3A_339 = tpu.vector_load %arg4[%get3A_337, %get3A_338] {strides = array<i32>} : memref<200x256xf32, #tpu.memory_space<vmem>>, vector<1x16xf32>,
        %get3A_340 = vector.shape_cast %get3A_339 : vector<1x16xf32> to vector<16xf32>
        %add3A_341 = arith.addf %add3A_334, %get3A_340 : vector<16xf32>
        %add3A_342 = arith.constant 4 : i32
        %add3A_343 = arith.addi %mul3A_146, %add3A_342 : i32
        %get3A_344 = arith.index_cast %add3A_343 : i32 to index
        %get3A_345 = arith.constant 48 : index
        %get3A_346 = tpu.vector_load %arg4[%get3A_344, %get3A_345] {strides = array<i32>} : memref<200x256xf32, #tpu.memory_space<vmem>>, vector<1x16xf32>,
        %get3A_347 = vector.shape_cast %get3A_346 : vector<1x16xf32> to vector<16xf32>
        %add3A_348 = arith.addf %add3A_341, %get3A_347 : vector<16xf32>
        %add3A_349 = arith.constant 5 : i32
        %add3A_350 = arith.addi %mul3A_146, %add3A_349 : i32
        %get3A_351 = arith.index_cast %add3A_350 : i32 to index
        %get3A_352 = arith.constant 48 : index
        %get3A_353 = tpu.vector_load %arg4[%get3A_351, %get3A_352] {strides = array<i32>} : memref<200x256xf32, #tpu.memory_space<vmem>>, vector<1x16xf32>,
        %get3A_354 = vector.shape_cast %get3A_353 : vector<1x16xf32> to vector<16xf32>
        %add3A_355 = arith.addf %add3A_348, %get3A_354 : vector<16xf32>
        %add3A_356 = arith.constant 6 : i32
        %add3A_357 = arith.addi %mul3A_146, %add3A_356 : i32
        %get3A_358 = arith.index_cast %add3A_357 : i32 to index
        %get3A_359 = arith.constant 48 : index
        %get3A_360 = tpu.vector_load %arg4[%get3A_358, %get3A_359] {strides = array<i32>} : memref<200x256xf32, #tpu.memory_space<vmem>>, vector<1x16xf32>,
        %get3A_361 = vector.shape_cast %get3A_360 : vector<1x16xf32> to vector<16xf32>
        %add3A_362 = arith.addf %add3A_355, %get3A_361 : vector<16xf32>
        %add3A_363 = arith.constant 7 : i32
        %add3A_364 = arith.addi %mul3A_146, %add3A_363 : i32
        %get3A_365 = arith.index_cast %add3A_364 : i32 to index
        %get3A_366 = arith.constant 48 : index
        %get3A_367 = tpu.vector_load %arg4[%get3A_365, %get3A_366] {strides = array<i32>} : memref<200x256xf32, #tpu.memory_space<vmem>>, vector<1x16xf32>,
        %get3A_368 = vector.shape_cast %get3A_367 : vector<1x16xf32> to vector<16xf32>
        %add3A_369 = arith.addf %add3A_362, %get3A_368 : vector<16xf32>
        %swap3A_370 = arith.constant 48 : index
        %swap3A_371 = tpu.vector_load %arg6[%swap3A_370] {strides = array<i32>} : memref<256xf32, #tpu.memory_space<vmem>>, vector<16xf32>,
        %swap3A_372 = vector.shape_cast %swap3A_371 : vector<16xf32> to vector<16xf32>
        %swap3A_373 = vector.shape_cast %add3A_369 : vector<16xf32> to vector<16xf32>
        tpu.vector_store %arg6[%swap3A_370], %swap3A_373 {add = true, strides = array<i32>} : memref<256xf32, #tpu.memory_space<vmem>>, vector<16xf32>,
        %get3A_374 = arith.index_cast %mul3A_146 : i32 to index
        %get3A_375 = arith.constant 64 : index
        %get3A_376 = tpu.vector_load %arg4[%get3A_374, %get3A_375] {strides = array<i32>} : memref<200x256xf32, #tpu.memory_space<vmem>>, vector<1x16xf32>,
        %get3A_377 = vector.shape_cast %get3A_376 : vector<1x16xf32> to vector<16xf32>
        %add3A_378 = arith.constant 1 : i32
        %add3A_379 = arith.addi %mul3A_146, %add3A_378 : i32
        %get3A_380 = arith.index_cast %add3A_379 : i32 to index
        %get3A_381 = arith.constant 64 : index
        %get3A_382 = tpu.vector_load %arg4[%get3A_380, %get3A_381] {strides = array<i32>} : memref<200x256xf32, #tpu.memory_space<vmem>>, vector<1x16xf32>,
        %get3A_383 = vector.shape_cast %get3A_382 : vector<1x16xf32> to vector<16xf32>
        %add3A_384 = arith.addf %get3A_377, %get3A_383 : vector<16xf32>
        %add3A_385 = arith.constant 2 : i32
        %add3A_386 = arith.addi %mul3A_146, %add3A_385 : i32
        %get3A_387 = arith.index_cast %add3A_386 : i32 to index
        %get3A_388 = arith.constant 64 : index
        %get3A_389 = tpu.vector_load %arg4[%get3A_387, %get3A_388] {strides = array<i32>} : memref<200x256xf32, #tpu.memory_space<vmem>>, vector<1x16xf32>,
        %get3A_390 = vector.shape_cast %get3A_389 : vector<1x16xf32> to vector<16xf32>
        %add3A_391 = arith.addf %add3A_384, %get3A_390 : vector<16xf32>
        %add3A_392 = arith.constant 3 : i32
        %add3A_393 = arith.addi %mul3A_146, %add3A_392 : i32
        %get3A_394 = arith.index_cast %add3A_393 : i32 to index
        %get3A_395 = arith.constant 64 : index
        %get3A_396 = tpu.vector_load %arg4[%get3A_394, %get3A_395] {strides = array<i32>} : memref<200x256xf32, #tpu.memory_space<vmem>>, vector<1x16xf32>,
        %get3A_397 = vector.shape_cast %get3A_396 : vector<1x16xf32> to vector<16xf32>
        %add3A_398 = arith.addf %add3A_391, %get3A_397 : vector<16xf32>
        %add3A_399 = arith.constant 4 : i32
        %add3A_400 = arith.addi %mul3A_146, %add3A_399 : i32
        %get3A_401 = arith.index_cast %add3A_400 : i32 to index
        %get3A_402 = arith.constant 64 : index
        %get3A_403 = tpu.vector_load %arg4[%get3A_401, %get3A_402] {strides = array<i32>} : memref<200x256xf32, #tpu.memory_space<vmem>>, vector<1x16xf32>,
        %get3A_404 = vector.shape_cast %get3A_403 : vector<1x16xf32> to vector<16xf32>
        %add3A_405 = arith.addf %add3A_398, %get3A_404 : vector<16xf32>
        %add3A_406 = arith.constant 5 : i32
        %add3A_407 = arith.addi %mul3A_146, %add3A_406 : i32
        %get3A_408 = arith.index_cast %add3A_407 : i32 to index
        %get3A_409 = arith.constant 64 : index
        %get3A_410 = tpu.vector_load %arg4[%get3A_408, %get3A_409] {strides = array<i32>} : memref<200x256xf32, #tpu.memory_space<vmem>>, vector<1x16xf32>,
        %get3A_411 = vector.shape_cast %get3A_410 : vector<1x16xf32> to vector<16xf32>
        %add3A_412 = arith.addf %add3A_405, %get3A_411 : vector<16xf32>
        %add3A_413 = arith.constant 6 : i32
        %add3A_414 = arith.addi %mul3A_146, %add3A_413 : i32
        %get3A_415 = arith.index_cast %add3A_414 : i32 to index
        %get3A_416 = arith.constant 64 : index
        %get3A_417 = tpu.vector_load %arg4[%get3A_415, %get3A_416] {strides = array<i32>} : memref<200x256xf32, #tpu.memory_space<vmem>>, vector<1x16xf32>,
        %get3A_418 = vector.shape_cast %get3A_417 : vector<1x16xf32> to vector<16xf32>
        %add3A_419 = arith.addf %add3A_412, %get3A_418 : vector<16xf32>
        %add3A_420 = arith.constant 7 : i32
        %add3A_421 = arith.addi %mul3A_146, %add3A_420 : i32
        %get3A_422 = arith.index_cast %add3A_421 : i32 to index
        %get3A_423 = arith.constant 64 : index
        %get3A_424 = tpu.vector_load %arg4[%get3A_422, %get3A_423] {strides = array<i32>} : memref<200x256xf32, #tpu.memory_space<vmem>>, vector<1x16xf32>,
        %get3A_425 = vector.shape_cast %get3A_424 : vector<1x16xf32> to vector<16xf32>
        %add3A_426 = arith.addf %add3A_419, %get3A_425 : vector<16xf32>
        %swap3A_427 = arith.constant 64 : index
        %swap3A_428 = tpu.vector_load %arg6[%swap3A_427] {strides = array<i32>} : memref<256xf32, #tpu.memory_space<vmem>>, vector<16xf32>,
        %swap3A_429 = vector.shape_cast %swap3A_428 : vector<16xf32> to vector<16xf32>
        %swap3A_430 = vector.shape_cast %add3A_426 : vector<16xf32> to vector<16xf32>
        tpu.vector_store %arg6[%swap3A_427], %swap3A_430 {add = true, strides = array<i32>} : memref<256xf32, #tpu.memory_space<vmem>>, vector<16xf32>,
        %get3A_431 = arith.index_cast %mul3A_146 : i32 to index
        %get3A_432 = arith.constant 80 : index
        %get3A_433 = tpu.vector_load %arg4[%get3A_431, %get3A_432] {strides = array<i32>} : memref<200x256xf32, #tpu.memory_space<vmem>>, vector<1x16xf32>,
        %get3A_434 = vector.shape_cast %get3A_433 : vector<1x16xf32> to vector<16xf32>
        %add3A_435 = arith.constant 1 : i32
        %add3A_436 = arith.addi %mul3A_146, %add3A_435 : i32
        %get3A_437 = arith.index_cast %add3A_436 : i32 to index
        %get3A_438 = arith.constant 80 : index
        %get3A_439 = tpu.vector_load %arg4[%get3A_437, %get3A_438] {strides = array<i32>} : memref<200x256xf32, #tpu.memory_space<vmem>>, vector<1x16xf32>,
        %get3A_440 = vector.shape_cast %get3A_439 : vector<1x16xf32> to vector<16xf32>
        %add3A_441 = arith.addf %get3A_434, %get3A_440 : vector<16xf32>
        %add3A_442 = arith.constant 2 : i32
        %add3A_443 = arith.addi %mul3A_146, %add3A_442 : i32
        %get3A_444 = arith.index_cast %add3A_443 : i32 to index
        %get3A_445 = arith.constant 80 : index
        %get3A_446 = tpu.vector_load %arg4[%get3A_444, %get3A_445] {strides = array<i32>} : memref<200x256xf32, #tpu.memory_space<vmem>>, vector<1x16xf32>,
        %get3A_447 = vector.shape_cast %get3A_446 : vector<1x16xf32> to vector<16xf32>
        %add3A_448 = arith.addf %add3A_441, %get3A_447 : vector<16xf32>
        %add3A_449 = arith.constant 3 : i32
        %add3A_450 = arith.addi %mul3A_146, %add3A_449 : i32
        %get3A_451 = arith.index_cast %add3A_450 : i32 to index
        %get3A_452 = arith.constant 80 : index
        %get3A_453 = tpu.vector_load %arg4[%get3A_451, %get3A_452] {strides = array<i32>} : memref<200x256xf32, #tpu.memory_space<vmem>>, vector<1x16xf32>,
        %get3A_454 = vector.shape_cast %get3A_453 : vector<1x16xf32> to vector<16xf32>
        %add3A_455 = arith.addf %add3A_448, %get3A_454 : vector<16xf32>
        %add3A_456 = arith.constant 4 : i32
        %add3A_457 = arith.addi %mul3A_146, %add3A_456 : i32
        %get3A_458 = arith.index_cast %add3A_457 : i32 to index
        %get3A_459 = arith.constant 80 : index
        %get3A_460 = tpu.vector_load %arg4[%get3A_458, %get3A_459] {strides = array<i32>} : memref<200x256xf32, #tpu.memory_space<vmem>>, vector<1x16xf32>,
        %get3A_461 = vector.shape_cast %get3A_460 : vector<1x16xf32> to vector<16xf32>
        %add3A_462 = arith.addf %add3A_455, %get3A_461 : vector<16xf32>
        %add3A_463 = arith.constant 5 : i32
        %add3A_464 = arith.addi %mul3A_146, %add3A_463 : i32
        %get3A_465 = arith.index_cast %add3A_464 : i32 to index
        %get3A_466 = arith.constant 80 : index
        %get3A_467 = tpu.vector_load %arg4[%get3A_465, %get3A_466] {strides = array<i32>} : memref<200x256xf32, #tpu.memory_space<vmem>>, vector<1x16xf32>,
        %get3A_468 = vector.shape_cast %get3A_467 : vector<1x16xf32> to vector<16xf32>
        %add3A_469 = arith.addf %add3A_462, %get3A_468 : vector<16xf32>
        %add3A_470 = arith.constant 6 : i32
        %add3A_471 = arith.addi %mul3A_146, %add3A_470 : i32
        %get3A_472 = arith.index_cast %add3A_471 : i32 to index
        %get3A_473 = arith.constant 80 : index
        %get3A_474 = tpu.vector_load %arg4[%get3A_472, %get3A_473] {strides = array<i32>} : memref<200x256xf32, #tpu.memory_space<vmem>>, vector<1x16xf32>,
        %get3A_475 = vector.shape_cast %get3A_474 : vector<1x16xf32> to vector<16xf32>
        %add3A_476 = arith.addf %add3A_469, %get3A_475 : vector<16xf32>
        %add3A_477 = arith.constant 7 : i32
        %add3A_478 = arith.addi %mul3A_146, %add3A_477 : i32
        %get3A_479 = arith.index_cast %add3A_478 : i32 to index
        %get3A_480 = arith.constant 80 : index
        %get3A_481 = tpu.vector_load %arg4[%get3A_479, %get3A_480] {strides = array<i32>} : memref<200x256xf32, #tpu.memory_space<vmem>>, vector<1x16xf32>,
        %get3A_482 = vector.shape_cast %get3A_481 : vector<1x16xf32> to vector<16xf32>
        %add3A_483 = arith.addf %add3A_476, %get3A_482 : vector<16xf32>
        %swap3A_484 = arith.constant 80 : index
        %swap3A_485 = tpu.vector_load %arg6[%swap3A_484] {strides = array<i32>} : memref<256xf32, #tpu.memory_space<vmem>>, vector<16xf32>,
        %swap3A_486 = vector.shape_cast %swap3A_485 : vector<16xf32> to vector<16xf32>
        %swap3A_487 = vector.shape_cast %add3A_483 : vector<16xf32> to vector<16xf32>
        tpu.vector_store %arg6[%swap3A_484], %swap3A_487 {add = true, strides = array<i32>} : memref<256xf32, #tpu.memory_space<vmem>>, vector<16xf32>,
        %get3A_488 = arith.index_cast %mul3A_146 : i32 to index
        %get3A_489 = arith.constant 96 : index
        %get3A_490 = tpu.vector_load %arg4[%get3A_488, %get3A_489] {strides = array<i32>} : memref<200x256xf32, #tpu.memory_space<vmem>>, vector<1x16xf32>,
        %get3A_491 = vector.shape_cast %get3A_490 : vector<1x16xf32> to vector<16xf32>
        %add3A_492 = arith.constant 1 : i32
        %add3A_493 = arith.addi %mul3A_146, %add3A_492 : i32
        %get3A_494 = arith.index_cast %add3A_493 : i32 to index
        %get3A_495 = arith.constant 96 : index
        %get3A_496 = tpu.vector_load %arg4[%get3A_494, %get3A_495] {strides = array<i32>} : memref<200x256xf32, #tpu.memory_space<vmem>>, vector<1x16xf32>,
        %get3A_497 = vector.shape_cast %get3A_496 : vector<1x16xf32> to vector<16xf32>
        %add3A_498 = arith.addf %get3A_491, %get3A_497 : vector<16xf32>
        %add3A_499 = arith.constant 2 : i32
        %add3A_500 = arith.addi %mul3A_146, %add3A_499 : i32
        %get3A_501 = arith.index_cast %add3A_500 : i32 to index
        %get3A_502 = arith.constant 96 : index
        %get3A_503 = tpu.vector_load %arg4[%get3A_501, %get3A_502] {strides = array<i32>} : memref<200x256xf32, #tpu.memory_space<vmem>>, vector<1x16xf32>,
        %get3A_504 = vector.shape_cast %get3A_503 : vector<1x16xf32> to vector<16xf32>
        %add3A_505 = arith.addf %add3A_498, %get3A_504 : vector<16xf32>
        %add3A_506 = arith.constant 3 : i32
        %add3A_507 = arith.addi %mul3A_146, %add3A_506 : i32
        %get3A_508 = arith.index_cast %add3A_507 : i32 to index
        %get3A_509 = arith.constant 96 : index
        %get3A_510 = tpu.vector_load %arg4[%get3A_508, %get3A_509] {strides = array<i32>} : memref<200x256xf32, #tpu.memory_space<vmem>>, vector<1x16xf32>,
        %get3A_511 = vector.shape_cast %get3A_510 : vector<1x16xf32> to vector<16xf32>
        %add3A_512 = arith.addf %add3A_505, %get3A_511 : vector<16xf32>
        %add3A_513 = arith.constant 4 : i32
        %add3A_514 = arith.addi %mul3A_146, %add3A_513 : i32
        %get3A_515 = arith.index_cast %add3A_514 : i32 to index
        %get3A_516 = arith.constant 96 : index
        %get3A_517 = tpu.vector_load %arg4[%get3A_515, %get3A_516] {strides = array<i32>} : memref<200x256xf32, #tpu.memory_space<vmem>>, vector<1x16xf32>,
        %get3A_518 = vector.shape_cast %get3A_517 : vector<1x16xf32> to vector<16xf32>
        %add3A_519 = arith.addf %add3A_512, %get3A_518 : vector<16xf32>
        %add3A_520 = arith.constant 5 : i32
        %add3A_521 = arith.addi %mul3A_146, %add3A_520 : i32
        %get3A_522 = arith.index_cast %add3A_521 : i32 to index
        %get3A_523 = arith.constant 96 : index
        %get3A_524 = tpu.vector_load %arg4[%get3A_522, %get3A_523] {strides = array<i32>} : memref<200x256xf32, #tpu.memory_space<vmem>>, vector<1x16xf32>,
        %get3A_525 = vector.shape_cast %get3A_524 : vector<1x16xf32> to vector<16xf32>
        %add3A_526 = arith.addf %add3A_519, %get3A_525 : vector<16xf32>
        %add3A_527 = arith.constant 6 : i32
        %add3A_528 = arith.addi %mul3A_146, %add3A_527 : i32
        %get3A_529 = arith.index_cast %add3A_528 : i32 to index
        %get3A_530 = arith.constant 96 : index
        %get3A_531 = tpu.vector_load %arg4[%get3A_529, %get3A_530] {strides = array<i32>} : memref<200x256xf32, #tpu.memory_space<vmem>>, vector<1x16xf32>,
        %get3A_532 = vector.shape_cast %get3A_531 : vector<1x16xf32> to vector<16xf32>
        %add3A_533 = arith.addf %add3A_526, %get3A_532 : vector<16xf32>
        %add3A_534 = arith.constant 7 : i32
        %add3A_535 = arith.addi %mul3A_146, %add3A_534 : i32
        %get3A_536 = arith.index_cast %add3A_535 : i32 to index
        %get3A_537 = arith.constant 96 : index
        %get3A_538 = tpu.vector_load %arg4[%get3A_536, %get3A_537] {strides = array<i32>} : memref<200x256xf32, #tpu.memory_space<vmem>>, vector<1x16xf32>,
        %get3A_539 = vector.shape_cast %get3A_538 : vector<1x16xf32> to vector<16xf32>
        %add3A_540 = arith.addf %add3A_533, %get3A_539 : vector<16xf32>
        %swap3A_541 = arith.constant 96 : index
        %swap3A_542 = tpu.vector_load %arg6[%swap3A_541] {strides = array<i32>} : memref<256xf32, #tpu.memory_space<vmem>>, vector<16xf32>,
        %swap3A_543 = vector.shape_cast %swap3A_542 : vector<16xf32> to vector<16xf32>
        %swap3A_544 = vector.shape_cast %add3A_540 : vector<16xf32> to vector<16xf32>
        tpu.vector_store %arg6[%swap3A_541], %swap3A_544 {add = true, strides = array<i32>} : memref<256xf32, #tpu.memory_space<vmem>>, vector<16xf32>,
        %get3A_545 = arith.index_cast %mul3A_146 : i32 to index
        %get3A_546 = arith.constant 112 : index
        %get3A_547 = tpu.vector_load %arg4[%get3A_545, %get3A_546] {strides = array<i32>} : memref<200x256xf32, #tpu.memory_space<vmem>>, vector<1x16xf32>,
        %get3A_548 = vector.shape_cast %get3A_547 : vector<1x16xf32> to vector<16xf32>
        %add3A_549 = arith.constant 1 : i32
        %add3A_550 = arith.addi %mul3A_146, %add3A_549 : i32
        %get3A_551 = arith.index_cast %add3A_550 : i32 to index
        %get3A_552 = arith.constant 112 : index
        %get3A_553 = tpu.vector_load %arg4[%get3A_551, %get3A_552] {strides = array<i32>} : memref<200x256xf32, #tpu.memory_space<vmem>>, vector<1x16xf32>,
        %get3A_554 = vector.shape_cast %get3A_553 : vector<1x16xf32> to vector<16xf32>
        %add3A_555 = arith.addf %get3A_548, %get3A_554 : vector<16xf32>
        %add3A_556 = arith.constant 2 : i32
        %add3A_557 = arith.addi %mul3A_146, %add3A_556 : i32
        %get3A_558 = arith.index_cast %add3A_557 : i32 to index
        %get3A_559 = arith.constant 112 : index
        %get3A_560 = tpu.vector_load %arg4[%get3A_558, %get3A_559] {strides = array<i32>} : memref<200x256xf32, #tpu.memory_space<vmem>>, vector<1x16xf32>,
        %get3A_561 = vector.shape_cast %get3A_560 : vector<1x16xf32> to vector<16xf32>
        %add3A_562 = arith.addf %add3A_555, %get3A_561 : vector<16xf32>
        %add3A_563 = arith.constant 3 : i32
        %add3A_564 = arith.addi %mul3A_146, %add3A_563 : i32
        %get3A_565 = arith.index_cast %add3A_564 : i32 to index
        %get3A_566 = arith.constant 112 : index
        %get3A_567 = tpu.vector_load %arg4[%get3A_565, %get3A_566] {strides = array<i32>} : memref<200x256xf32, #tpu.memory_space<vmem>>, vector<1x16xf32>,
        %get3A_568 = vector.shape_cast %get3A_567 : vector<1x16xf32> to vector<16xf32>
        %add3A_569 = arith.addf %add3A_562, %get3A_568 : vector<16xf32>
        %add3A_570 = arith.constant 4 : i32
        %add3A_571 = arith.addi %mul3A_146, %add3A_570 : i32
        %get3A_572 = arith.index_cast %add3A_571 : i32 to index
        %get3A_573 = arith.constant 112 : index
        %get3A_574 = tpu.vector_load %arg4[%get3A_572, %get3A_573] {strides = array<i32>} : memref<200x256xf32, #tpu.memory_space<vmem>>, vector<1x16xf32>,
        %get3A_575 = vector.shape_cast %get3A_574 : vector<1x16xf32> to vector<16xf32>
        %add3A_576 = arith.addf %add3A_569, %get3A_575 : vector<16xf32>
        %add3A_577 = arith.constant 5 : i32
        %add3A_578 = arith.addi %mul3A_146, %add3A_577 : i32
        %get3A_579 = arith.index_cast %add3A_578 : i32 to index
        %get3A_580 = arith.constant 112 : index
        %get3A_581 = tpu.vector_load %arg4[%get3A_579, %get3A_580] {strides = array<i32>} : memref<200x256xf32, #tpu.memory_space<vmem>>, vector<1x16xf32>,
        %get3A_582 = vector.shape_cast %get3A_581 : vector<1x16xf32> to vector<16xf32>
        %add3A_583 = arith.addf %add3A_576, %get3A_582 : vector<16xf32>
        %add3A_584 = arith.constant 6 : i32
        %add3A_585 = arith.addi %mul3A_146, %add3A_584 : i32
        %get3A_586 = arith.index_cast %add3A_585 : i32 to index
        %get3A_587 = arith.constant 112 : index
        %get3A_588 = tpu.vector_load %arg4[%get3A_586, %get3A_587] {strides = array<i32>} : memref<200x256xf32, #tpu.memory_space<vmem>>, vector<1x16xf32>,
        %get3A_589 = vector.shape_cast %get3A_588 : vector<1x16xf32> to vector<16xf32>
        %add3A_590 = arith.addf %add3A_583, %get3A_589 : vector<16xf32>
        %add3A_591 = arith.constant 7 : i32
        %add3A_592 = arith.addi %mul3A_146, %add3A_591 : i32
        %get3A_593 = arith.index_cast %add3A_592 : i32 to index
        %get3A_594 = arith.constant 112 : index
        %get3A_595 = tpu.vector_load %arg4[%get3A_593, %get3A_594] {strides = array<i32>} : memref<200x256xf32, #tpu.memory_space<vmem>>, vector<1x16xf32>,
        %get3A_596 = vector.shape_cast %get3A_595 : vector<1x16xf32> to vector<16xf32>
        %add3A_597 = arith.addf %add3A_590, %get3A_596 : vector<16xf32>
        %swap3A_598 = arith.constant 112 : index
        %swap3A_599 = tpu.vector_load %arg6[%swap3A_598] {strides = array<i32>} : memref<256xf32, #tpu.memory_space<vmem>>, vector<16xf32>,
        %swap3A_600 = vector.shape_cast %swap3A_599 : vector<16xf32> to vector<16xf32>
        %swap3A_601 = vector.shape_cast %add3A_597 : vector<16xf32> to vector<16xf32>
        tpu.vector_store %arg6[%swap3A_598], %swap3A_601 {add = true, strides = array<i32>} : memref<256xf32, #tpu.memory_space<vmem>>, vector<16xf32>,
        %get3A_602 = arith.index_cast %mul3A_146 : i32 to index
        %get3A_603 = arith.constant 128 : index
        %get3A_604 = tpu.vector_load %arg4[%get3A_602, %get3A_603] {strides = array<i32>} : memref<200x256xf32, #tpu.memory_space<vmem>>, vector<1x16xf32>,
        %get3A_605 = vector.shape_cast %get3A_604 : vector<1x16xf32> to vector<16xf32>
        %add3A_606 = arith.constant 1 : i32
        %add3A_607 = arith.addi %mul3A_146, %add3A_606 : i32
        %get3A_608 = arith.index_cast %add3A_607 : i32 to index
        %get3A_609 = arith.constant 128 : index
        %get3A_610 = tpu.vector_load %arg4[%get3A_608, %get3A_609] {strides = array<i32>} : memref<200x256xf32, #tpu.memory_space<vmem>>, vector<1x16xf32>,
        %get3A_611 = vector.shape_cast %get3A_610 : vector<1x16xf32> to vector<16xf32>
        %add3A_612 = arith.addf %get3A_605, %get3A_611 : vector<16xf32>
        %add3A_613 = arith.constant 2 : i32
        %add3A_614 = arith.addi %mul3A_146, %add3A_613 : i32
        %get3A_615 = arith.index_cast %add3A_614 : i32 to index
        %get3A_616 = arith.constant 128 : index
        %get3A_617 = tpu.vector_load %arg4[%get3A_615, %get3A_616] {strides = array<i32>} : memref<200x256xf32, #tpu.memory_space<vmem>>, vector<1x16xf32>,
        %get3A_618 = vector.shape_cast %get3A_617 : vector<1x16xf32> to vector<16xf32>
        %add3A_619 = arith.addf %add3A_612, %get3A_618 : vector<16xf32>
        %add3A_620 = arith.constant 3 : i32
        %add3A_621 = arith.addi %mul3A_146, %add3A_620 : i32
        %get3A_622 = arith.index_cast %add3A_621 : i32 to index
        %get3A_623 = arith.constant 128 : index
        %get3A_624 = tpu.vector_load %arg4[%get3A_622, %get3A_623] {strides = array<i32>} : memref<200x256xf32, #tpu.memory_space<vmem>>, vector<1x16xf32>,
        %get3A_625 = vector.shape_cast %get3A_624 : vector<1x16xf32> to vector<16xf32>
        %add3A_626 = arith.addf %add3A_619, %get3A_625 : vector<16xf32>
        %add3A_627 = arith.constant 4 : i32
        %add3A_628 = arith.addi %mul3A_146, %add3A_627 : i32
        %get3A_629 = arith.index_cast %add3A_628 : i32 to index
        %get3A_630 = arith.constant 128 : index
        %get3A_631 = tpu.vector_load %arg4[%get3A_629, %get3A_630] {strides = array<i32>} : memref<200x256xf32, #tpu.memory_space<vmem>>, vector<1x16xf32>,
        %get3A_632 = vector.shape_cast %get3A_631 : vector<1x16xf32> to vector<16xf32>
        %add3A_633 = arith.addf %add3A_626, %get3A_632 : vector<16xf32>
        %add3A_634 = arith.constant 5 : i32
        %add3A_635 = arith.addi %mul3A_146, %add3A_634 : i32
        %get3A_636 = arith.index_cast %add3A_635 : i32 to index
        %get3A_637 = arith.constant 128 : index
        %get3A_638 = tpu.vector_load %arg4[%get3A_636, %get3A_637] {strides = array<i32>} : memref<200x256xf32, #tpu.memory_space<vmem>>, vector<1x16xf32>,
        %get3A_639 = vector.shape_cast %get3A_638 : vector<1x16xf32> to vector<16xf32>
        %add3A_640 = arith.addf %add3A_633, %get3A_639 : vector<16xf32>
        %add3A_641 = arith.constant 6 : i32
        %add3A_642 = arith.addi %mul3A_146, %add3A_641 : i32
        %get3A_643 = arith.index_cast %add3A_642 : i32 to index
        %get3A_644 = arith.constant 128 : index
        %get3A_645 = tpu.vector_load %arg4[%get3A_643, %get3A_644] {strides = array<i32>} : memref<200x256xf32, #tpu.memory_space<vmem>>, vector<1x16xf32>,
        %get3A_646 = vector.shape_cast %get3A_645 : vector<1x16xf32> to vector<16xf32>
        %add3A_647 = arith.addf %add3A_640, %get3A_646 : vector<16xf32>
        %add3A_648 = arith.constant 7 : i32
        %add3A_649 = arith.addi %mul3A_146, %add3A_648 : i32
        %get3A_650 = arith.index_cast %add3A_649 : i32 to index
        %get3A_651 = arith.constant 128 : index
        %get3A_652 = tpu.vector_load %arg4[%get3A_650, %get3A_651] {strides = array<i32>} : memref<200x256xf32, #tpu.memory_space<vmem>>, vector<1x16xf32>,
        %get3A_653 = vector.shape_cast %get3A_652 : vector<1x16xf32> to vector<16xf32>
        %add3A_654 = arith.addf %add3A_647, %get3A_653 : vector<16xf32>
        %swap3A_655 = arith.constant 128 : index
        %swap3A_656 = tpu.vector_load %arg6[%swap3A_655] {strides = array<i32>} : memref<256xf32, #tpu.memory_space<vmem>>, vector<16xf32>,
        %swap3A_657 = vector.shape_cast %swap3A_656 : vector<16xf32> to vector<16xf32>
        %swap3A_658 = vector.shape_cast %add3A_654 : vector<16xf32> to vector<16xf32>
        tpu.vector_store %arg6[%swap3A_655], %swap3A_658 {add = true, strides = array<i32>} : memref<256xf32, #tpu.memory_space<vmem>>, vector<16xf32>,
        %get3A_659 = arith.index_cast %mul3A_146 : i32 to index
        %get3A_660 = arith.constant 144 : index
        %get3A_661 = tpu.vector_load %arg4[%get3A_659, %get3A_660] {strides = array<i32>} : memref<200x256xf32, #tpu.memory_space<vmem>>, vector<1x16xf32>,
        %get3A_662 = vector.shape_cast %get3A_661 : vector<1x16xf32> to vector<16xf32>
        %add3A_663 = arith.constant 1 : i32
        %add3A_664 = arith.addi %mul3A_146, %add3A_663 : i32
        %get3A_665 = arith.index_cast %add3A_664 : i32 to index
        %get3A_666 = arith.constant 144 : index
        %get3A_667 = tpu.vector_load %arg4[%get3A_665, %get3A_666] {strides = array<i32>} : memref<200x256xf32, #tpu.memory_space<vmem>>, vector<1x16xf32>,
        %get3A_668 = vector.shape_cast %get3A_667 : vector<1x16xf32> to vector<16xf32>
        %add3A_669 = arith.addf %get3A_662, %get3A_668 : vector<16xf32>
        %add3A_670 = arith.constant 2 : i32
        %add3A_671 = arith.addi %mul3A_146, %add3A_670 : i32
        %get3A_672 = arith.index_cast %add3A_671 : i32 to index
        %get3A_673 = arith.constant 144 : index
        %get3A_674 = tpu.vector_load %arg4[%get3A_672, %get3A_673] {strides = array<i32>} : memref<200x256xf32, #tpu.memory_space<vmem>>, vector<1x16xf32>,
        %get3A_675 = vector.shape_cast %get3A_674 : vector<1x16xf32> to vector<16xf32>
        %add3A_676 = arith.addf %add3A_669, %get3A_675 : vector<16xf32>
        %add3A_677 = arith.constant 3 : i32
        %add3A_678 = arith.addi %mul3A_146, %add3A_677 : i32
        %get3A_679 = arith.index_cast %add3A_678 : i32 to index
        %get3A_680 = arith.constant 144 : index
        %get3A_681 = tpu.vector_load %arg4[%get3A_679, %get3A_680] {strides = array<i32>} : memref<200x256xf32, #tpu.memory_space<vmem>>, vector<1x16xf32>,
        %get3A_682 = vector.shape_cast %get3A_681 : vector<1x16xf32> to vector<16xf32>
        %add3A_683 = arith.addf %add3A_676, %get3A_682 : vector<16xf32>
        %add3A_684 = arith.constant 4 : i32
        %add3A_685 = arith.addi %mul3A_146, %add3A_684 : i32
        %get3A_686 = arith.index_cast %add3A_685 : i32 to index
        %get3A_687 = arith.constant 144 : index
        %get3A_688 = tpu.vector_load %arg4[%get3A_686, %get3A_687] {strides = array<i32>} : memref<200x256xf32, #tpu.memory_space<vmem>>, vector<1x16xf32>,
        %get3A_689 = vector.shape_cast %get3A_688 : vector<1x16xf32> to vector<16xf32>
        %add3A_690 = arith.addf %add3A_683, %get3A_689 : vector<16xf32>
        %add3A_691 = arith.constant 5 : i32
        %add3A_692 = arith.addi %mul3A_146, %add3A_691 : i32
        %get3A_693 = arith.index_cast %add3A_692 : i32 to index
        %get3A_694 = arith.constant 144 : index
        %get3A_695 = tpu.vector_load %arg4[%get3A_693, %get3A_694] {strides = array<i32>} : memref<200x256xf32, #tpu.memory_space<vmem>>, vector<1x16xf32>,
        %get3A_696 = vector.shape_cast %get3A_695 : vector<1x16xf32> to vector<16xf32>
        %add3A_697 = arith.addf %add3A_690, %get3A_696 : vector<16xf32>
        %add3A_698 = arith.constant 6 : i32
        %add3A_699 = arith.addi %mul3A_146, %add3A_698 : i32
        %get3A_700 = arith.index_cast %add3A_699 : i32 to index
        %get3A_701 = arith.constant 144 : index
        %get3A_702 = tpu.vector_load %arg4[%get3A_700, %get3A_701] {strides = array<i32>} : memref<200x256xf32, #tpu.memory_space<vmem>>, vector<1x16xf32>,
        %get3A_703 = vector.shape_cast %get3A_702 : vector<1x16xf32> to vector<16xf32>
        %add3A_704 = arith.addf %add3A_697, %get3A_703 : vector<16xf32>
        %add3A_705 = arith.constant 7 : i32
        %add3A_706 = arith.addi %mul3A_146, %add3A_705 : i32
        %get3A_707 = arith.index_cast %add3A_706 : i32 to index
        %get3A_708 = arith.constant 144 : index
        %get3A_709 = tpu.vector_load %arg4[%get3A_707, %get3A_708] {strides = array<i32>} : memref<200x256xf32, #tpu.memory_space<vmem>>, vector<1x16xf32>,
        %get3A_710 = vector.shape_cast %get3A_709 : vector<1x16xf32> to vector<16xf32>
        %add3A_711 = arith.addf %add3A_704, %get3A_710 : vector<16xf32>
        %swap3A_712 = arith.constant 144 : index
        %swap3A_713 = tpu.vector_load %arg6[%swap3A_712] {strides = array<i32>} : memref<256xf32, #tpu.memory_space<vmem>>, vector<16xf32>,
        %swap3A_714 = vector.shape_cast %swap3A_713 : vector<16xf32> to vector<16xf32>
        %swap3A_715 = vector.shape_cast %add3A_711 : vector<16xf32> to vector<16xf32>
        tpu.vector_store %arg6[%swap3A_712], %swap3A_715 {add = true, strides = array<i32>} : memref<256xf32, #tpu.memory_space<vmem>>, vector<16xf32>,
        %get3A_716 = arith.index_cast %mul3A_146 : i32 to index
        %get3A_717 = arith.constant 160 : index
        %get3A_718 = tpu.vector_load %arg4[%get3A_716, %get3A_717] {strides = array<i32>} : memref<200x256xf32, #tpu.memory_space<vmem>>, vector<1x16xf32>,
        %get3A_719 = vector.shape_cast %get3A_718 : vector<1x16xf32> to vector<16xf32>
        %add3A_720 = arith.constant 1 : i32
        %add3A_721 = arith.addi %mul3A_146, %add3A_720 : i32
        %get3A_722 = arith.index_cast %add3A_721 : i32 to index
        %get3A_723 = arith.constant 160 : index
        %get3A_724 = tpu.vector_load %arg4[%get3A_722, %get3A_723] {strides = array<i32>} : memref<200x256xf32, #tpu.memory_space<vmem>>, vector<1x16xf32>,
        %get3A_725 = vector.shape_cast %get3A_724 : vector<1x16xf32> to vector<16xf32>
        %add3A_726 = arith.addf %get3A_719, %get3A_725 : vector<16xf32>
        %add3A_727 = arith.constant 2 : i32
        %add3A_728 = arith.addi %mul3A_146, %add3A_727 : i32
        %get3A_729 = arith.index_cast %add3A_728 : i32 to index
        %get3A_730 = arith.constant 160 : index
        %get3A_731 = tpu.vector_load %arg4[%get3A_729, %get3A_730] {strides = array<i32>} : memref<200x256xf32, #tpu.memory_space<vmem>>, vector<1x16xf32>,
        %get3A_732 = vector.shape_cast %get3A_731 : vector<1x16xf32> to vector<16xf32>
        %add3A_733 = arith.addf %add3A_726, %get3A_732 : vector<16xf32>
        %add3A_734 = arith.constant 3 : i32
        %add3A_735 = arith.addi %mul3A_146, %add3A_734 : i32
        %get3A_736 = arith.index_cast %add3A_735 : i32 to index
        %get3A_737 = arith.constant 160 : index
        %get3A_738 = tpu.vector_load %arg4[%get3A_736, %get3A_737] {strides = array<i32>} : memref<200x256xf32, #tpu.memory_space<vmem>>, vector<1x16xf32>,
        %get3A_739 = vector.shape_cast %get3A_738 : vector<1x16xf32> to vector<16xf32>
        %add3A_740 = arith.addf %add3A_733, %get3A_739 : vector<16xf32>
        %add3A_741 = arith.constant 4 : i32
        %add3A_742 = arith.addi %mul3A_146, %add3A_741 : i32
        %get3A_743 = arith.index_cast %add3A_742 : i32 to index
        %get3A_744 = arith.constant 160 : index
        %get3A_745 = tpu.vector_load %arg4[%get3A_743, %get3A_744] {strides = array<i32>} : memref<200x256xf32, #tpu.memory_space<vmem>>, vector<1x16xf32>,
        %get3A_746 = vector.shape_cast %get3A_745 : vector<1x16xf32> to vector<16xf32>
        %add3A_747 = arith.addf %add3A_740, %get3A_746 : vector<16xf32>
        %add3A_748 = arith.constant 5 : i32
        %add3A_749 = arith.addi %mul3A_146, %add3A_748 : i32
        %get3A_750 = arith.index_cast %add3A_749 : i32 to index
        %get3A_751 = arith.constant 160 : index
        %get3A_752 = tpu.vector_load %arg4[%get3A_750, %get3A_751] {strides = array<i32>} : memref<200x256xf32, #tpu.memory_space<vmem>>, vector<1x16xf32>,
        %get3A_753 = vector.shape_cast %get3A_752 : vector<1x16xf32> to vector<16xf32>
        %add3A_754 = arith.addf %add3A_747, %get3A_753 : vector<16xf32>
        %add3A_755 = arith.constant 6 : i32
        %add3A_756 = arith.addi %mul3A_146, %add3A_755 : i32
        %get3A_757 = arith.index_cast %add3A_756 : i32 to index
        %get3A_758 = arith.constant 160 : index
        %get3A_759 = tpu.vector_load %arg4[%get3A_757, %get3A_758] {strides = array<i32>} : memref<200x256xf32, #tpu.memory_space<vmem>>, vector<1x16xf32>,
        %get3A_760 = vector.shape_cast %get3A_759 : vector<1x16xf32> to vector<16xf32>
        %add3A_761 = arith.addf %add3A_754, %get3A_760 : vector<16xf32>
        %add3A_762 = arith.constant 7 : i32
        %add3A_763 = arith.addi %mul3A_146, %add3A_762 : i32
        %get3A_764 = arith.index_cast %add3A_763 : i32 to index
        %get3A_765 = arith.constant 160 : index
        %get3A_766 = tpu.vector_load %arg4[%get3A_764, %get3A_765] {strides = array<i32>} : memref<200x256xf32, #tpu.memory_space<vmem>>, vector<1x16xf32>,
        %get3A_767 = vector.shape_cast %get3A_766 : vector<1x16xf32> to vector<16xf32>
        %add3A_768 = arith.addf %add3A_761, %get3A_767 : vector<16xf32>
        %swap3A_769 = arith.constant 160 : index
        %swap3A_770 = tpu.vector_load %arg6[%swap3A_769] {strides = array<i32>} : memref<256xf32, #tpu.memory_space<vmem>>, vector<16xf32>,
        %swap3A_771 = vector.shape_cast %swap3A_770 : vector<16xf32> to vector<16xf32>
        %swap3A_772 = vector.shape_cast %add3A_768 : vector<16xf32> to vector<16xf32>
        tpu.vector_store %arg6[%swap3A_769], %swap3A_772 {add = true, strides = array<i32>} : memref<256xf32, #tpu.memory_space<vmem>>, vector<16xf32>,
        %get3A_773 = arith.index_cast %mul3A_146 : i32 to index
        %get3A_774 = arith.constant 176 : index
        %get3A_775 = tpu.vector_load %arg4[%get3A_773, %get3A_774] {strides = array<i32>} : memref<200x256xf32, #tpu.memory_space<vmem>>, vector<1x16xf32>,
        %get3A_776 = vector.shape_cast %get3A_775 : vector<1x16xf32> to vector<16xf32>
        %add3A_777 = arith.constant 1 : i32
        %add3A_778 = arith.addi %mul3A_146, %add3A_777 : i32
        %get3A_779 = arith.index_cast %add3A_778 : i32 to index
        %get3A_780 = arith.constant 176 : index
        %get3A_781 = tpu.vector_load %arg4[%get3A_779, %get3A_780] {strides = array<i32>} : memref<200x256xf32, #tpu.memory_space<vmem>>, vector<1x16xf32>,
        %get3A_782 = vector.shape_cast %get3A_781 : vector<1x16xf32> to vector<16xf32>
        %add3A_783 = arith.addf %get3A_776, %get3A_782 : vector<16xf32>
        %add3A_784 = arith.constant 2 : i32
        %add3A_785 = arith.addi %mul3A_146, %add3A_784 : i32
        %get3A_786 = arith.index_cast %add3A_785 : i32 to index
        %get3A_787 = arith.constant 176 : index
        %get3A_788 = tpu.vector_load %arg4[%get3A_786, %get3A_787] {strides = array<i32>} : memref<200x256xf32, #tpu.memory_space<vmem>>, vector<1x16xf32>,
        %get3A_789 = vector.shape_cast %get3A_788 : vector<1x16xf32> to vector<16xf32>
        %add3A_790 = arith.addf %add3A_783, %get3A_789 : vector<16xf32>
        %add3A_791 = arith.constant 3 : i32
        %add3A_792 = arith.addi %mul3A_146, %add3A_791 : i32
        %get3A_793 = arith.index_cast %add3A_792 : i32 to index
        %get3A_794 = arith.constant 176 : index
        %get3A_795 = tpu.vector_load %arg4[%get3A_793, %get3A_794] {strides = array<i32>} : memref<200x256xf32, #tpu.memory_space<vmem>>, vector<1x16xf32>,
        %get3A_796 = vector.shape_cast %get3A_795 : vector<1x16xf32> to vector<16xf32>
        %add3A_797 = arith.addf %add3A_790, %get3A_796 : vector<16xf32>
        %add3A_798 = arith.constant 4 : i32
        %add3A_799 = arith.addi %mul3A_146, %add3A_798 : i32
        %get3A_800 = arith.index_cast %add3A_799 : i32 to index
        %get3A_801 = arith.constant 176 : index
        %get3A_802 = tpu.vector_load %arg4[%get3A_800, %get3A_801] {strides = array<i32>} : memref<200x256xf32, #tpu.memory_space<vmem>>, vector<1x16xf32>,
        %get3A_803 = vector.shape_cast %get3A_802 : vector<1x16xf32> to vector<16xf32>
        %add3A_804 = arith.addf %add3A_797, %get3A_803 : vector<16xf32>
        %add3A_805 = arith.constant 5 : i32
        %add3A_806 = arith.addi %mul3A_146, %add3A_805 : i32
        %get3A_807 = arith.index_cast %add3A_806 : i32 to index
        %get3A_808 = arith.constant 176 : index
        %get3A_809 = tpu.vector_load %arg4[%get3A_807, %get3A_808] {strides = array<i32>} : memref<200x256xf32, #tpu.memory_space<vmem>>, vector<1x16xf32>,
        %get3A_810 = vector.shape_cast %get3A_809 : vector<1x16xf32> to vector<16xf32>
        %add3A_811 = arith.addf %add3A_804, %get3A_810 : vector<16xf32>
        %add3A_812 = arith.constant 6 : i32
        %add3A_813 = arith.addi %mul3A_146, %add3A_812 : i32
        %get3A_814 = arith.index_cast %add3A_813 : i32 to index
        %get3A_815 = arith.constant 176 : index
        %get3A_816 = tpu.vector_load %arg4[%get3A_814, %get3A_815] {strides = array<i32>} : memref<200x256xf32, #tpu.memory_space<vmem>>, vector<1x16xf32>,
        %get3A_817 = vector.shape_cast %get3A_816 : vector<1x16xf32> to vector<16xf32>
        %add3A_818 = arith.addf %add3A_811, %get3A_817 : vector<16xf32>
        %add3A_819 = arith.constant 7 : i32
        %add3A_820 = arith.addi %mul3A_146, %add3A_819 : i32
        %get3A_821 = arith.index_cast %add3A_820 : i32 to index
        %get3A_822 = arith.constant 176 : index
        %get3A_823 = tpu.vector_load %arg4[%get3A_821, %get3A_822] {strides = array<i32>} : memref<200x256xf32, #tpu.memory_space<vmem>>, vector<1x16xf32>,
        %get3A_824 = vector.shape_cast %get3A_823 : vector<1x16xf32> to vector<16xf32>
        %add3A_825 = arith.addf %add3A_818, %get3A_824 : vector<16xf32>
        %swap3A_826 = arith.constant 176 : index
        %swap3A_827 = tpu.vector_load %arg6[%swap3A_826] {strides = array<i32>} : memref<256xf32, #tpu.memory_space<vmem>>, vector<16xf32>,
        %swap3A_828 = vector.shape_cast %swap3A_827 : vector<16xf32> to vector<16xf32>
        %swap3A_829 = vector.shape_cast %add3A_825 : vector<16xf32> to vector<16xf32>
        tpu.vector_store %arg6[%swap3A_826], %swap3A_829 {add = true, strides = array<i32>} : memref<256xf32, #tpu.memory_space<vmem>>, vector<16xf32>,
        %get3A_830 = arith.index_cast %mul3A_146 : i32 to index
        %get3A_831 = arith.constant 192 : index
        %get3A_832 = tpu.vector_load %arg4[%get3A_830, %get3A_831] {strides = array<i32>} : memref<200x256xf32, #tpu.memory_space<vmem>>, vector<1x16xf32>,
        %get3A_833 = vector.shape_cast %get3A_832 : vector<1x16xf32> to vector<16xf32>
        %add3A_834 = arith.constant 1 : i32
        %add3A_835 = arith.addi %mul3A_146, %add3A_834 : i32
        %get3A_836 = arith.index_cast %add3A_835 : i32 to index
        %get3A_837 = arith.constant 192 : index
        %get3A_838 = tpu.vector_load %arg4[%get3A_836, %get3A_837] {strides = array<i32>} : memref<200x256xf32, #tpu.memory_space<vmem>>, vector<1x16xf32>,
        %get3A_839 = vector.shape_cast %get3A_838 : vector<1x16xf32> to vector<16xf32>
        %add3A_840 = arith.addf %get3A_833, %get3A_839 : vector<16xf32>
        %add3A_841 = arith.constant 2 : i32
        %add3A_842 = arith.addi %mul3A_146, %add3A_841 : i32
        %get3A_843 = arith.index_cast %add3A_842 : i32 to index
        %get3A_844 = arith.constant 192 : index
        %get3A_845 = tpu.vector_load %arg4[%get3A_843, %get3A_844] {strides = array<i32>} : memref<200x256xf32, #tpu.memory_space<vmem>>, vector<1x16xf32>,
        %get3A_846 = vector.shape_cast %get3A_845 : vector<1x16xf32> to vector<16xf32>
        %add3A_847 = arith.addf %add3A_840, %get3A_846 : vector<16xf32>
        %add3A_848 = arith.constant 3 : i32
        %add3A_849 = arith.addi %mul3A_146, %add3A_848 : i32
        %get3A_850 = arith.index_cast %add3A_849 : i32 to index
        %get3A_851 = arith.constant 192 : index
        %get3A_852 = tpu.vector_load %arg4[%get3A_850, %get3A_851] {strides = array<i32>} : memref<200x256xf32, #tpu.memory_space<vmem>>, vector<1x16xf32>,
        %get3A_853 = vector.shape_cast %get3A_852 : vector<1x16xf32> to vector<16xf32>
        %add3A_854 = arith.addf %add3A_847, %get3A_853 : vector<16xf32>
        %add3A_855 = arith.constant 4 : i32
        %add3A_856 = arith.addi %mul3A_146, %add3A_855 : i32
        %get3A_857 = arith.index_cast %add3A_856 : i32 to index
        %get3A_858 = arith.constant 192 : index
        %get3A_859 = tpu.vector_load %arg4[%get3A_857, %get3A_858] {strides = array<i32>} : memref<200x256xf32, #tpu.memory_space<vmem>>, vector<1x16xf32>,
        %get3A_860 = vector.shape_cast %get3A_859 : vector<1x16xf32> to vector<16xf32>
        %add3A_861 = arith.addf %add3A_854, %get3A_860 : vector<16xf32>
        %add3A_862 = arith.constant 5 : i32
        %add3A_863 = arith.addi %mul3A_146, %add3A_862 : i32
        %get3A_864 = arith.index_cast %add3A_863 : i32 to index
        %get3A_865 = arith.constant 192 : index
        %get3A_866 = tpu.vector_load %arg4[%get3A_864, %get3A_865] {strides = array<i32>} : memref<200x256xf32, #tpu.memory_space<vmem>>, vector<1x16xf32>,
        %get3A_867 = vector.shape_cast %get3A_866 : vector<1x16xf32> to vector<16xf32>
        %add3A_868 = arith.addf %add3A_861, %get3A_867 : vector<16xf32>
        %add3A_869 = arith.constant 6 : i32
        %add3A_870 = arith.addi %mul3A_146, %add3A_869 : i32
        %get3A_871 = arith.index_cast %add3A_870 : i32 to index
        %get3A_872 = arith.constant 192 : index
        %get3A_873 = tpu.vector_load %arg4[%get3A_871, %get3A_872] {strides = array<i32>} : memref<200x256xf32, #tpu.memory_space<vmem>>, vector<1x16xf32>,
        %get3A_874 = vector.shape_cast %get3A_873 : vector<1x16xf32> to vector<16xf32>
        %add3A_875 = arith.addf %add3A_868, %get3A_874 : vector<16xf32>
        %add3A_876 = arith.constant 7 : i32
        %add3A_877 = arith.addi %mul3A_146, %add3A_876 : i32
        %get3A_878 = arith.index_cast %add3A_877 : i32 to index
        %get3A_879 = arith.constant 192 : index
        %get3A_880 = tpu.vector_load %arg4[%get3A_878, %get3A_879] {strides = array<i32>} : memref<200x256xf32, #tpu.memory_space<vmem>>, vector<1x16xf32>,
        %get3A_881 = vector.shape_cast %get3A_880 : vector<1x16xf32> to vector<16xf32>
        %add3A_882 = arith.addf %add3A_875, %get3A_881 : vector<16xf32>
        %swap3A_883 = arith.constant 192 : index
        %swap3A_884 = tpu.vector_load %arg6[%swap3A_883] {strides = array<i32>} : memref<256xf32, #tpu.memory_space<vmem>>, vector<16xf32>,
        %swap3A_885 = vector.shape_cast %swap3A_884 : vector<16xf32> to vector<16xf32>
        %swap3A_886 = vector.shape_cast %add3A_882 : vector<16xf32> to vector<16xf32>
        tpu.vector_store %arg6[%swap3A_883], %swap3A_886 {add = true, strides = array<i32>} : memref<256xf32, #tpu.memory_space<vmem>>, vector<16xf32>,
        %get3A_887 = arith.index_cast %mul3A_146 : i32 to index
        %get3A_888 = arith.constant 208 : index
        %get3A_889 = tpu.vector_load %arg4[%get3A_887, %get3A_888] {strides = array<i32>} : memref<200x256xf32, #tpu.memory_space<vmem>>, vector<1x16xf32>,
        %get3A_890 = vector.shape_cast %get3A_889 : vector<1x16xf32> to vector<16xf32>
        %add3A_891 = arith.constant 1 : i32
        %add3A_892 = arith.addi %mul3A_146, %add3A_891 : i32
        %get3A_893 = arith.index_cast %add3A_892 : i32 to index
        %get3A_894 = arith.constant 208 : index
        %get3A_895 = tpu.vector_load %arg4[%get3A_893, %get3A_894] {strides = array<i32>} : memref<200x256xf32, #tpu.memory_space<vmem>>, vector<1x16xf32>,
        %get3A_896 = vector.shape_cast %get3A_895 : vector<1x16xf32> to vector<16xf32>
        %add3A_897 = arith.addf %get3A_890, %get3A_896 : vector<16xf32>
        %add3A_898 = arith.constant 2 : i32
        %add3A_899 = arith.addi %mul3A_146, %add3A_898 : i32
        %get3A_900 = arith.index_cast %add3A_899 : i32 to index
        %get3A_901 = arith.constant 208 : index
        %get3A_902 = tpu.vector_load %arg4[%get3A_900, %get3A_901] {strides = array<i32>} : memref<200x256xf32, #tpu.memory_space<vmem>>, vector<1x16xf32>,
        %get3A_903 = vector.shape_cast %get3A_902 : vector<1x16xf32> to vector<16xf32>
        %add3A_904 = arith.addf %add3A_897, %get3A_903 : vector<16xf32>
        %add3A_905 = arith.constant 3 : i32
        %add3A_906 = arith.addi %mul3A_146, %add3A_905 : i32
        %get3A_907 = arith.index_cast %add3A_906 : i32 to index
        %get3A_908 = arith.constant 208 : index
        %get3A_909 = tpu.vector_load %arg4[%get3A_907, %get3A_908] {strides = array<i32>} : memref<200x256xf32, #tpu.memory_space<vmem>>, vector<1x16xf32>,
        %get3A_910 = vector.shape_cast %get3A_909 : vector<1x16xf32> to vector<16xf32>
        %add3A_911 = arith.addf %add3A_904, %get3A_910 : vector<16xf32>
        %add3A_912 = arith.constant 4 : i32
        %add3A_913 = arith.addi %mul3A_146, %add3A_912 : i32
        %get3A_914 = arith.index_cast %add3A_913 : i32 to index
        %get3A_915 = arith.constant 208 : index
        %get3A_916 = tpu.vector_load %arg4[%get3A_914, %get3A_915] {strides = array<i32>} : memref<200x256xf32, #tpu.memory_space<vmem>>, vector<1x16xf32>,
        %get3A_917 = vector.shape_cast %get3A_916 : vector<1x16xf32> to vector<16xf32>
        %add3A_918 = arith.addf %add3A_911, %get3A_917 : vector<16xf32>
        %add3A_919 = arith.constant 5 : i32
        %add3A_920 = arith.addi %mul3A_146, %add3A_919 : i32
        %get3A_921 = arith.index_cast %add3A_920 : i32 to index
        %get3A_922 = arith.constant 208 : index
        %get3A_923 = tpu.vector_load %arg4[%get3A_921, %get3A_922] {strides = array<i32>} : memref<200x256xf32, #tpu.memory_space<vmem>>, vector<1x16xf32>,
        %get3A_924 = vector.shape_cast %get3A_923 : vector<1x16xf32> to vector<16xf32>
        %add3A_925 = arith.addf %add3A_918, %get3A_924 : vector<16xf32>
        %add3A_926 = arith.constant 6 : i32
        %add3A_927 = arith.addi %mul3A_146, %add3A_926 : i32
        %get3A_928 = arith.index_cast %add3A_927 : i32 to index
        %get3A_929 = arith.constant 208 : index
        %get3A_930 = tpu.vector_load %arg4[%get3A_928, %get3A_929] {strides = array<i32>} : memref<200x256xf32, #tpu.memory_space<vmem>>, vector<1x16xf32>,
        %get3A_931 = vector.shape_cast %get3A_930 : vector<1x16xf32> to vector<16xf32>
        %add3A_932 = arith.addf %add3A_925, %get3A_931 : vector<16xf32>
        %add3A_933 = arith.constant 7 : i32
        %add3A_934 = arith.addi %mul3A_146, %add3A_933 : i32
        %get3A_935 = arith.index_cast %add3A_934 : i32 to index
        %get3A_936 = arith.constant 208 : index
        %get3A_937 = tpu.vector_load %arg4[%get3A_935, %get3A_936] {strides = array<i32>} : memref<200x256xf32, #tpu.memory_space<vmem>>, vector<1x16xf32>,
        %get3A_938 = vector.shape_cast %get3A_937 : vector<1x16xf32> to vector<16xf32>
        %add3A_939 = arith.addf %add3A_932, %get3A_938 : vector<16xf32>
        %swap3A_940 = arith.constant 208 : index
        %swap3A_941 = tpu.vector_load %arg6[%swap3A_940] {strides = array<i32>} : memref<256xf32, #tpu.memory_space<vmem>>, vector<16xf32>,
        %swap3A_942 = vector.shape_cast %swap3A_941 : vector<16xf32> to vector<16xf32>
        %swap3A_943 = vector.shape_cast %add3A_939 : vector<16xf32> to vector<16xf32>
        tpu.vector_store %arg6[%swap3A_940], %swap3A_943 {add = true, strides = array<i32>} : memref<256xf32, #tpu.memory_space<vmem>>, vector<16xf32>,
        %get3A_944 = arith.index_cast %mul3A_146 : i32 to index
        %get3A_945 = arith.constant 224 : index
        %get3A_946 = tpu.vector_load %arg4[%get3A_944, %get3A_945] {strides = array<i32>} : memref<200x256xf32, #tpu.memory_space<vmem>>, vector<1x16xf32>,
        %get3A_947 = vector.shape_cast %get3A_946 : vector<1x16xf32> to vector<16xf32>
        %add3A_948 = arith.constant 1 : i32
        %add3A_949 = arith.addi %mul3A_146, %add3A_948 : i32
        %get3A_950 = arith.index_cast %add3A_949 : i32 to index
        %get3A_951 = arith.constant 224 : index
        %get3A_952 = tpu.vector_load %arg4[%get3A_950, %get3A_951] {strides = array<i32>} : memref<200x256xf32, #tpu.memory_space<vmem>>, vector<1x16xf32>,
        %get3A_953 = vector.shape_cast %get3A_952 : vector<1x16xf32> to vector<16xf32>
        %add3A_954 = arith.addf %get3A_947, %get3A_953 : vector<16xf32>
        %add3A_955 = arith.constant 2 : i32
        %add3A_956 = arith.addi %mul3A_146, %add3A_955 : i32
        %get3A_957 = arith.index_cast %add3A_956 : i32 to index
        %get3A_958 = arith.constant 224 : index
        %get3A_959 = tpu.vector_load %arg4[%get3A_957, %get3A_958] {strides = array<i32>} : memref<200x256xf32, #tpu.memory_space<vmem>>, vector<1x16xf32>,
        %get3A_960 = vector.shape_cast %get3A_959 : vector<1x16xf32> to vector<16xf32>
        %add3A_961 = arith.addf %add3A_954, %get3A_960 : vector<16xf32>
        %add3A_962 = arith.constant 3 : i32
        %add3A_963 = arith.addi %mul3A_146, %add3A_962 : i32
        %get3A_964 = arith.index_cast %add3A_963 : i32 to index
        %get3A_965 = arith.constant 224 : index
        %get3A_966 = tpu.vector_load %arg4[%get3A_964, %get3A_965] {strides = array<i32>} : memref<200x256xf32, #tpu.memory_space<vmem>>, vector<1x16xf32>,
        %get3A_967 = vector.shape_cast %get3A_966 : vector<1x16xf32> to vector<16xf32>
        %add3A_968 = arith.addf %add3A_961, %get3A_967 : vector<16xf32>
        %add3A_969 = arith.constant 4 : i32
        %add3A_970 = arith.addi %mul3A_146, %add3A_969 : i32
        %get3A_971 = arith.index_cast %add3A_970 : i32 to index
        %get3A_972 = arith.constant 224 : index
        %get3A_973 = tpu.vector_load %arg4[%get3A_971, %get3A_972] {strides = array<i32>} : memref<200x256xf32, #tpu.memory_space<vmem>>, vector<1x16xf32>,
        %get3A_974 = vector.shape_cast %get3A_973 : vector<1x16xf32> to vector<16xf32>
        %add3A_975 = arith.addf %add3A_968, %get3A_974 : vector<16xf32>
        %add3A_976 = arith.constant 5 : i32
        %add3A_977 = arith.addi %mul3A_146, %add3A_976 : i32
        %get3A_978 = arith.index_cast %add3A_977 : i32 to index
        %get3A_979 = arith.constant 224 : index
        %get3A_980 = tpu.vector_load %arg4[%get3A_978, %get3A_979] {strides = array<i32>} : memref<200x256xf32, #tpu.memory_space<vmem>>, vector<1x16xf32>,
        %get3A_981 = vector.shape_cast %get3A_980 : vector<1x16xf32> to vector<16xf32>
        %add3A_982 = arith.addf %add3A_975, %get3A_981 : vector<16xf32>
        %add3A_983 = arith.constant 6 : i32
        %add3A_984 = arith.addi %mul3A_146, %add3A_983 : i32
        %get3A_985 = arith.index_cast %add3A_984 : i32 to index
        %get3A_986 = arith.constant 224 : index
        %get3A_987 = tpu.vector_load %arg4[%get3A_985, %get3A_986] {strides = array<i32>} : memref<200x256xf32, #tpu.memory_space<vmem>>, vector<1x16xf32>,
        %get3A_988 = vector.shape_cast %get3A_987 : vector<1x16xf32> to vector<16xf32>
        %add3A_989 = arith.addf %add3A_982, %get3A_988 : vector<16xf32>
        %add3A_990 = arith.constant 7 : i32
        %add3A_991 = arith.addi %mul3A_146, %add3A_990 : i32
        %get3A_992 = arith.index_cast %add3A_991 : i32 to index
        %get3A_993 = arith.constant 224 : index
        %get3A_994 = tpu.vector_load %arg4[%get3A_992, %get3A_993] {strides = array<i32>} : memref<200x256xf32, #tpu.memory_space<vmem>>, vector<1x16xf32>,
        %get3A_995 = vector.shape_cast %get3A_994 : vector<1x16xf32> to vector<16xf32>
        %add3A_996 = arith.addf %add3A_989, %get3A_995 : vector<16xf32>
        %swap3A_997 = arith.constant 224 : index
        %swap3A_998 = tpu.vector_load %arg6[%swap3A_997] {strides = array<i32>} : memref<256xf32, #tpu.memory_space<vmem>>, vector<16xf32>,
        %swap3A_999 = vector.shape_cast %swap3A_998 : vector<16xf32> to vector<16xf32>
        %swap3A_1000 = vector.shape_cast %add3A_996 : vector<16xf32> to vector<16xf32>
        tpu.vector_store %arg6[%swap3A_997], %swap3A_1000 {add = true, strides = array<i32>} : memref<256xf32, #tpu.memory_space<vmem>>, vector<16xf32>,
        %get3A_1001 = arith.index_cast %mul3A_146 : i32 to index
        %get3A_1002 = arith.constant 240 : index
        %get3A_1003 = tpu.vector_load %arg4[%get3A_1001, %get3A_1002] {strides = array<i32>} : memref<200x256xf32, #tpu.memory_space<vmem>>, vector<1x16xf32>,
        %get3A_1004 = vector.shape_cast %get3A_1003 : vector<1x16xf32> to vector<16xf32>
        %add3A_1005 = arith.constant 1 : i32
        %add3A_1006 = arith.addi %mul3A_146, %add3A_1005 : i32
        %get3A_1007 = arith.index_cast %add3A_1006 : i32 to index
        %get3A_1008 = arith.constant 240 : index
        %get3A_1009 = tpu.vector_load %arg4[%get3A_1007, %get3A_1008] {strides = array<i32>} : memref<200x256xf32, #tpu.memory_space<vmem>>, vector<1x16xf32>,
        %get3A_1010 = vector.shape_cast %get3A_1009 : vector<1x16xf32> to vector<16xf32>
        %add3A_1011 = arith.addf %get3A_1004, %get3A_1010 : vector<16xf32>
        %add3A_1012 = arith.constant 2 : i32
        %add3A_1013 = arith.addi %mul3A_146, %add3A_1012 : i32
        %get3A_1014 = arith.index_cast %add3A_1013 : i32 to index
        %get3A_1015 = arith.constant 240 : index
        %get3A_1016 = tpu.vector_load %arg4[%get3A_1014, %get3A_1015] {strides = array<i32>} : memref<200x256xf32, #tpu.memory_space<vmem>>, vector<1x16xf32>,
        %get3A_1017 = vector.shape_cast %get3A_1016 : vector<1x16xf32> to vector<16xf32>
        %add3A_1018 = arith.addf %add3A_1011, %get3A_1017 : vector<16xf32>
        %add3A_1019 = arith.constant 3 : i32
        %add3A_1020 = arith.addi %mul3A_146, %add3A_1019 : i32
        %get3A_1021 = arith.index_cast %add3A_1020 : i32 to index
        %get3A_1022 = arith.constant 240 : index
        %get3A_1023 = tpu.vector_load %arg4[%get3A_1021, %get3A_1022] {strides = array<i32>} : memref<200x256xf32, #tpu.memory_space<vmem>>, vector<1x16xf32>,
        %get3A_1024 = vector.shape_cast %get3A_1023 : vector<1x16xf32> to vector<16xf32>
        %add3A_1025 = arith.addf %add3A_1018, %get3A_1024 : vector<16xf32>
        %add3A_1026 = arith.constant 4 : i32
        %add3A_1027 = arith.addi %mul3A_146, %add3A_1026 : i32
        %get3A_1028 = arith.index_cast %add3A_1027 : i32 to index
        %get3A_1029 = arith.constant 240 : index
        %get3A_1030 = tpu.vector_load %arg4[%get3A_1028, %get3A_1029] {strides = array<i32>} : memref<200x256xf32, #tpu.memory_space<vmem>>, vector<1x16xf32>,
        %get3A_1031 = vector.shape_cast %get3A_1030 : vector<1x16xf32> to vector<16xf32>
        %add3A_1032 = arith.addf %add3A_1025, %get3A_1031 : vector<16xf32>
        %add3A_1033 = arith.constant 5 : i32
        %add3A_1034 = arith.addi %mul3A_146, %add3A_1033 : i32
        %get3A_1035 = arith.index_cast %add3A_1034 : i32 to index
        %get3A_1036 = arith.constant 240 : index
        %get3A_1037 = tpu.vector_load %arg4[%get3A_1035, %get3A_1036] {strides = array<i32>} : memref<200x256xf32, #tpu.memory_space<vmem>>, vector<1x16xf32>,
        %get3A_1038 = vector.shape_cast %get3A_1037 : vector<1x16xf32> to vector<16xf32>
        %add3A_1039 = arith.addf %add3A_1032, %get3A_1038 : vector<16xf32>
        %add3A_1040 = arith.constant 6 : i32
        %add3A_1041 = arith.addi %mul3A_146, %add3A_1040 : i32
        %get3A_1042 = arith.index_cast %add3A_1041 : i32 to index
        %get3A_1043 = arith.constant 240 : index
        %get3A_1044 = tpu.vector_load %arg4[%get3A_1042, %get3A_1043] {strides = array<i32>} : memref<200x256xf32, #tpu.memory_space<vmem>>, vector<1x16xf32>,
        %get3A_1045 = vector.shape_cast %get3A_1044 : vector<1x16xf32> to vector<16xf32>
        %add3A_1046 = arith.addf %add3A_1039, %get3A_1045 : vector<16xf32>
        %add3A_1047 = arith.constant 7 : i32
        %add3A_1048 = arith.addi %mul3A_146, %add3A_1047 : i32
        %get3A_1049 = arith.index_cast %add3A_1048 : i32 to index
        %get3A_1050 = arith.constant 240 : index
        %get3A_1051 = tpu.vector_load %arg4[%get3A_1049, %get3A_1050] {strides = array<i32>} : memref<200x256xf32, #tpu.memory_space<vmem>>, vector<1x16xf32>,
        %get3A_1052 = vector.shape_cast %get3A_1051 : vector<1x16xf32> to vector<16xf32>
        %add3A_1053 = arith.addf %add3A_1046, %get3A_1052 : vector<16xf32>
        %swap3A_1054 = arith.constant 240 : index
        %swap3A_1055 = tpu.vector_load %arg6[%swap3A_1054] {strides = array<i32>} : memref<256xf32, #tpu.memory_space<vmem>>, vector<16xf32>,
        %swap3A_1056 = vector.shape_cast %swap3A_1055 : vector<16xf32> to vector<16xf32>
        %swap3A_1057 = vector.shape_cast %add3A_1053 : vector<16xf32> to vector<16xf32>
        tpu.vector_store %arg6[%swap3A_1054], %swap3A_1057 {add = true, strides = array<i32>} : memref<256xf32, #tpu.memory_space<vmem>>, vector<16xf32>,
      }
      %scan3A_122 = arith.constant 25 : i32
      %mul3A_123 = arith.constant 2 : i32
      %mul3A_124 = arith.muli %scan3A_105, %mul3A_123 : i32
      %add3A_125 = arith.constant 1 : i32
      %add3A_126 = arith.addi %mul3A_124, %add3A_125 : i32
      %add3A_127 = arith.constant 1 : i32
      %add3A_128 = arith.addi %add3A_126, %add3A_127 : i32
      %lt3A_129 = arith.constant 10 : i32
      %lt3A_130 = arith.cmpi slt, %add3A_128, %lt3A_129 : i32
      %convert_element_type3A_131 = arith.extui %lt3A_130 : i1 to i32
      %cond3A_132 = arith.constant 0 : i32
      %cond3A_133 = arith.cmpi ne, %convert_element_type3A_131, %cond3A_132 : i32
      scf.if %cond3A_133 {
        %add3A_144 = arith.constant 1 : i32
        %add3A_145 = arith.addi %add3A_126, %add3A_144 : i32
        %mul3A_146 = arith.constant 200 : i32
        %mul3A_147 = arith.muli %add3A_145, %mul3A_146 : i32
        %add3A_148 = arith.addi %mul3A_2, %mul3A_147 : i32
        %dma_start3A_149 = arith.constant 0 : i32
        %dma_start3A_150 = tpu.memref_slice %arg2[%add3A_148, %dma_start3A_149] : memref<64000x256xf32, #tpu.memory_space<hbm>> -> memref<200x256xf32, #tpu.memory_space<hbm>>
        %dma_start3A_151 = arith.constant 0 : i32
        %dma_start3A_152 = tpu.memref_slice %arg2[%add3A_148, %dma_start3A_151] : memref<64000x256xf32, #tpu.memory_space<hbm>> -> memref<200x256xf32, #tpu.memory_space<hbm>>
        tpu.enqueue_dma source(%dma_start3A_152 : memref<200x256xf32, #tpu.memory_space<hbm>>) target(%arg4 : memref<200x256xf32, #tpu.memory_space<vmem>>) target_semaphore(%arg7 : memref<!tpu.dma_semaphore, #tpu.memory_space<semaphore_mem>>)
      } else {
      }
      %dma_wait3A_134 = arith.constant 0 : i32
      %dma_wait3A_135 = tpu.memref_slice %arg2[%mul3A_2, %dma_wait3A_134] : memref<64000x256xf32, #tpu.memory_space<hbm>> -> memref<200x256xf32, #tpu.memory_space<hbm>>
      %dma_wait3A_136 = arith.constant 0 : i32
      %dma_wait3A_137 = tpu.memref_slice %arg2[%mul3A_2, %dma_wait3A_136] : memref<64000x256xf32, #tpu.memory_space<hbm>> -> memref<200x256xf32, #tpu.memory_space<hbm>>
      tpu.wait_dma2 semaphore(%arg8 : memref<!tpu.dma_semaphore, #tpu.memory_space<semaphore_mem>>) src(%dma_wait3A_137 : memref<200x256xf32, #tpu.memory_space<hbm>>) dst(%arg5 : memref<200x256xf32, #tpu.memory_space<vmem>>)
      %scan3A_138 = arith.constant 0 : i32
      %scan3A_139 = arith.constant 0 : i32
      %scan3A_140 = arith.constant 25 : i32
      %scan3A_141 = arith.addi %scan3A_139, %scan3A_140 : i32
      %scan3A_142 = arith.constant 1 : i32
      scf.for %scan3A_144 = %scan3A_139 to %scan3A_141 step %scan3A_142  : i32 {
        %mul3A_145 = arith.constant 8 : i32
        %mul3A_146 = arith.muli %scan3A_144, %mul3A_145 : i32
        %get3A = arith.index_cast %mul3A_146 : i32 to index
        %get3A_147 = arith.constant 0 : index
        %get3A_148 = tpu.vector_load %arg5[%get3A, %get3A_147] {strides = array<i32>} : memref<200x256xf32, #tpu.memory_space<vmem>>, vector<1x16xf32>,
        %get3A_149 = vector.shape_cast %get3A_148 : vector<1x16xf32> to vector<16xf32>
        %add3A_150 = arith.constant 1 : i32
        %add3A_151 = arith.addi %mul3A_146, %add3A_150 : i32
        %get3A_152 = arith.index_cast %add3A_151 : i32 to index
        %get3A_153 = arith.constant 0 : index
        %get3A_154 = tpu.vector_load %arg5[%get3A_152, %get3A_153] {strides = array<i32>} : memref<200x256xf32, #tpu.memory_space<vmem>>, vector<1x16xf32>,
        %get3A_155 = vector.shape_cast %get3A_154 : vector<1x16xf32> to vector<16xf32>
        %add3A_156 = arith.addf %get3A_149, %get3A_155 : vector<16xf32>
        %add3A_157 = arith.constant 2 : i32
        %add3A_158 = arith.addi %mul3A_146, %add3A_157 : i32
        %get3A_159 = arith.index_cast %add3A_158 : i32 to index
        %get3A_160 = arith.constant 0 : index
        %get3A_161 = tpu.vector_load %arg5[%get3A_159, %get3A_160] {strides = array<i32>} : memref<200x256xf32, #tpu.memory_space<vmem>>, vector<1x16xf32>,
        %get3A_162 = vector.shape_cast %get3A_161 : vector<1x16xf32> to vector<16xf32>
        %add3A_163 = arith.addf %add3A_156, %get3A_162 : vector<16xf32>
        %add3A_164 = arith.constant 3 : i32
        %add3A_165 = arith.addi %mul3A_146, %add3A_164 : i32
        %get3A_166 = arith.index_cast %add3A_165 : i32 to index
        %get3A_167 = arith.constant 0 : index
        %get3A_168 = tpu.vector_load %arg5[%get3A_166, %get3A_167] {strides = array<i32>} : memref<200x256xf32, #tpu.memory_space<vmem>>, vector<1x16xf32>,
        %get3A_169 = vector.shape_cast %get3A_168 : vector<1x16xf32> to vector<16xf32>
        %add3A_170 = arith.addf %add3A_163, %get3A_169 : vector<16xf32>
        %add3A_171 = arith.constant 4 : i32
        %add3A_172 = arith.addi %mul3A_146, %add3A_171 : i32
        %get3A_173 = arith.index_cast %add3A_172 : i32 to index
        %get3A_174 = arith.constant 0 : index
        %get3A_175 = tpu.vector_load %arg5[%get3A_173, %get3A_174] {strides = array<i32>} : memref<200x256xf32, #tpu.memory_space<vmem>>, vector<1x16xf32>,
        %get3A_176 = vector.shape_cast %get3A_175 : vector<1x16xf32> to vector<16xf32>
        %add3A_177 = arith.addf %add3A_170, %get3A_176 : vector<16xf32>
        %add3A_178 = arith.constant 5 : i32
        %add3A_179 = arith.addi %mul3A_146, %add3A_178 : i32
        %get3A_180 = arith.index_cast %add3A_179 : i32 to index
        %get3A_181 = arith.constant 0 : index
        %get3A_182 = tpu.vector_load %arg5[%get3A_180, %get3A_181] {strides = array<i32>} : memref<200x256xf32, #tpu.memory_space<vmem>>, vector<1x16xf32>,
        %get3A_183 = vector.shape_cast %get3A_182 : vector<1x16xf32> to vector<16xf32>
        %add3A_184 = arith.addf %add3A_177, %get3A_183 : vector<16xf32>
        %add3A_185 = arith.constant 6 : i32
        %add3A_186 = arith.addi %mul3A_146, %add3A_185 : i32
        %get3A_187 = arith.index_cast %add3A_186 : i32 to index
        %get3A_188 = arith.constant 0 : index
        %get3A_189 = tpu.vector_load %arg5[%get3A_187, %get3A_188] {strides = array<i32>} : memref<200x256xf32, #tpu.memory_space<vmem>>, vector<1x16xf32>,
        %get3A_190 = vector.shape_cast %get3A_189 : vector<1x16xf32> to vector<16xf32>
        %add3A_191 = arith.addf %add3A_184, %get3A_190 : vector<16xf32>
        %add3A_192 = arith.constant 7 : i32
        %add3A_193 = arith.addi %mul3A_146, %add3A_192 : i32
        %get3A_194 = arith.index_cast %add3A_193 : i32 to index
        %get3A_195 = arith.constant 0 : index
        %get3A_196 = tpu.vector_load %arg5[%get3A_194, %get3A_195] {strides = array<i32>} : memref<200x256xf32, #tpu.memory_space<vmem>>, vector<1x16xf32>,
        %get3A_197 = vector.shape_cast %get3A_196 : vector<1x16xf32> to vector<16xf32>
        %add3A_198 = arith.addf %add3A_191, %get3A_197 : vector<16xf32>
        %swap3A_199 = arith.constant 0 : index
        %swap3A_200 = tpu.vector_load %arg6[%swap3A_199] {strides = array<i32>} : memref<256xf32, #tpu.memory_space<vmem>>, vector<16xf32>,
        %swap3A_201 = vector.shape_cast %swap3A_200 : vector<16xf32> to vector<16xf32>
        %swap3A_202 = vector.shape_cast %add3A_198 : vector<16xf32> to vector<16xf32>
        tpu.vector_store %arg6[%swap3A_199], %swap3A_202 {add = true, strides = array<i32>} : memref<256xf32, #tpu.memory_space<vmem>>, vector<16xf32>,
        %get3A_203 = arith.index_cast %mul3A_146 : i32 to index
        %get3A_204 = arith.constant 16 : index
        %get3A_205 = tpu.vector_load %arg5[%get3A_203, %get3A_204] {strides = array<i32>} : memref<200x256xf32, #tpu.memory_space<vmem>>, vector<1x16xf32>,
        %get3A_206 = vector.shape_cast %get3A_205 : vector<1x16xf32> to vector<16xf32>
        %add3A_207 = arith.constant 1 : i32
        %add3A_208 = arith.addi %mul3A_146, %add3A_207 : i32
        %get3A_209 = arith.index_cast %add3A_208 : i32 to index
        %get3A_210 = arith.constant 16 : index
        %get3A_211 = tpu.vector_load %arg5[%get3A_209, %get3A_210] {strides = array<i32>} : memref<200x256xf32, #tpu.memory_space<vmem>>, vector<1x16xf32>,
        %get3A_212 = vector.shape_cast %get3A_211 : vector<1x16xf32> to vector<16xf32>
        %add3A_213 = arith.addf %get3A_206, %get3A_212 : vector<16xf32>
        %add3A_214 = arith.constant 2 : i32
        %add3A_215 = arith.addi %mul3A_146, %add3A_214 : i32
        %get3A_216 = arith.index_cast %add3A_215 : i32 to index
        %get3A_217 = arith.constant 16 : index
        %get3A_218 = tpu.vector_load %arg5[%get3A_216, %get3A_217] {strides = array<i32>} : memref<200x256xf32, #tpu.memory_space<vmem>>, vector<1x16xf32>,
        %get3A_219 = vector.shape_cast %get3A_218 : vector<1x16xf32> to vector<16xf32>
        %add3A_220 = arith.addf %add3A_213, %get3A_219 : vector<16xf32>
        %add3A_221 = arith.constant 3 : i32
        %add3A_222 = arith.addi %mul3A_146, %add3A_221 : i32
        %get3A_223 = arith.index_cast %add3A_222 : i32 to index
        %get3A_224 = arith.constant 16 : index
        %get3A_225 = tpu.vector_load %arg5[%get3A_223, %get3A_224] {strides = array<i32>} : memref<200x256xf32, #tpu.memory_space<vmem>>, vector<1x16xf32>,
        %get3A_226 = vector.shape_cast %get3A_225 : vector<1x16xf32> to vector<16xf32>
        %add3A_227 = arith.addf %add3A_220, %get3A_226 : vector<16xf32>
        %add3A_228 = arith.constant 4 : i32
        %add3A_229 = arith.addi %mul3A_146, %add3A_228 : i32
        %get3A_230 = arith.index_cast %add3A_229 : i32 to index
        %get3A_231 = arith.constant 16 : index
        %get3A_232 = tpu.vector_load %arg5[%get3A_230, %get3A_231] {strides = array<i32>} : memref<200x256xf32, #tpu.memory_space<vmem>>, vector<1x16xf32>,
        %get3A_233 = vector.shape_cast %get3A_232 : vector<1x16xf32> to vector<16xf32>
        %add3A_234 = arith.addf %add3A_227, %get3A_233 : vector<16xf32>
        %add3A_235 = arith.constant 5 : i32
        %add3A_236 = arith.addi %mul3A_146, %add3A_235 : i32
        %get3A_237 = arith.index_cast %add3A_236 : i32 to index
        %get3A_238 = arith.constant 16 : index
        %get3A_239 = tpu.vector_load %arg5[%get3A_237, %get3A_238] {strides = array<i32>} : memref<200x256xf32, #tpu.memory_space<vmem>>, vector<1x16xf32>,
        %get3A_240 = vector.shape_cast %get3A_239 : vector<1x16xf32> to vector<16xf32>
        %add3A_241 = arith.addf %add3A_234, %get3A_240 : vector<16xf32>
        %add3A_242 = arith.constant 6 : i32
        %add3A_243 = arith.addi %mul3A_146, %add3A_242 : i32
        %get3A_244 = arith.index_cast %add3A_243 : i32 to index
        %get3A_245 = arith.constant 16 : index
        %get3A_246 = tpu.vector_load %arg5[%get3A_244, %get3A_245] {strides = array<i32>} : memref<200x256xf32, #tpu.memory_space<vmem>>, vector<1x16xf32>,
        %get3A_247 = vector.shape_cast %get3A_246 : vector<1x16xf32> to vector<16xf32>
        %add3A_248 = arith.addf %add3A_241, %get3A_247 : vector<16xf32>
        %add3A_249 = arith.constant 7 : i32
        %add3A_250 = arith.addi %mul3A_146, %add3A_249 : i32
        %get3A_251 = arith.index_cast %add3A_250 : i32 to index
        %get3A_252 = arith.constant 16 : index
        %get3A_253 = tpu.vector_load %arg5[%get3A_251, %get3A_252] {strides = array<i32>} : memref<200x256xf32, #tpu.memory_space<vmem>>, vector<1x16xf32>,
        %get3A_254 = vector.shape_cast %get3A_253 : vector<1x16xf32> to vector<16xf32>
        %add3A_255 = arith.addf %add3A_248, %get3A_254 : vector<16xf32>
        %swap3A_256 = arith.constant 16 : index
        %swap3A_257 = tpu.vector_load %arg6[%swap3A_256] {strides = array<i32>} : memref<256xf32, #tpu.memory_space<vmem>>, vector<16xf32>,
        %swap3A_258 = vector.shape_cast %swap3A_257 : vector<16xf32> to vector<16xf32>
        %swap3A_259 = vector.shape_cast %add3A_255 : vector<16xf32> to vector<16xf32>
        tpu.vector_store %arg6[%swap3A_256], %swap3A_259 {add = true, strides = array<i32>} : memref<256xf32, #tpu.memory_space<vmem>>, vector<16xf32>,
        %get3A_260 = arith.index_cast %mul3A_146 : i32 to index
        %get3A_261 = arith.constant 32 : index
        %get3A_262 = tpu.vector_load %arg5[%get3A_260, %get3A_261] {strides = array<i32>} : memref<200x256xf32, #tpu.memory_space<vmem>>, vector<1x16xf32>,
        %get3A_263 = vector.shape_cast %get3A_262 : vector<1x16xf32> to vector<16xf32>
        %add3A_264 = arith.constant 1 : i32
        %add3A_265 = arith.addi %mul3A_146, %add3A_264 : i32
        %get3A_266 = arith.index_cast %add3A_265 : i32 to index
        %get3A_267 = arith.constant 32 : index
        %get3A_268 = tpu.vector_load %arg5[%get3A_266, %get3A_267] {strides = array<i32>} : memref<200x256xf32, #tpu.memory_space<vmem>>, vector<1x16xf32>,
        %get3A_269 = vector.shape_cast %get3A_268 : vector<1x16xf32> to vector<16xf32>
        %add3A_270 = arith.addf %get3A_263, %get3A_269 : vector<16xf32>
        %add3A_271 = arith.constant 2 : i32
        %add3A_272 = arith.addi %mul3A_146, %add3A_271 : i32
        %get3A_273 = arith.index_cast %add3A_272 : i32 to index
        %get3A_274 = arith.constant 32 : index
        %get3A_275 = tpu.vector_load %arg5[%get3A_273, %get3A_274] {strides = array<i32>} : memref<200x256xf32, #tpu.memory_space<vmem>>, vector<1x16xf32>,
        %get3A_276 = vector.shape_cast %get3A_275 : vector<1x16xf32> to vector<16xf32>
        %add3A_277 = arith.addf %add3A_270, %get3A_276 : vector<16xf32>
        %add3A_278 = arith.constant 3 : i32
        %add3A_279 = arith.addi %mul3A_146, %add3A_278 : i32
        %get3A_280 = arith.index_cast %add3A_279 : i32 to index
        %get3A_281 = arith.constant 32 : index
        %get3A_282 = tpu.vector_load %arg5[%get3A_280, %get3A_281] {strides = array<i32>} : memref<200x256xf32, #tpu.memory_space<vmem>>, vector<1x16xf32>,
        %get3A_283 = vector.shape_cast %get3A_282 : vector<1x16xf32> to vector<16xf32>
        %add3A_284 = arith.addf %add3A_277, %get3A_283 : vector<16xf32>
        %add3A_285 = arith.constant 4 : i32
        %add3A_286 = arith.addi %mul3A_146, %add3A_285 : i32
        %get3A_287 = arith.index_cast %add3A_286 : i32 to index
        %get3A_288 = arith.constant 32 : index
        %get3A_289 = tpu.vector_load %arg5[%get3A_287, %get3A_288] {strides = array<i32>} : memref<200x256xf32, #tpu.memory_space<vmem>>, vector<1x16xf32>,
        %get3A_290 = vector.shape_cast %get3A_289 : vector<1x16xf32> to vector<16xf32>
        %add3A_291 = arith.addf %add3A_284, %get3A_290 : vector<16xf32>
        %add3A_292 = arith.constant 5 : i32
        %add3A_293 = arith.addi %mul3A_146, %add3A_292 : i32
        %get3A_294 = arith.index_cast %add3A_293 : i32 to index
        %get3A_295 = arith.constant 32 : index
        %get3A_296 = tpu.vector_load %arg5[%get3A_294, %get3A_295] {strides = array<i32>} : memref<200x256xf32, #tpu.memory_space<vmem>>, vector<1x16xf32>,
        %get3A_297 = vector.shape_cast %get3A_296 : vector<1x16xf32> to vector<16xf32>
        %add3A_298 = arith.addf %add3A_291, %get3A_297 : vector<16xf32>
        %add3A_299 = arith.constant 6 : i32
        %add3A_300 = arith.addi %mul3A_146, %add3A_299 : i32
        %get3A_301 = arith.index_cast %add3A_300 : i32 to index
        %get3A_302 = arith.constant 32 : index
        %get3A_303 = tpu.vector_load %arg5[%get3A_301, %get3A_302] {strides = array<i32>} : memref<200x256xf32, #tpu.memory_space<vmem>>, vector<1x16xf32>,
        %get3A_304 = vector.shape_cast %get3A_303 : vector<1x16xf32> to vector<16xf32>
        %add3A_305 = arith.addf %add3A_298, %get3A_304 : vector<16xf32>
        %add3A_306 = arith.constant 7 : i32
        %add3A_307 = arith.addi %mul3A_146, %add3A_306 : i32
        %get3A_308 = arith.index_cast %add3A_307 : i32 to index
        %get3A_309 = arith.constant 32 : index
        %get3A_310 = tpu.vector_load %arg5[%get3A_308, %get3A_309] {strides = array<i32>} : memref<200x256xf32, #tpu.memory_space<vmem>>, vector<1x16xf32>,
        %get3A_311 = vector.shape_cast %get3A_310 : vector<1x16xf32> to vector<16xf32>
        %add3A_312 = arith.addf %add3A_305, %get3A_311 : vector<16xf32>
        %swap3A_313 = arith.constant 32 : index
        %swap3A_314 = tpu.vector_load %arg6[%swap3A_313] {strides = array<i32>} : memref<256xf32, #tpu.memory_space<vmem>>, vector<16xf32>,
        %swap3A_315 = vector.shape_cast %swap3A_314 : vector<16xf32> to vector<16xf32>
        %swap3A_316 = vector.shape_cast %add3A_312 : vector<16xf32> to vector<16xf32>
        tpu.vector_store %arg6[%swap3A_313], %swap3A_316 {add = true, strides = array<i32>} : memref<256xf32, #tpu.memory_space<vmem>>, vector<16xf32>,
        %get3A_317 = arith.index_cast %mul3A_146 : i32 to index
        %get3A_318 = arith.constant 48 : index
        %get3A_319 = tpu.vector_load %arg5[%get3A_317, %get3A_318] {strides = array<i32>} : memref<200x256xf32, #tpu.memory_space<vmem>>, vector<1x16xf32>,
        %get3A_320 = vector.shape_cast %get3A_319 : vector<1x16xf32> to vector<16xf32>
        %add3A_321 = arith.constant 1 : i32
        %add3A_322 = arith.addi %mul3A_146, %add3A_321 : i32
        %get3A_323 = arith.index_cast %add3A_322 : i32 to index
        %get3A_324 = arith.constant 48 : index
        %get3A_325 = tpu.vector_load %arg5[%get3A_323, %get3A_324] {strides = array<i32>} : memref<200x256xf32, #tpu.memory_space<vmem>>, vector<1x16xf32>,
        %get3A_326 = vector.shape_cast %get3A_325 : vector<1x16xf32> to vector<16xf32>
        %add3A_327 = arith.addf %get3A_320, %get3A_326 : vector<16xf32>
        %add3A_328 = arith.constant 2 : i32
        %add3A_329 = arith.addi %mul3A_146, %add3A_328 : i32
        %get3A_330 = arith.index_cast %add3A_329 : i32 to index
        %get3A_331 = arith.constant 48 : index
        %get3A_332 = tpu.vector_load %arg5[%get3A_330, %get3A_331] {strides = array<i32>} : memref<200x256xf32, #tpu.memory_space<vmem>>, vector<1x16xf32>,
        %get3A_333 = vector.shape_cast %get3A_332 : vector<1x16xf32> to vector<16xf32>
        %add3A_334 = arith.addf %add3A_327, %get3A_333 : vector<16xf32>
        %add3A_335 = arith.constant 3 : i32
        %add3A_336 = arith.addi %mul3A_146, %add3A_335 : i32
        %get3A_337 = arith.index_cast %add3A_336 : i32 to index
        %get3A_338 = arith.constant 48 : index
        %get3A_339 = tpu.vector_load %arg5[%get3A_337, %get3A_338] {strides = array<i32>} : memref<200x256xf32, #tpu.memory_space<vmem>>, vector<1x16xf32>,
        %get3A_340 = vector.shape_cast %get3A_339 : vector<1x16xf32> to vector<16xf32>
        %add3A_341 = arith.addf %add3A_334, %get3A_340 : vector<16xf32>
        %add3A_342 = arith.constant 4 : i32
        %add3A_343 = arith.addi %mul3A_146, %add3A_342 : i32
        %get3A_344 = arith.index_cast %add3A_343 : i32 to index
        %get3A_345 = arith.constant 48 : index
        %get3A_346 = tpu.vector_load %arg5[%get3A_344, %get3A_345] {strides = array<i32>} : memref<200x256xf32, #tpu.memory_space<vmem>>, vector<1x16xf32>,
        %get3A_347 = vector.shape_cast %get3A_346 : vector<1x16xf32> to vector<16xf32>
        %add3A_348 = arith.addf %add3A_341, %get3A_347 : vector<16xf32>
        %add3A_349 = arith.constant 5 : i32
        %add3A_350 = arith.addi %mul3A_146, %add3A_349 : i32
        %get3A_351 = arith.index_cast %add3A_350 : i32 to index
        %get3A_352 = arith.constant 48 : index
        %get3A_353 = tpu.vector_load %arg5[%get3A_351, %get3A_352] {strides = array<i32>} : memref<200x256xf32, #tpu.memory_space<vmem>>, vector<1x16xf32>,
        %get3A_354 = vector.shape_cast %get3A_353 : vector<1x16xf32> to vector<16xf32>
        %add3A_355 = arith.addf %add3A_348, %get3A_354 : vector<16xf32>
        %add3A_356 = arith.constant 6 : i32
        %add3A_357 = arith.addi %mul3A_146, %add3A_356 : i32
        %get3A_358 = arith.index_cast %add3A_357 : i32 to index
        %get3A_359 = arith.constant 48 : index
        %get3A_360 = tpu.vector_load %arg5[%get3A_358, %get3A_359] {strides = array<i32>} : memref<200x256xf32, #tpu.memory_space<vmem>>, vector<1x16xf32>,
        %get3A_361 = vector.shape_cast %get3A_360 : vector<1x16xf32> to vector<16xf32>
        %add3A_362 = arith.addf %add3A_355, %get3A_361 : vector<16xf32>
        %add3A_363 = arith.constant 7 : i32
        %add3A_364 = arith.addi %mul3A_146, %add3A_363 : i32
        %get3A_365 = arith.index_cast %add3A_364 : i32 to index
        %get3A_366 = arith.constant 48 : index
        %get3A_367 = tpu.vector_load %arg5[%get3A_365, %get3A_366] {strides = array<i32>} : memref<200x256xf32, #tpu.memory_space<vmem>>, vector<1x16xf32>,
        %get3A_368 = vector.shape_cast %get3A_367 : vector<1x16xf32> to vector<16xf32>
        %add3A_369 = arith.addf %add3A_362, %get3A_368 : vector<16xf32>
        %swap3A_370 = arith.constant 48 : index
        %swap3A_371 = tpu.vector_load %arg6[%swap3A_370] {strides = array<i32>} : memref<256xf32, #tpu.memory_space<vmem>>, vector<16xf32>,
        %swap3A_372 = vector.shape_cast %swap3A_371 : vector<16xf32> to vector<16xf32>
        %swap3A_373 = vector.shape_cast %add3A_369 : vector<16xf32> to vector<16xf32>
        tpu.vector_store %arg6[%swap3A_370], %swap3A_373 {add = true, strides = array<i32>} : memref<256xf32, #tpu.memory_space<vmem>>, vector<16xf32>,
        %get3A_374 = arith.index_cast %mul3A_146 : i32 to index
        %get3A_375 = arith.constant 64 : index
        %get3A_376 = tpu.vector_load %arg5[%get3A_374, %get3A_375] {strides = array<i32>} : memref<200x256xf32, #tpu.memory_space<vmem>>, vector<1x16xf32>,
        %get3A_377 = vector.shape_cast %get3A_376 : vector<1x16xf32> to vector<16xf32>
        %add3A_378 = arith.constant 1 : i32
        %add3A_379 = arith.addi %mul3A_146, %add3A_378 : i32
        %get3A_380 = arith.index_cast %add3A_379 : i32 to index
        %get3A_381 = arith.constant 64 : index
        %get3A_382 = tpu.vector_load %arg5[%get3A_380, %get3A_381] {strides = array<i32>} : memref<200x256xf32, #tpu.memory_space<vmem>>, vector<1x16xf32>,
        %get3A_383 = vector.shape_cast %get3A_382 : vector<1x16xf32> to vector<16xf32>
        %add3A_384 = arith.addf %get3A_377, %get3A_383 : vector<16xf32>
        %add3A_385 = arith.constant 2 : i32
        %add3A_386 = arith.addi %mul3A_146, %add3A_385 : i32
        %get3A_387 = arith.index_cast %add3A_386 : i32 to index
        %get3A_388 = arith.constant 64 : index
        %get3A_389 = tpu.vector_load %arg5[%get3A_387, %get3A_388] {strides = array<i32>} : memref<200x256xf32, #tpu.memory_space<vmem>>, vector<1x16xf32>,
        %get3A_390 = vector.shape_cast %get3A_389 : vector<1x16xf32> to vector<16xf32>
        %add3A_391 = arith.addf %add3A_384, %get3A_390 : vector<16xf32>
        %add3A_392 = arith.constant 3 : i32
        %add3A_393 = arith.addi %mul3A_146, %add3A_392 : i32
        %get3A_394 = arith.index_cast %add3A_393 : i32 to index
        %get3A_395 = arith.constant 64 : index
        %get3A_396 = tpu.vector_load %arg5[%get3A_394, %get3A_395] {strides = array<i32>} : memref<200x256xf32, #tpu.memory_space<vmem>>, vector<1x16xf32>,
        %get3A_397 = vector.shape_cast %get3A_396 : vector<1x16xf32> to vector<16xf32>
        %add3A_398 = arith.addf %add3A_391, %get3A_397 : vector<16xf32>
        %add3A_399 = arith.constant 4 : i32
        %add3A_400 = arith.addi %mul3A_146, %add3A_399 : i32
        %get3A_401 = arith.index_cast %add3A_400 : i32 to index
        %get3A_402 = arith.constant 64 : index
        %get3A_403 = tpu.vector_load %arg5[%get3A_401, %get3A_402] {strides = array<i32>} : memref<200x256xf32, #tpu.memory_space<vmem>>, vector<1x16xf32>,
        %get3A_404 = vector.shape_cast %get3A_403 : vector<1x16xf32> to vector<16xf32>
        %add3A_405 = arith.addf %add3A_398, %get3A_404 : vector<16xf32>
        %add3A_406 = arith.constant 5 : i32
        %add3A_407 = arith.addi %mul3A_146, %add3A_406 : i32
        %get3A_408 = arith.index_cast %add3A_407 : i32 to index
        %get3A_409 = arith.constant 64 : index
        %get3A_410 = tpu.vector_load %arg5[%get3A_408, %get3A_409] {strides = array<i32>} : memref<200x256xf32, #tpu.memory_space<vmem>>, vector<1x16xf32>,
        %get3A_411 = vector.shape_cast %get3A_410 : vector<1x16xf32> to vector<16xf32>
        %add3A_412 = arith.addf %add3A_405, %get3A_411 : vector<16xf32>
        %add3A_413 = arith.constant 6 : i32
        %add3A_414 = arith.addi %mul3A_146, %add3A_413 : i32
        %get3A_415 = arith.index_cast %add3A_414 : i32 to index
        %get3A_416 = arith.constant 64 : index
        %get3A_417 = tpu.vector_load %arg5[%get3A_415, %get3A_416] {strides = array<i32>} : memref<200x256xf32, #tpu.memory_space<vmem>>, vector<1x16xf32>,
        %get3A_418 = vector.shape_cast %get3A_417 : vector<1x16xf32> to vector<16xf32>
        %add3A_419 = arith.addf %add3A_412, %get3A_418 : vector<16xf32>
        %add3A_420 = arith.constant 7 : i32
        %add3A_421 = arith.addi %mul3A_146, %add3A_420 : i32
        %get3A_422 = arith.index_cast %add3A_421 : i32 to index
        %get3A_423 = arith.constant 64 : index
        %get3A_424 = tpu.vector_load %arg5[%get3A_422, %get3A_423] {strides = array<i32>} : memref<200x256xf32, #tpu.memory_space<vmem>>, vector<1x16xf32>,
        %get3A_425 = vector.shape_cast %get3A_424 : vector<1x16xf32> to vector<16xf32>
        %add3A_426 = arith.addf %add3A_419, %get3A_425 : vector<16xf32>
        %swap3A_427 = arith.constant 64 : index
        %swap3A_428 = tpu.vector_load %arg6[%swap3A_427] {strides = array<i32>} : memref<256xf32, #tpu.memory_space<vmem>>, vector<16xf32>,
        %swap3A_429 = vector.shape_cast %swap3A_428 : vector<16xf32> to vector<16xf32>
        %swap3A_430 = vector.shape_cast %add3A_426 : vector<16xf32> to vector<16xf32>
        tpu.vector_store %arg6[%swap3A_427], %swap3A_430 {add = true, strides = array<i32>} : memref<256xf32, #tpu.memory_space<vmem>>, vector<16xf32>,
        %get3A_431 = arith.index_cast %mul3A_146 : i32 to index
        %get3A_432 = arith.constant 80 : index
        %get3A_433 = tpu.vector_load %arg5[%get3A_431, %get3A_432] {strides = array<i32>} : memref<200x256xf32, #tpu.memory_space<vmem>>, vector<1x16xf32>,
        %get3A_434 = vector.shape_cast %get3A_433 : vector<1x16xf32> to vector<16xf32>
        %add3A_435 = arith.constant 1 : i32
        %add3A_436 = arith.addi %mul3A_146, %add3A_435 : i32
        %get3A_437 = arith.index_cast %add3A_436 : i32 to index
        %get3A_438 = arith.constant 80 : index
        %get3A_439 = tpu.vector_load %arg5[%get3A_437, %get3A_438] {strides = array<i32>} : memref<200x256xf32, #tpu.memory_space<vmem>>, vector<1x16xf32>,
        %get3A_440 = vector.shape_cast %get3A_439 : vector<1x16xf32> to vector<16xf32>
        %add3A_441 = arith.addf %get3A_434, %get3A_440 : vector<16xf32>
        %add3A_442 = arith.constant 2 : i32
        %add3A_443 = arith.addi %mul3A_146, %add3A_442 : i32
        %get3A_444 = arith.index_cast %add3A_443 : i32 to index
        %get3A_445 = arith.constant 80 : index
        %get3A_446 = tpu.vector_load %arg5[%get3A_444, %get3A_445] {strides = array<i32>} : memref<200x256xf32, #tpu.memory_space<vmem>>, vector<1x16xf32>,
        %get3A_447 = vector.shape_cast %get3A_446 : vector<1x16xf32> to vector<16xf32>
        %add3A_448 = arith.addf %add3A_441, %get3A_447 : vector<16xf32>
        %add3A_449 = arith.constant 3 : i32
        %add3A_450 = arith.addi %mul3A_146, %add3A_449 : i32
        %get3A_451 = arith.index_cast %add3A_450 : i32 to index
        %get3A_452 = arith.constant 80 : index
        %get3A_453 = tpu.vector_load %arg5[%get3A_451, %get3A_452] {strides = array<i32>} : memref<200x256xf32, #tpu.memory_space<vmem>>, vector<1x16xf32>,
        %get3A_454 = vector.shape_cast %get3A_453 : vector<1x16xf32> to vector<16xf32>
        %add3A_455 = arith.addf %add3A_448, %get3A_454 : vector<16xf32>
        %add3A_456 = arith.constant 4 : i32
        %add3A_457 = arith.addi %mul3A_146, %add3A_456 : i32
        %get3A_458 = arith.index_cast %add3A_457 : i32 to index
        %get3A_459 = arith.constant 80 : index
        %get3A_460 = tpu.vector_load %arg5[%get3A_458, %get3A_459] {strides = array<i32>} : memref<200x256xf32, #tpu.memory_space<vmem>>, vector<1x16xf32>,
        %get3A_461 = vector.shape_cast %get3A_460 : vector<1x16xf32> to vector<16xf32>
        %add3A_462 = arith.addf %add3A_455, %get3A_461 : vector<16xf32>
        %add3A_463 = arith.constant 5 : i32
        %add3A_464 = arith.addi %mul3A_146, %add3A_463 : i32
        %get3A_465 = arith.index_cast %add3A_464 : i32 to index
        %get3A_466 = arith.constant 80 : index
        %get3A_467 = tpu.vector_load %arg5[%get3A_465, %get3A_466] {strides = array<i32>} : memref<200x256xf32, #tpu.memory_space<vmem>>, vector<1x16xf32>,
        %get3A_468 = vector.shape_cast %get3A_467 : vector<1x16xf32> to vector<16xf32>
        %add3A_469 = arith.addf %add3A_462, %get3A_468 : vector<16xf32>
        %add3A_470 = arith.constant 6 : i32
        %add3A_471 = arith.addi %mul3A_146, %add3A_470 : i32
        %get3A_472 = arith.index_cast %add3A_471 : i32 to index
        %get3A_473 = arith.constant 80 : index
        %get3A_474 = tpu.vector_load %arg5[%get3A_472, %get3A_473] {strides = array<i32>} : memref<200x256xf32, #tpu.memory_space<vmem>>, vector<1x16xf32>,
        %get3A_475 = vector.shape_cast %get3A_474 : vector<1x16xf32> to vector<16xf32>
        %add3A_476 = arith.addf %add3A_469, %get3A_475 : vector<16xf32>
        %add3A_477 = arith.constant 7 : i32
        %add3A_478 = arith.addi %mul3A_146, %add3A_477 : i32
        %get3A_479 = arith.index_cast %add3A_478 : i32 to index
        %get3A_480 = arith.constant 80 : index
        %get3A_481 = tpu.vector_load %arg5[%get3A_479, %get3A_480] {strides = array<i32>} : memref<200x256xf32, #tpu.memory_space<vmem>>, vector<1x16xf32>,
        %get3A_482 = vector.shape_cast %get3A_481 : vector<1x16xf32> to vector<16xf32>
        %add3A_483 = arith.addf %add3A_476, %get3A_482 : vector<16xf32>
        %swap3A_484 = arith.constant 80 : index
        %swap3A_485 = tpu.vector_load %arg6[%swap3A_484] {strides = array<i32>} : memref<256xf32, #tpu.memory_space<vmem>>, vector<16xf32>,
        %swap3A_486 = vector.shape_cast %swap3A_485 : vector<16xf32> to vector<16xf32>
        %swap3A_487 = vector.shape_cast %add3A_483 : vector<16xf32> to vector<16xf32>
        tpu.vector_store %arg6[%swap3A_484], %swap3A_487 {add = true, strides = array<i32>} : memref<256xf32, #tpu.memory_space<vmem>>, vector<16xf32>,
        %get3A_488 = arith.index_cast %mul3A_146 : i32 to index
        %get3A_489 = arith.constant 96 : index
        %get3A_490 = tpu.vector_load %arg5[%get3A_488, %get3A_489] {strides = array<i32>} : memref<200x256xf32, #tpu.memory_space<vmem>>, vector<1x16xf32>,
        %get3A_491 = vector.shape_cast %get3A_490 : vector<1x16xf32> to vector<16xf32>
        %add3A_492 = arith.constant 1 : i32
        %add3A_493 = arith.addi %mul3A_146, %add3A_492 : i32
        %get3A_494 = arith.index_cast %add3A_493 : i32 to index
        %get3A_495 = arith.constant 96 : index
        %get3A_496 = tpu.vector_load %arg5[%get3A_494, %get3A_495] {strides = array<i32>} : memref<200x256xf32, #tpu.memory_space<vmem>>, vector<1x16xf32>,
        %get3A_497 = vector.shape_cast %get3A_496 : vector<1x16xf32> to vector<16xf32>
        %add3A_498 = arith.addf %get3A_491, %get3A_497 : vector<16xf32>
        %add3A_499 = arith.constant 2 : i32
        %add3A_500 = arith.addi %mul3A_146, %add3A_499 : i32
        %get3A_501 = arith.index_cast %add3A_500 : i32 to index
        %get3A_502 = arith.constant 96 : index
        %get3A_503 = tpu.vector_load %arg5[%get3A_501, %get3A_502] {strides = array<i32>} : memref<200x256xf32, #tpu.memory_space<vmem>>, vector<1x16xf32>,
        %get3A_504 = vector.shape_cast %get3A_503 : vector<1x16xf32> to vector<16xf32>
        %add3A_505 = arith.addf %add3A_498, %get3A_504 : vector<16xf32>
        %add3A_506 = arith.constant 3 : i32
        %add3A_507 = arith.addi %mul3A_146, %add3A_506 : i32
        %get3A_508 = arith.index_cast %add3A_507 : i32 to index
        %get3A_509 = arith.constant 96 : index
        %get3A_510 = tpu.vector_load %arg5[%get3A_508, %get3A_509] {strides = array<i32>} : memref<200x256xf32, #tpu.memory_space<vmem>>, vector<1x16xf32>,
        %get3A_511 = vector.shape_cast %get3A_510 : vector<1x16xf32> to vector<16xf32>
        %add3A_512 = arith.addf %add3A_505, %get3A_511 : vector<16xf32>
        %add3A_513 = arith.constant 4 : i32
        %add3A_514 = arith.addi %mul3A_146, %add3A_513 : i32
        %get3A_515 = arith.index_cast %add3A_514 : i32 to index
        %get3A_516 = arith.constant 96 : index
        %get3A_517 = tpu.vector_load %arg5[%get3A_515, %get3A_516] {strides = array<i32>} : memref<200x256xf32, #tpu.memory_space<vmem>>, vector<1x16xf32>,
        %get3A_518 = vector.shape_cast %get3A_517 : vector<1x16xf32> to vector<16xf32>
        %add3A_519 = arith.addf %add3A_512, %get3A_518 : vector<16xf32>
        %add3A_520 = arith.constant 5 : i32
        %add3A_521 = arith.addi %mul3A_146, %add3A_520 : i32
        %get3A_522 = arith.index_cast %add3A_521 : i32 to index
        %get3A_523 = arith.constant 96 : index
        %get3A_524 = tpu.vector_load %arg5[%get3A_522, %get3A_523] {strides = array<i32>} : memref<200x256xf32, #tpu.memory_space<vmem>>, vector<1x16xf32>,
        %get3A_525 = vector.shape_cast %get3A_524 : vector<1x16xf32> to vector<16xf32>
        %add3A_526 = arith.addf %add3A_519, %get3A_525 : vector<16xf32>
        %add3A_527 = arith.constant 6 : i32
        %add3A_528 = arith.addi %mul3A_146, %add3A_527 : i32
        %get3A_529 = arith.index_cast %add3A_528 : i32 to index
        %get3A_530 = arith.constant 96 : index
        %get3A_531 = tpu.vector_load %arg5[%get3A_529, %get3A_530] {strides = array<i32>} : memref<200x256xf32, #tpu.memory_space<vmem>>, vector<1x16xf32>,
        %get3A_532 = vector.shape_cast %get3A_531 : vector<1x16xf32> to vector<16xf32>
        %add3A_533 = arith.addf %add3A_526, %get3A_532 : vector<16xf32>
        %add3A_534 = arith.constant 7 : i32
        %add3A_535 = arith.addi %mul3A_146, %add3A_534 : i32
        %get3A_536 = arith.index_cast %add3A_535 : i32 to index
        %get3A_537 = arith.constant 96 : index
        %get3A_538 = tpu.vector_load %arg5[%get3A_536, %get3A_537] {strides = array<i32>} : memref<200x256xf32, #tpu.memory_space<vmem>>, vector<1x16xf32>,
        %get3A_539 = vector.shape_cast %get3A_538 : vector<1x16xf32> to vector<16xf32>
        %add3A_540 = arith.addf %add3A_533, %get3A_539 : vector<16xf32>
        %swap3A_541 = arith.constant 96 : index
        %swap3A_542 = tpu.vector_load %arg6[%swap3A_541] {strides = array<i32>} : memref<256xf32, #tpu.memory_space<vmem>>, vector<16xf32>,
        %swap3A_543 = vector.shape_cast %swap3A_542 : vector<16xf32> to vector<16xf32>
        %swap3A_544 = vector.shape_cast %add3A_540 : vector<16xf32> to vector<16xf32>
        tpu.vector_store %arg6[%swap3A_541], %swap3A_544 {add = true, strides = array<i32>} : memref<256xf32, #tpu.memory_space<vmem>>, vector<16xf32>,
        %get3A_545 = arith.index_cast %mul3A_146 : i32 to index
        %get3A_546 = arith.constant 112 : index
        %get3A_547 = tpu.vector_load %arg5[%get3A_545, %get3A_546] {strides = array<i32>} : memref<200x256xf32, #tpu.memory_space<vmem>>, vector<1x16xf32>,
        %get3A_548 = vector.shape_cast %get3A_547 : vector<1x16xf32> to vector<16xf32>
        %add3A_549 = arith.constant 1 : i32
        %add3A_550 = arith.addi %mul3A_146, %add3A_549 : i32
        %get3A_551 = arith.index_cast %add3A_550 : i32 to index
        %get3A_552 = arith.constant 112 : index
        %get3A_553 = tpu.vector_load %arg5[%get3A_551, %get3A_552] {strides = array<i32>} : memref<200x256xf32, #tpu.memory_space<vmem>>, vector<1x16xf32>,
        %get3A_554 = vector.shape_cast %get3A_553 : vector<1x16xf32> to vector<16xf32>
        %add3A_555 = arith.addf %get3A_548, %get3A_554 : vector<16xf32>
        %add3A_556 = arith.constant 2 : i32
        %add3A_557 = arith.addi %mul3A_146, %add3A_556 : i32
        %get3A_558 = arith.index_cast %add3A_557 : i32 to index
        %get3A_559 = arith.constant 112 : index
        %get3A_560 = tpu.vector_load %arg5[%get3A_558, %get3A_559] {strides = array<i32>} : memref<200x256xf32, #tpu.memory_space<vmem>>, vector<1x16xf32>,
        %get3A_561 = vector.shape_cast %get3A_560 : vector<1x16xf32> to vector<16xf32>
        %add3A_562 = arith.addf %add3A_555, %get3A_561 : vector<16xf32>
        %add3A_563 = arith.constant 3 : i32
        %add3A_564 = arith.addi %mul3A_146, %add3A_563 : i32
        %get3A_565 = arith.index_cast %add3A_564 : i32 to index
        %get3A_566 = arith.constant 112 : index
        %get3A_567 = tpu.vector_load %arg5[%get3A_565, %get3A_566] {strides = array<i32>} : memref<200x256xf32, #tpu.memory_space<vmem>>, vector<1x16xf32>,
        %get3A_568 = vector.shape_cast %get3A_567 : vector<1x16xf32> to vector<16xf32>
        %add3A_569 = arith.addf %add3A_562, %get3A_568 : vector<16xf32>
        %add3A_570 = arith.constant 4 : i32
        %add3A_571 = arith.addi %mul3A_146, %add3A_570 : i32
        %get3A_572 = arith.index_cast %add3A_571 : i32 to index
        %get3A_573 = arith.constant 112 : index
        %get3A_574 = tpu.vector_load %arg5[%get3A_572, %get3A_573] {strides = array<i32>} : memref<200x256xf32, #tpu.memory_space<vmem>>, vector<1x16xf32>,
        %get3A_575 = vector.shape_cast %get3A_574 : vector<1x16xf32> to vector<16xf32>
        %add3A_576 = arith.addf %add3A_569, %get3A_575 : vector<16xf32>
        %add3A_577 = arith.constant 5 : i32
        %add3A_578 = arith.addi %mul3A_146, %add3A_577 : i32
        %get3A_579 = arith.index_cast %add3A_578 : i32 to index
        %get3A_580 = arith.constant 112 : index
        %get3A_581 = tpu.vector_load %arg5[%get3A_579, %get3A_580] {strides = array<i32>} : memref<200x256xf32, #tpu.memory_space<vmem>>, vector<1x16xf32>,
        %get3A_582 = vector.shape_cast %get3A_581 : vector<1x16xf32> to vector<16xf32>
        %add3A_583 = arith.addf %add3A_576, %get3A_582 : vector<16xf32>
        %add3A_584 = arith.constant 6 : i32
        %add3A_585 = arith.addi %mul3A_146, %add3A_584 : i32
        %get3A_586 = arith.index_cast %add3A_585 : i32 to index
        %get3A_587 = arith.constant 112 : index
        %get3A_588 = tpu.vector_load %arg5[%get3A_586, %get3A_587] {strides = array<i32>} : memref<200x256xf32, #tpu.memory_space<vmem>>, vector<1x16xf32>,
        %get3A_589 = vector.shape_cast %get3A_588 : vector<1x16xf32> to vector<16xf32>
        %add3A_590 = arith.addf %add3A_583, %get3A_589 : vector<16xf32>
        %add3A_591 = arith.constant 7 : i32
        %add3A_592 = arith.addi %mul3A_146, %add3A_591 : i32
        %get3A_593 = arith.index_cast %add3A_592 : i32 to index
        %get3A_594 = arith.constant 112 : index
        %get3A_595 = tpu.vector_load %arg5[%get3A_593, %get3A_594] {strides = array<i32>} : memref<200x256xf32, #tpu.memory_space<vmem>>, vector<1x16xf32>,
        %get3A_596 = vector.shape_cast %get3A_595 : vector<1x16xf32> to vector<16xf32>
        %add3A_597 = arith.addf %add3A_590, %get3A_596 : vector<16xf32>
        %swap3A_598 = arith.constant 112 : index
        %swap3A_599 = tpu.vector_load %arg6[%swap3A_598] {strides = array<i32>} : memref<256xf32, #tpu.memory_space<vmem>>, vector<16xf32>,
        %swap3A_600 = vector.shape_cast %swap3A_599 : vector<16xf32> to vector<16xf32>
        %swap3A_601 = vector.shape_cast %add3A_597 : vector<16xf32> to vector<16xf32>
        tpu.vector_store %arg6[%swap3A_598], %swap3A_601 {add = true, strides = array<i32>} : memref<256xf32, #tpu.memory_space<vmem>>, vector<16xf32>,
        %get3A_602 = arith.index_cast %mul3A_146 : i32 to index
        %get3A_603 = arith.constant 128 : index
        %get3A_604 = tpu.vector_load %arg5[%get3A_602, %get3A_603] {strides = array<i32>} : memref<200x256xf32, #tpu.memory_space<vmem>>, vector<1x16xf32>,
        %get3A_605 = vector.shape_cast %get3A_604 : vector<1x16xf32> to vector<16xf32>
        %add3A_606 = arith.constant 1 : i32
        %add3A_607 = arith.addi %mul3A_146, %add3A_606 : i32
        %get3A_608 = arith.index_cast %add3A_607 : i32 to index
        %get3A_609 = arith.constant 128 : index
        %get3A_610 = tpu.vector_load %arg5[%get3A_608, %get3A_609] {strides = array<i32>} : memref<200x256xf32, #tpu.memory_space<vmem>>, vector<1x16xf32>,
        %get3A_611 = vector.shape_cast %get3A_610 : vector<1x16xf32> to vector<16xf32>
        %add3A_612 = arith.addf %get3A_605, %get3A_611 : vector<16xf32>
        %add3A_613 = arith.constant 2 : i32
        %add3A_614 = arith.addi %mul3A_146, %add3A_613 : i32
        %get3A_615 = arith.index_cast %add3A_614 : i32 to index
        %get3A_616 = arith.constant 128 : index
        %get3A_617 = tpu.vector_load %arg5[%get3A_615, %get3A_616] {strides = array<i32>} : memref<200x256xf32, #tpu.memory_space<vmem>>, vector<1x16xf32>,
        %get3A_618 = vector.shape_cast %get3A_617 : vector<1x16xf32> to vector<16xf32>
        %add3A_619 = arith.addf %add3A_612, %get3A_618 : vector<16xf32>
        %add3A_620 = arith.constant 3 : i32
        %add3A_621 = arith.addi %mul3A_146, %add3A_620 : i32
        %get3A_622 = arith.index_cast %add3A_621 : i32 to index
        %get3A_623 = arith.constant 128 : index
        %get3A_624 = tpu.vector_load %arg5[%get3A_622, %get3A_623] {strides = array<i32>} : memref<200x256xf32, #tpu.memory_space<vmem>>, vector<1x16xf32>,
        %get3A_625 = vector.shape_cast %get3A_624 : vector<1x16xf32> to vector<16xf32>
        %add3A_626 = arith.addf %add3A_619, %get3A_625 : vector<16xf32>
        %add3A_627 = arith.constant 4 : i32
        %add3A_628 = arith.addi %mul3A_146, %add3A_627 : i32
        %get3A_629 = arith.index_cast %add3A_628 : i32 to index
        %get3A_630 = arith.constant 128 : index
        %get3A_631 = tpu.vector_load %arg5[%get3A_629, %get3A_630] {strides = array<i32>} : memref<200x256xf32, #tpu.memory_space<vmem>>, vector<1x16xf32>,
        %get3A_632 = vector.shape_cast %get3A_631 : vector<1x16xf32> to vector<16xf32>
        %add3A_633 = arith.addf %add3A_626, %get3A_632 : vector<16xf32>
        %add3A_634 = arith.constant 5 : i32
        %add3A_635 = arith.addi %mul3A_146, %add3A_634 : i32
        %get3A_636 = arith.index_cast %add3A_635 : i32 to index
        %get3A_637 = arith.constant 128 : index
        %get3A_638 = tpu.vector_load %arg5[%get3A_636, %get3A_637] {strides = array<i32>} : memref<200x256xf32, #tpu.memory_space<vmem>>, vector<1x16xf32>,
        %get3A_639 = vector.shape_cast %get3A_638 : vector<1x16xf32> to vector<16xf32>
        %add3A_640 = arith.addf %add3A_633, %get3A_639 : vector<16xf32>
        %add3A_641 = arith.constant 6 : i32
        %add3A_642 = arith.addi %mul3A_146, %add3A_641 : i32
        %get3A_643 = arith.index_cast %add3A_642 : i32 to index
        %get3A_644 = arith.constant 128 : index
        %get3A_645 = tpu.vector_load %arg5[%get3A_643, %get3A_644] {strides = array<i32>} : memref<200x256xf32, #tpu.memory_space<vmem>>, vector<1x16xf32>,
        %get3A_646 = vector.shape_cast %get3A_645 : vector<1x16xf32> to vector<16xf32>
        %add3A_647 = arith.addf %add3A_640, %get3A_646 : vector<16xf32>
        %add3A_648 = arith.constant 7 : i32
        %add3A_649 = arith.addi %mul3A_146, %add3A_648 : i32
        %get3A_650 = arith.index_cast %add3A_649 : i32 to index
        %get3A_651 = arith.constant 128 : index
        %get3A_652 = tpu.vector_load %arg5[%get3A_650, %get3A_651] {strides = array<i32>} : memref<200x256xf32, #tpu.memory_space<vmem>>, vector<1x16xf32>,
        %get3A_653 = vector.shape_cast %get3A_652 : vector<1x16xf32> to vector<16xf32>
        %add3A_654 = arith.addf %add3A_647, %get3A_653 : vector<16xf32>
        %swap3A_655 = arith.constant 128 : index
        %swap3A_656 = tpu.vector_load %arg6[%swap3A_655] {strides = array<i32>} : memref<256xf32, #tpu.memory_space<vmem>>, vector<16xf32>,
        %swap3A_657 = vector.shape_cast %swap3A_656 : vector<16xf32> to vector<16xf32>
        %swap3A_658 = vector.shape_cast %add3A_654 : vector<16xf32> to vector<16xf32>
        tpu.vector_store %arg6[%swap3A_655], %swap3A_658 {add = true, strides = array<i32>} : memref<256xf32, #tpu.memory_space<vmem>>, vector<16xf32>,
        %get3A_659 = arith.index_cast %mul3A_146 : i32 to index
        %get3A_660 = arith.constant 144 : index
        %get3A_661 = tpu.vector_load %arg5[%get3A_659, %get3A_660] {strides = array<i32>} : memref<200x256xf32, #tpu.memory_space<vmem>>, vector<1x16xf32>,
        %get3A_662 = vector.shape_cast %get3A_661 : vector<1x16xf32> to vector<16xf32>
        %add3A_663 = arith.constant 1 : i32
        %add3A_664 = arith.addi %mul3A_146, %add3A_663 : i32
        %get3A_665 = arith.index_cast %add3A_664 : i32 to index
        %get3A_666 = arith.constant 144 : index
        %get3A_667 = tpu.vector_load %arg5[%get3A_665, %get3A_666] {strides = array<i32>} : memref<200x256xf32, #tpu.memory_space<vmem>>, vector<1x16xf32>,
        %get3A_668 = vector.shape_cast %get3A_667 : vector<1x16xf32> to vector<16xf32>
        %add3A_669 = arith.addf %get3A_662, %get3A_668 : vector<16xf32>
        %add3A_670 = arith.constant 2 : i32
        %add3A_671 = arith.addi %mul3A_146, %add3A_670 : i32
        %get3A_672 = arith.index_cast %add3A_671 : i32 to index
        %get3A_673 = arith.constant 144 : index
        %get3A_674 = tpu.vector_load %arg5[%get3A_672, %get3A_673] {strides = array<i32>} : memref<200x256xf32, #tpu.memory_space<vmem>>, vector<1x16xf32>,
        %get3A_675 = vector.shape_cast %get3A_674 : vector<1x16xf32> to vector<16xf32>
        %add3A_676 = arith.addf %add3A_669, %get3A_675 : vector<16xf32>
        %add3A_677 = arith.constant 3 : i32
        %add3A_678 = arith.addi %mul3A_146, %add3A_677 : i32
        %get3A_679 = arith.index_cast %add3A_678 : i32 to index
        %get3A_680 = arith.constant 144 : index
        %get3A_681 = tpu.vector_load %arg5[%get3A_679, %get3A_680] {strides = array<i32>} : memref<200x256xf32, #tpu.memory_space<vmem>>, vector<1x16xf32>,
        %get3A_682 = vector.shape_cast %get3A_681 : vector<1x16xf32> to vector<16xf32>
        %add3A_683 = arith.addf %add3A_676, %get3A_682 : vector<16xf32>
        %add3A_684 = arith.constant 4 : i32
        %add3A_685 = arith.addi %mul3A_146, %add3A_684 : i32
        %get3A_686 = arith.index_cast %add3A_685 : i32 to index
        %get3A_687 = arith.constant 144 : index
        %get3A_688 = tpu.vector_load %arg5[%get3A_686, %get3A_687] {strides = array<i32>} : memref<200x256xf32, #tpu.memory_space<vmem>>, vector<1x16xf32>,
        %get3A_689 = vector.shape_cast %get3A_688 : vector<1x16xf32> to vector<16xf32>
        %add3A_690 = arith.addf %add3A_683, %get3A_689 : vector<16xf32>
        %add3A_691 = arith.constant 5 : i32
        %add3A_692 = arith.addi %mul3A_146, %add3A_691 : i32
        %get3A_693 = arith.index_cast %add3A_692 : i32 to index
        %get3A_694 = arith.constant 144 : index
        %get3A_695 = tpu.vector_load %arg5[%get3A_693, %get3A_694] {strides = array<i32>} : memref<200x256xf32, #tpu.memory_space<vmem>>, vector<1x16xf32>,
        %get3A_696 = vector.shape_cast %get3A_695 : vector<1x16xf32> to vector<16xf32>
        %add3A_697 = arith.addf %add3A_690, %get3A_696 : vector<16xf32>
        %add3A_698 = arith.constant 6 : i32
        %add3A_699 = arith.addi %mul3A_146, %add3A_698 : i32
        %get3A_700 = arith.index_cast %add3A_699 : i32 to index
        %get3A_701 = arith.constant 144 : index
        %get3A_702 = tpu.vector_load %arg5[%get3A_700, %get3A_701] {strides = array<i32>} : memref<200x256xf32, #tpu.memory_space<vmem>>, vector<1x16xf32>,
        %get3A_703 = vector.shape_cast %get3A_702 : vector<1x16xf32> to vector<16xf32>
        %add3A_704 = arith.addf %add3A_697, %get3A_703 : vector<16xf32>
        %add3A_705 = arith.constant 7 : i32
        %add3A_706 = arith.addi %mul3A_146, %add3A_705 : i32
        %get3A_707 = arith.index_cast %add3A_706 : i32 to index
        %get3A_708 = arith.constant 144 : index
        %get3A_709 = tpu.vector_load %arg5[%get3A_707, %get3A_708] {strides = array<i32>} : memref<200x256xf32, #tpu.memory_space<vmem>>, vector<1x16xf32>,
        %get3A_710 = vector.shape_cast %get3A_709 : vector<1x16xf32> to vector<16xf32>
        %add3A_711 = arith.addf %add3A_704, %get3A_710 : vector<16xf32>
        %swap3A_712 = arith.constant 144 : index
        %swap3A_713 = tpu.vector_load %arg6[%swap3A_712] {strides = array<i32>} : memref<256xf32, #tpu.memory_space<vmem>>, vector<16xf32>,
        %swap3A_714 = vector.shape_cast %swap3A_713 : vector<16xf32> to vector<16xf32>
        %swap3A_715 = vector.shape_cast %add3A_711 : vector<16xf32> to vector<16xf32>
        tpu.vector_store %arg6[%swap3A_712], %swap3A_715 {add = true, strides = array<i32>} : memref<256xf32, #tpu.memory_space<vmem>>, vector<16xf32>,
        %get3A_716 = arith.index_cast %mul3A_146 : i32 to index
        %get3A_717 = arith.constant 160 : index
        %get3A_718 = tpu.vector_load %arg5[%get3A_716, %get3A_717] {strides = array<i32>} : memref<200x256xf32, #tpu.memory_space<vmem>>, vector<1x16xf32>,
        %get3A_719 = vector.shape_cast %get3A_718 : vector<1x16xf32> to vector<16xf32>
        %add3A_720 = arith.constant 1 : i32
        %add3A_721 = arith.addi %mul3A_146, %add3A_720 : i32
        %get3A_722 = arith.index_cast %add3A_721 : i32 to index
        %get3A_723 = arith.constant 160 : index
        %get3A_724 = tpu.vector_load %arg5[%get3A_722, %get3A_723] {strides = array<i32>} : memref<200x256xf32, #tpu.memory_space<vmem>>, vector<1x16xf32>,
        %get3A_725 = vector.shape_cast %get3A_724 : vector<1x16xf32> to vector<16xf32>
        %add3A_726 = arith.addf %get3A_719, %get3A_725 : vector<16xf32>
        %add3A_727 = arith.constant 2 : i32
        %add3A_728 = arith.addi %mul3A_146, %add3A_727 : i32
        %get3A_729 = arith.index_cast %add3A_728 : i32 to index
        %get3A_730 = arith.constant 160 : index
        %get3A_731 = tpu.vector_load %arg5[%get3A_729, %get3A_730] {strides = array<i32>} : memref<200x256xf32, #tpu.memory_space<vmem>>, vector<1x16xf32>,
        %get3A_732 = vector.shape_cast %get3A_731 : vector<1x16xf32> to vector<16xf32>
        %add3A_733 = arith.addf %add3A_726, %get3A_732 : vector<16xf32>
        %add3A_734 = arith.constant 3 : i32
        %add3A_735 = arith.addi %mul3A_146, %add3A_734 : i32
        %get3A_736 = arith.index_cast %add3A_735 : i32 to index
        %get3A_737 = arith.constant 160 : index
        %get3A_738 = tpu.vector_load %arg5[%get3A_736, %get3A_737] {strides = array<i32>} : memref<200x256xf32, #tpu.memory_space<vmem>>, vector<1x16xf32>,
        %get3A_739 = vector.shape_cast %get3A_738 : vector<1x16xf32> to vector<16xf32>
        %add3A_740 = arith.addf %add3A_733, %get3A_739 : vector<16xf32>
        %add3A_741 = arith.constant 4 : i32
        %add3A_742 = arith.addi %mul3A_146, %add3A_741 : i32
        %get3A_743 = arith.index_cast %add3A_742 : i32 to index
        %get3A_744 = arith.constant 160 : index
        %get3A_745 = tpu.vector_load %arg5[%get3A_743, %get3A_744] {strides = array<i32>} : memref<200x256xf32, #tpu.memory_space<vmem>>, vector<1x16xf32>,
        %get3A_746 = vector.shape_cast %get3A_745 : vector<1x16xf32> to vector<16xf32>
        %add3A_747 = arith.addf %add3A_740, %get3A_746 : vector<16xf32>
        %add3A_748 = arith.constant 5 : i32
        %add3A_749 = arith.addi %mul3A_146, %add3A_748 : i32
        %get3A_750 = arith.index_cast %add3A_749 : i32 to index
        %get3A_751 = arith.constant 160 : index
        %get3A_752 = tpu.vector_load %arg5[%get3A_750, %get3A_751] {strides = array<i32>} : memref<200x256xf32, #tpu.memory_space<vmem>>, vector<1x16xf32>,
        %get3A_753 = vector.shape_cast %get3A_752 : vector<1x16xf32> to vector<16xf32>
        %add3A_754 = arith.addf %add3A_747, %get3A_753 : vector<16xf32>
        %add3A_755 = arith.constant 6 : i32
        %add3A_756 = arith.addi %mul3A_146, %add3A_755 : i32
        %get3A_757 = arith.index_cast %add3A_756 : i32 to index
        %get3A_758 = arith.constant 160 : index
        %get3A_759 = tpu.vector_load %arg5[%get3A_757, %get3A_758] {strides = array<i32>} : memref<200x256xf32, #tpu.memory_space<vmem>>, vector<1x16xf32>,
        %get3A_760 = vector.shape_cast %get3A_759 : vector<1x16xf32> to vector<16xf32>
        %add3A_761 = arith.addf %add3A_754, %get3A_760 : vector<16xf32>
        %add3A_762 = arith.constant 7 : i32
        %add3A_763 = arith.addi %mul3A_146, %add3A_762 : i32
        %get3A_764 = arith.index_cast %add3A_763 : i32 to index
        %get3A_765 = arith.constant 160 : index
        %get3A_766 = tpu.vector_load %arg5[%get3A_764, %get3A_765] {strides = array<i32>} : memref<200x256xf32, #tpu.memory_space<vmem>>, vector<1x16xf32>,
        %get3A_767 = vector.shape_cast %get3A_766 : vector<1x16xf32> to vector<16xf32>
        %add3A_768 = arith.addf %add3A_761, %get3A_767 : vector<16xf32>
        %swap3A_769 = arith.constant 160 : index
        %swap3A_770 = tpu.vector_load %arg6[%swap3A_769] {strides = array<i32>} : memref<256xf32, #tpu.memory_space<vmem>>, vector<16xf32>,
        %swap3A_771 = vector.shape_cast %swap3A_770 : vector<16xf32> to vector<16xf32>
        %swap3A_772 = vector.shape_cast %add3A_768 : vector<16xf32> to vector<16xf32>
        tpu.vector_store %arg6[%swap3A_769], %swap3A_772 {add = true, strides = array<i32>} : memref<256xf32, #tpu.memory_space<vmem>>, vector<16xf32>,
        %get3A_773 = arith.index_cast %mul3A_146 : i32 to index
        %get3A_774 = arith.constant 176 : index
        %get3A_775 = tpu.vector_load %arg5[%get3A_773, %get3A_774] {strides = array<i32>} : memref<200x256xf32, #tpu.memory_space<vmem>>, vector<1x16xf32>,
        %get3A_776 = vector.shape_cast %get3A_775 : vector<1x16xf32> to vector<16xf32>
        %add3A_777 = arith.constant 1 : i32
        %add3A_778 = arith.addi %mul3A_146, %add3A_777 : i32
        %get3A_779 = arith.index_cast %add3A_778 : i32 to index
        %get3A_780 = arith.constant 176 : index
        %get3A_781 = tpu.vector_load %arg5[%get3A_779, %get3A_780] {strides = array<i32>} : memref<200x256xf32, #tpu.memory_space<vmem>>, vector<1x16xf32>,
        %get3A_782 = vector.shape_cast %get3A_781 : vector<1x16xf32> to vector<16xf32>
        %add3A_783 = arith.addf %get3A_776, %get3A_782 : vector<16xf32>
        %add3A_784 = arith.constant 2 : i32
        %add3A_785 = arith.addi %mul3A_146, %add3A_784 : i32
        %get3A_786 = arith.index_cast %add3A_785 : i32 to index
        %get3A_787 = arith.constant 176 : index
        %get3A_788 = tpu.vector_load %arg5[%get3A_786, %get3A_787] {strides = array<i32>} : memref<200x256xf32, #tpu.memory_space<vmem>>, vector<1x16xf32>,
        %get3A_789 = vector.shape_cast %get3A_788 : vector<1x16xf32> to vector<16xf32>
        %add3A_790 = arith.addf %add3A_783, %get3A_789 : vector<16xf32>
        %add3A_791 = arith.constant 3 : i32
        %add3A_792 = arith.addi %mul3A_146, %add3A_791 : i32
        %get3A_793 = arith.index_cast %add3A_792 : i32 to index
        %get3A_794 = arith.constant 176 : index
        %get3A_795 = tpu.vector_load %arg5[%get3A_793, %get3A_794] {strides = array<i32>} : memref<200x256xf32, #tpu.memory_space<vmem>>, vector<1x16xf32>,
        %get3A_796 = vector.shape_cast %get3A_795 : vector<1x16xf32> to vector<16xf32>
        %add3A_797 = arith.addf %add3A_790, %get3A_796 : vector<16xf32>
        %add3A_798 = arith.constant 4 : i32
        %add3A_799 = arith.addi %mul3A_146, %add3A_798 : i32
        %get3A_800 = arith.index_cast %add3A_799 : i32 to index
        %get3A_801 = arith.constant 176 : index
        %get3A_802 = tpu.vector_load %arg5[%get3A_800, %get3A_801] {strides = array<i32>} : memref<200x256xf32, #tpu.memory_space<vmem>>, vector<1x16xf32>,
        %get3A_803 = vector.shape_cast %get3A_802 : vector<1x16xf32> to vector<16xf32>
        %add3A_804 = arith.addf %add3A_797, %get3A_803 : vector<16xf32>
        %add3A_805 = arith.constant 5 : i32
        %add3A_806 = arith.addi %mul3A_146, %add3A_805 : i32
        %get3A_807 = arith.index_cast %add3A_806 : i32 to index
        %get3A_808 = arith.constant 176 : index
        %get3A_809 = tpu.vector_load %arg5[%get3A_807, %get3A_808] {strides = array<i32>} : memref<200x256xf32, #tpu.memory_space<vmem>>, vector<1x16xf32>,
        %get3A_810 = vector.shape_cast %get3A_809 : vector<1x16xf32> to vector<16xf32>
        %add3A_811 = arith.addf %add3A_804, %get3A_810 : vector<16xf32>
        %add3A_812 = arith.constant 6 : i32
        %add3A_813 = arith.addi %mul3A_146, %add3A_812 : i32
        %get3A_814 = arith.index_cast %add3A_813 : i32 to index
        %get3A_815 = arith.constant 176 : index
        %get3A_816 = tpu.vector_load %arg5[%get3A_814, %get3A_815] {strides = array<i32>} : memref<200x256xf32, #tpu.memory_space<vmem>>, vector<1x16xf32>,
        %get3A_817 = vector.shape_cast %get3A_816 : vector<1x16xf32> to vector<16xf32>
        %add3A_818 = arith.addf %add3A_811, %get3A_817 : vector<16xf32>
        %add3A_819 = arith.constant 7 : i32
        %add3A_820 = arith.addi %mul3A_146, %add3A_819 : i32
        %get3A_821 = arith.index_cast %add3A_820 : i32 to index
        %get3A_822 = arith.constant 176 : index
        %get3A_823 = tpu.vector_load %arg5[%get3A_821, %get3A_822] {strides = array<i32>} : memref<200x256xf32, #tpu.memory_space<vmem>>, vector<1x16xf32>,
        %get3A_824 = vector.shape_cast %get3A_823 : vector<1x16xf32> to vector<16xf32>
        %add3A_825 = arith.addf %add3A_818, %get3A_824 : vector<16xf32>
        %swap3A_826 = arith.constant 176 : index
        %swap3A_827 = tpu.vector_load %arg6[%swap3A_826] {strides = array<i32>} : memref<256xf32, #tpu.memory_space<vmem>>, vector<16xf32>,
        %swap3A_828 = vector.shape_cast %swap3A_827 : vector<16xf32> to vector<16xf32>
        %swap3A_829 = vector.shape_cast %add3A_825 : vector<16xf32> to vector<16xf32>
        tpu.vector_store %arg6[%swap3A_826], %swap3A_829 {add = true, strides = array<i32>} : memref<256xf32, #tpu.memory_space<vmem>>, vector<16xf32>,
        %get3A_830 = arith.index_cast %mul3A_146 : i32 to index
        %get3A_831 = arith.constant 192 : index
        %get3A_832 = tpu.vector_load %arg5[%get3A_830, %get3A_831] {strides = array<i32>} : memref<200x256xf32, #tpu.memory_space<vmem>>, vector<1x16xf32>,
        %get3A_833 = vector.shape_cast %get3A_832 : vector<1x16xf32> to vector<16xf32>
        %add3A_834 = arith.constant 1 : i32
        %add3A_835 = arith.addi %mul3A_146, %add3A_834 : i32
        %get3A_836 = arith.index_cast %add3A_835 : i32 to index
        %get3A_837 = arith.constant 192 : index
        %get3A_838 = tpu.vector_load %arg5[%get3A_836, %get3A_837] {strides = array<i32>} : memref<200x256xf32, #tpu.memory_space<vmem>>, vector<1x16xf32>,
        %get3A_839 = vector.shape_cast %get3A_838 : vector<1x16xf32> to vector<16xf32>
        %add3A_840 = arith.addf %get3A_833, %get3A_839 : vector<16xf32>
        %add3A_841 = arith.constant 2 : i32
        %add3A_842 = arith.addi %mul3A_146, %add3A_841 : i32
        %get3A_843 = arith.index_cast %add3A_842 : i32 to index
        %get3A_844 = arith.constant 192 : index
        %get3A_845 = tpu.vector_load %arg5[%get3A_843, %get3A_844] {strides = array<i32>} : memref<200x256xf32, #tpu.memory_space<vmem>>, vector<1x16xf32>,
        %get3A_846 = vector.shape_cast %get3A_845 : vector<1x16xf32> to vector<16xf32>
        %add3A_847 = arith.addf %add3A_840, %get3A_846 : vector<16xf32>
        %add3A_848 = arith.constant 3 : i32
        %add3A_849 = arith.addi %mul3A_146, %add3A_848 : i32
        %get3A_850 = arith.index_cast %add3A_849 : i32 to index
        %get3A_851 = arith.constant 192 : index
        %get3A_852 = tpu.vector_load %arg5[%get3A_850, %get3A_851] {strides = array<i32>} : memref<200x256xf32, #tpu.memory_space<vmem>>, vector<1x16xf32>,
        %get3A_853 = vector.shape_cast %get3A_852 : vector<1x16xf32> to vector<16xf32>
        %add3A_854 = arith.addf %add3A_847, %get3A_853 : vector<16xf32>
        %add3A_855 = arith.constant 4 : i32
        %add3A_856 = arith.addi %mul3A_146, %add3A_855 : i32
        %get3A_857 = arith.index_cast %add3A_856 : i32 to index
        %get3A_858 = arith.constant 192 : index
        %get3A_859 = tpu.vector_load %arg5[%get3A_857, %get3A_858] {strides = array<i32>} : memref<200x256xf32, #tpu.memory_space<vmem>>, vector<1x16xf32>,
        %get3A_860 = vector.shape_cast %get3A_859 : vector<1x16xf32> to vector<16xf32>
        %add3A_861 = arith.addf %add3A_854, %get3A_860 : vector<16xf32>
        %add3A_862 = arith.constant 5 : i32
        %add3A_863 = arith.addi %mul3A_146, %add3A_862 : i32
        %get3A_864 = arith.index_cast %add3A_863 : i32 to index
        %get3A_865 = arith.constant 192 : index
        %get3A_866 = tpu.vector_load %arg5[%get3A_864, %get3A_865] {strides = array<i32>} : memref<200x256xf32, #tpu.memory_space<vmem>>, vector<1x16xf32>,
        %get3A_867 = vector.shape_cast %get3A_866 : vector<1x16xf32> to vector<16xf32>
        %add3A_868 = arith.addf %add3A_861, %get3A_867 : vector<16xf32>
        %add3A_869 = arith.constant 6 : i32
        %add3A_870 = arith.addi %mul3A_146, %add3A_869 : i32
        %get3A_871 = arith.index_cast %add3A_870 : i32 to index
        %get3A_872 = arith.constant 192 : index
        %get3A_873 = tpu.vector_load %arg5[%get3A_871, %get3A_872] {strides = array<i32>} : memref<200x256xf32, #tpu.memory_space<vmem>>, vector<1x16xf32>,
        %get3A_874 = vector.shape_cast %get3A_873 : vector<1x16xf32> to vector<16xf32>
        %add3A_875 = arith.addf %add3A_868, %get3A_874 : vector<16xf32>
        %add3A_876 = arith.constant 7 : i32
        %add3A_877 = arith.addi %mul3A_146, %add3A_876 : i32
        %get3A_878 = arith.index_cast %add3A_877 : i32 to index
        %get3A_879 = arith.constant 192 : index
        %get3A_880 = tpu.vector_load %arg5[%get3A_878, %get3A_879] {strides = array<i32>} : memref<200x256xf32, #tpu.memory_space<vmem>>, vector<1x16xf32>,
        %get3A_881 = vector.shape_cast %get3A_880 : vector<1x16xf32> to vector<16xf32>
        %add3A_882 = arith.addf %add3A_875, %get3A_881 : vector<16xf32>
        %swap3A_883 = arith.constant 192 : index
        %swap3A_884 = tpu.vector_load %arg6[%swap3A_883] {strides = array<i32>} : memref<256xf32, #tpu.memory_space<vmem>>, vector<16xf32>,
        %swap3A_885 = vector.shape_cast %swap3A_884 : vector<16xf32> to vector<16xf32>
        %swap3A_886 = vector.shape_cast %add3A_882 : vector<16xf32> to vector<16xf32>
        tpu.vector_store %arg6[%swap3A_883], %swap3A_886 {add = true, strides = array<i32>} : memref<256xf32, #tpu.memory_space<vmem>>, vector<16xf32>,
        %get3A_887 = arith.index_cast %mul3A_146 : i32 to index
        %get3A_888 = arith.constant 208 : index
        %get3A_889 = tpu.vector_load %arg5[%get3A_887, %get3A_888] {strides = array<i32>} : memref<200x256xf32, #tpu.memory_space<vmem>>, vector<1x16xf32>,
        %get3A_890 = vector.shape_cast %get3A_889 : vector<1x16xf32> to vector<16xf32>
        %add3A_891 = arith.constant 1 : i32
        %add3A_892 = arith.addi %mul3A_146, %add3A_891 : i32
        %get3A_893 = arith.index_cast %add3A_892 : i32 to index
        %get3A_894 = arith.constant 208 : index
        %get3A_895 = tpu.vector_load %arg5[%get3A_893, %get3A_894] {strides = array<i32>} : memref<200x256xf32, #tpu.memory_space<vmem>>, vector<1x16xf32>,
        %get3A_896 = vector.shape_cast %get3A_895 : vector<1x16xf32> to vector<16xf32>
        %add3A_897 = arith.addf %get3A_890, %get3A_896 : vector<16xf32>
        %add3A_898 = arith.constant 2 : i32
        %add3A_899 = arith.addi %mul3A_146, %add3A_898 : i32
        %get3A_900 = arith.index_cast %add3A_899 : i32 to index
        %get3A_901 = arith.constant 208 : index
        %get3A_902 = tpu.vector_load %arg5[%get3A_900, %get3A_901] {strides = array<i32>} : memref<200x256xf32, #tpu.memory_space<vmem>>, vector<1x16xf32>,
        %get3A_903 = vector.shape_cast %get3A_902 : vector<1x16xf32> to vector<16xf32>
        %add3A_904 = arith.addf %add3A_897, %get3A_903 : vector<16xf32>
        %add3A_905 = arith.constant 3 : i32
        %add3A_906 = arith.addi %mul3A_146, %add3A_905 : i32
        %get3A_907 = arith.index_cast %add3A_906 : i32 to index
        %get3A_908 = arith.constant 208 : index
        %get3A_909 = tpu.vector_load %arg5[%get3A_907, %get3A_908] {strides = array<i32>} : memref<200x256xf32, #tpu.memory_space<vmem>>, vector<1x16xf32>,
        %get3A_910 = vector.shape_cast %get3A_909 : vector<1x16xf32> to vector<16xf32>
        %add3A_911 = arith.addf %add3A_904, %get3A_910 : vector<16xf32>
        %add3A_912 = arith.constant 4 : i32
        %add3A_913 = arith.addi %mul3A_146, %add3A_912 : i32
        %get3A_914 = arith.index_cast %add3A_913 : i32 to index
        %get3A_915 = arith.constant 208 : index
        %get3A_916 = tpu.vector_load %arg5[%get3A_914, %get3A_915] {strides = array<i32>} : memref<200x256xf32, #tpu.memory_space<vmem>>, vector<1x16xf32>,
        %get3A_917 = vector.shape_cast %get3A_916 : vector<1x16xf32> to vector<16xf32>
        %add3A_918 = arith.addf %add3A_911, %get3A_917 : vector<16xf32>
        %add3A_919 = arith.constant 5 : i32
        %add3A_920 = arith.addi %mul3A_146, %add3A_919 : i32
        %get3A_921 = arith.index_cast %add3A_920 : i32 to index
        %get3A_922 = arith.constant 208 : index
        %get3A_923 = tpu.vector_load %arg5[%get3A_921, %get3A_922] {strides = array<i32>} : memref<200x256xf32, #tpu.memory_space<vmem>>, vector<1x16xf32>,
        %get3A_924 = vector.shape_cast %get3A_923 : vector<1x16xf32> to vector<16xf32>
        %add3A_925 = arith.addf %add3A_918, %get3A_924 : vector<16xf32>
        %add3A_926 = arith.constant 6 : i32
        %add3A_927 = arith.addi %mul3A_146, %add3A_926 : i32
        %get3A_928 = arith.index_cast %add3A_927 : i32 to index
        %get3A_929 = arith.constant 208 : index
        %get3A_930 = tpu.vector_load %arg5[%get3A_928, %get3A_929] {strides = array<i32>} : memref<200x256xf32, #tpu.memory_space<vmem>>, vector<1x16xf32>,
        %get3A_931 = vector.shape_cast %get3A_930 : vector<1x16xf32> to vector<16xf32>
        %add3A_932 = arith.addf %add3A_925, %get3A_931 : vector<16xf32>
        %add3A_933 = arith.constant 7 : i32
        %add3A_934 = arith.addi %mul3A_146, %add3A_933 : i32
        %get3A_935 = arith.index_cast %add3A_934 : i32 to index
        %get3A_936 = arith.constant 208 : index
        %get3A_937 = tpu.vector_load %arg5[%get3A_935, %get3A_936] {strides = array<i32>} : memref<200x256xf32, #tpu.memory_space<vmem>>, vector<1x16xf32>,
        %get3A_938 = vector.shape_cast %get3A_937 : vector<1x16xf32> to vector<16xf32>
        %add3A_939 = arith.addf %add3A_932, %get3A_938 : vector<16xf32>
        %swap3A_940 = arith.constant 208 : index
        %swap3A_941 = tpu.vector_load %arg6[%swap3A_940] {strides = array<i32>} : memref<256xf32, #tpu.memory_space<vmem>>, vector<16xf32>,
        %swap3A_942 = vector.shape_cast %swap3A_941 : vector<16xf32> to vector<16xf32>
        %swap3A_943 = vector.shape_cast %add3A_939 : vector<16xf32> to vector<16xf32>
        tpu.vector_store %arg6[%swap3A_940], %swap3A_943 {add = true, strides = array<i32>} : memref<256xf32, #tpu.memory_space<vmem>>, vector<16xf32>,
        %get3A_944 = arith.index_cast %mul3A_146 : i32 to index
        %get3A_945 = arith.constant 224 : index
        %get3A_946 = tpu.vector_load %arg5[%get3A_944, %get3A_945] {strides = array<i32>} : memref<200x256xf32, #tpu.memory_space<vmem>>, vector<1x16xf32>,
        %get3A_947 = vector.shape_cast %get3A_946 : vector<1x16xf32> to vector<16xf32>
        %add3A_948 = arith.constant 1 : i32
        %add3A_949 = arith.addi %mul3A_146, %add3A_948 : i32
        %get3A_950 = arith.index_cast %add3A_949 : i32 to index
        %get3A_951 = arith.constant 224 : index
        %get3A_952 = tpu.vector_load %arg5[%get3A_950, %get3A_951] {strides = array<i32>} : memref<200x256xf32, #tpu.memory_space<vmem>>, vector<1x16xf32>,
        %get3A_953 = vector.shape_cast %get3A_952 : vector<1x16xf32> to vector<16xf32>
        %add3A_954 = arith.addf %get3A_947, %get3A_953 : vector<16xf32>
        %add3A_955 = arith.constant 2 : i32
        %add3A_956 = arith.addi %mul3A_146, %add3A_955 : i32
        %get3A_957 = arith.index_cast %add3A_956 : i32 to index
        %get3A_958 = arith.constant 224 : index
        %get3A_959 = tpu.vector_load %arg5[%get3A_957, %get3A_958] {strides = array<i32>} : memref<200x256xf32, #tpu.memory_space<vmem>>, vector<1x16xf32>,
        %get3A_960 = vector.shape_cast %get3A_959 : vector<1x16xf32> to vector<16xf32>
        %add3A_961 = arith.addf %add3A_954, %get3A_960 : vector<16xf32>
        %add3A_962 = arith.constant 3 : i32
        %add3A_963 = arith.addi %mul3A_146, %add3A_962 : i32
        %get3A_964 = arith.index_cast %add3A_963 : i32 to index
        %get3A_965 = arith.constant 224 : index
        %get3A_966 = tpu.vector_load %arg5[%get3A_964, %get3A_965] {strides = array<i32>} : memref<200x256xf32, #tpu.memory_space<vmem>>, vector<1x16xf32>,
        %get3A_967 = vector.shape_cast %get3A_966 : vector<1x16xf32> to vector<16xf32>
        %add3A_968 = arith.addf %add3A_961, %get3A_967 : vector<16xf32>
        %add3A_969 = arith.constant 4 : i32
        %add3A_970 = arith.addi %mul3A_146, %add3A_969 : i32
        %get3A_971 = arith.index_cast %add3A_970 : i32 to index
        %get3A_972 = arith.constant 224 : index
        %get3A_973 = tpu.vector_load %arg5[%get3A_971, %get3A_972] {strides = array<i32>} : memref<200x256xf32, #tpu.memory_space<vmem>>, vector<1x16xf32>,
        %get3A_974 = vector.shape_cast %get3A_973 : vector<1x16xf32> to vector<16xf32>
        %add3A_975 = arith.addf %add3A_968, %get3A_974 : vector<16xf32>
        %add3A_976 = arith.constant 5 : i32
        %add3A_977 = arith.addi %mul3A_146, %add3A_976 : i32
        %get3A_978 = arith.index_cast %add3A_977 : i32 to index
        %get3A_979 = arith.constant 224 : index
        %get3A_980 = tpu.vector_load %arg5[%get3A_978, %get3A_979] {strides = array<i32>} : memref<200x256xf32, #tpu.memory_space<vmem>>, vector<1x16xf32>,
        %get3A_981 = vector.shape_cast %get3A_980 : vector<1x16xf32> to vector<16xf32>
        %add3A_982 = arith.addf %add3A_975, %get3A_981 : vector<16xf32>
        %add3A_983 = arith.constant 6 : i32
        %add3A_984 = arith.addi %mul3A_146, %add3A_983 : i32
        %get3A_985 = arith.index_cast %add3A_984 : i32 to index
        %get3A_986 = arith.constant 224 : index
        %get3A_987 = tpu.vector_load %arg5[%get3A_985, %get3A_986] {strides = array<i32>} : memref<200x256xf32, #tpu.memory_space<vmem>>, vector<1x16xf32>,
        %get3A_988 = vector.shape_cast %get3A_987 : vector<1x16xf32> to vector<16xf32>
        %add3A_989 = arith.addf %add3A_982, %get3A_988 : vector<16xf32>
        %add3A_990 = arith.constant 7 : i32
        %add3A_991 = arith.addi %mul3A_146, %add3A_990 : i32
        %get3A_992 = arith.index_cast %add3A_991 : i32 to index
        %get3A_993 = arith.constant 224 : index
        %get3A_994 = tpu.vector_load %arg5[%get3A_992, %get3A_993] {strides = array<i32>} : memref<200x256xf32, #tpu.memory_space<vmem>>, vector<1x16xf32>,
        %get3A_995 = vector.shape_cast %get3A_994 : vector<1x16xf32> to vector<16xf32>
        %add3A_996 = arith.addf %add3A_989, %get3A_995 : vector<16xf32>
        %swap3A_997 = arith.constant 224 : index
        %swap3A_998 = tpu.vector_load %arg6[%swap3A_997] {strides = array<i32>} : memref<256xf32, #tpu.memory_space<vmem>>, vector<16xf32>,
        %swap3A_999 = vector.shape_cast %swap3A_998 : vector<16xf32> to vector<16xf32>
        %swap3A_1000 = vector.shape_cast %add3A_996 : vector<16xf32> to vector<16xf32>
        tpu.vector_store %arg6[%swap3A_997], %swap3A_1000 {add = true, strides = array<i32>} : memref<256xf32, #tpu.memory_space<vmem>>, vector<16xf32>,
        %get3A_1001 = arith.index_cast %mul3A_146 : i32 to index
        %get3A_1002 = arith.constant 240 : index
        %get3A_1003 = tpu.vector_load %arg5[%get3A_1001, %get3A_1002] {strides = array<i32>} : memref<200x256xf32, #tpu.memory_space<vmem>>, vector<1x16xf32>,
        %get3A_1004 = vector.shape_cast %get3A_1003 : vector<1x16xf32> to vector<16xf32>
        %add3A_1005 = arith.constant 1 : i32
        %add3A_1006 = arith.addi %mul3A_146, %add3A_1005 : i32
        %get3A_1007 = arith.index_cast %add3A_1006 : i32 to index
        %get3A_1008 = arith.constant 240 : index
        %get3A_1009 = tpu.vector_load %arg5[%get3A_1007, %get3A_1008] {strides = array<i32>} : memref<200x256xf32, #tpu.memory_space<vmem>>, vector<1x16xf32>,
        %get3A_1010 = vector.shape_cast %get3A_1009 : vector<1x16xf32> to vector<16xf32>
        %add3A_1011 = arith.addf %get3A_1004, %get3A_1010 : vector<16xf32>
        %add3A_1012 = arith.constant 2 : i32
        %add3A_1013 = arith.addi %mul3A_146, %add3A_1012 : i32
        %get3A_1014 = arith.index_cast %add3A_1013 : i32 to index
        %get3A_1015 = arith.constant 240 : index
        %get3A_1016 = tpu.vector_load %arg5[%get3A_1014, %get3A_1015] {strides = array<i32>} : memref<200x256xf32, #tpu.memory_space<vmem>>, vector<1x16xf32>,
        %get3A_1017 = vector.shape_cast %get3A_1016 : vector<1x16xf32> to vector<16xf32>
        %add3A_1018 = arith.addf %add3A_1011, %get3A_1017 : vector<16xf32>
        %add3A_1019 = arith.constant 3 : i32
        %add3A_1020 = arith.addi %mul3A_146, %add3A_1019 : i32
        %get3A_1021 = arith.index_cast %add3A_1020 : i32 to index
        %get3A_1022 = arith.constant 240 : index
        %get3A_1023 = tpu.vector_load %arg5[%get3A_1021, %get3A_1022] {strides = array<i32>} : memref<200x256xf32, #tpu.memory_space<vmem>>, vector<1x16xf32>,
        %get3A_1024 = vector.shape_cast %get3A_1023 : vector<1x16xf32> to vector<16xf32>
        %add3A_1025 = arith.addf %add3A_1018, %get3A_1024 : vector<16xf32>
        %add3A_1026 = arith.constant 4 : i32
        %add3A_1027 = arith.addi %mul3A_146, %add3A_1026 : i32
        %get3A_1028 = arith.index_cast %add3A_1027 : i32 to index
        %get3A_1029 = arith.constant 240 : index
        %get3A_1030 = tpu.vector_load %arg5[%get3A_1028, %get3A_1029] {strides = array<i32>} : memref<200x256xf32, #tpu.memory_space<vmem>>, vector<1x16xf32>,
        %get3A_1031 = vector.shape_cast %get3A_1030 : vector<1x16xf32> to vector<16xf32>
        %add3A_1032 = arith.addf %add3A_1025, %get3A_1031 : vector<16xf32>
        %add3A_1033 = arith.constant 5 : i32
        %add3A_1034 = arith.addi %mul3A_146, %add3A_1033 : i32
        %get3A_1035 = arith.index_cast %add3A_1034 : i32 to index
        %get3A_1036 = arith.constant 240 : index
        %get3A_1037 = tpu.vector_load %arg5[%get3A_1035, %get3A_1036] {strides = array<i32>} : memref<200x256xf32, #tpu.memory_space<vmem>>, vector<1x16xf32>,
        %get3A_1038 = vector.shape_cast %get3A_1037 : vector<1x16xf32> to vector<16xf32>
        %add3A_1039 = arith.addf %add3A_1032, %get3A_1038 : vector<16xf32>
        %add3A_1040 = arith.constant 6 : i32
        %add3A_1041 = arith.addi %mul3A_146, %add3A_1040 : i32
        %get3A_1042 = arith.index_cast %add3A_1041 : i32 to index
        %get3A_1043 = arith.constant 240 : index
        %get3A_1044 = tpu.vector_load %arg5[%get3A_1042, %get3A_1043] {strides = array<i32>} : memref<200x256xf32, #tpu.memory_space<vmem>>, vector<1x16xf32>,
        %get3A_1045 = vector.shape_cast %get3A_1044 : vector<1x16xf32> to vector<16xf32>
        %add3A_1046 = arith.addf %add3A_1039, %get3A_1045 : vector<16xf32>
        %add3A_1047 = arith.constant 7 : i32
        %add3A_1048 = arith.addi %mul3A_146, %add3A_1047 : i32
        %get3A_1049 = arith.index_cast %add3A_1048 : i32 to index
        %get3A_1050 = arith.constant 240 : index
        %get3A_1051 = tpu.vector_load %arg5[%get3A_1049, %get3A_1050] {strides = array<i32>} : memref<200x256xf32, #tpu.memory_space<vmem>>, vector<1x16xf32>,
        %get3A_1052 = vector.shape_cast %get3A_1051 : vector<1x16xf32> to vector<16xf32>
        %add3A_1053 = arith.addf %add3A_1046, %get3A_1052 : vector<16xf32>
        %swap3A_1054 = arith.constant 240 : index
        %swap3A_1055 = tpu.vector_load %arg6[%swap3A_1054] {strides = array<i32>} : memref<256xf32, #tpu.memory_space<vmem>>, vector<16xf32>,
        %swap3A_1056 = vector.shape_cast %swap3A_1055 : vector<16xf32> to vector<16xf32>
        %swap3A_1057 = vector.shape_cast %add3A_1053 : vector<16xf32> to vector<16xf32>
        tpu.vector_store %arg6[%swap3A_1054], %swap3A_1057 {add = true, strides = array<i32>} : memref<256xf32, #tpu.memory_space<vmem>>, vector<16xf32>,
      }
      %scan3A_143 = arith.constant 25 : i32
    }
    %scan3A_104 = arith.constant 5 : i32
    "tpu.region"() ({
      %run_scoped3A = tpu.sem_alloc : memref<!tpu.dma_semaphore, #tpu.memory_space<semaphore_mem>>
      %dma_start3A_105 = arith.constant 0 : i32
      %dma_start3A_106 = tpu.memref_slice %arg3[%add3A, %dma_start3A_105] : memref<32x256xf32, #tpu.memory_space<hbm>> -> memref<1x256xf32, #tpu.memory_space<hbm>>
      %dma_start3A_107 = tpu.memref_squeeze %dma_start3A_106 : memref<1x256xf32, #tpu.memory_space<hbm>> -> memref<256xf32, #tpu.memory_space<hbm>>
      %dma_start3A_108 = arith.constant 0 : i32
      %dma_start3A_109 = tpu.memref_slice %arg3[%add3A, %dma_start3A_108] : memref<32x256xf32, #tpu.memory_space<hbm>> -> memref<1x256xf32, #tpu.memory_space<hbm>>
      %dma_start3A_110 = tpu.memref_squeeze %dma_start3A_109 : memref<1x256xf32, #tpu.memory_space<hbm>> -> memref<256xf32, #tpu.memory_space<hbm>>
      tpu.enqueue_dma source(%arg6 : memref<256xf32, #tpu.memory_space<vmem>>) target(%dma_start3A_110 : memref<256xf32, #tpu.memory_space<hbm>>) target_semaphore(%run_scoped3A : memref<!tpu.dma_semaphore, #tpu.memory_space<semaphore_mem>>)
      %dma_wait3A = arith.constant 0 : i32
      %dma_wait3A_111 = tpu.memref_slice %arg3[%add3A, %dma_wait3A] : memref<32x256xf32, #tpu.memory_space<hbm>> -> memref<1x256xf32, #tpu.memory_space<hbm>>
      %dma_wait3A_112 = tpu.memref_squeeze %dma_wait3A_111 : memref<1x256xf32, #tpu.memory_space<hbm>> -> memref<256xf32, #tpu.memory_space<hbm>>
      %dma_wait3A_113 = arith.constant 0 : i32
      %dma_wait3A_114 = tpu.memref_slice %arg3[%add3A, %dma_wait3A_113] : memref<32x256xf32, #tpu.memory_space<hbm>> -> memref<1x256xf32, #tpu.memory_space<hbm>>
      %dma_wait3A_115 = tpu.memref_squeeze %dma_wait3A_114 : memref<1x256xf32, #tpu.memory_space<hbm>> -> memref<256xf32, #tpu.memory_space<hbm>>
      tpu.wait_dma2 semaphore(%run_scoped3A : memref<!tpu.dma_semaphore, #tpu.memory_space<semaphore_mem>>) src(%arg6 : memref<256xf32, #tpu.memory_space<vmem>>) dst(%dma_wait3A_115 : memref<256xf32, #tpu.memory_space<hbm>>)
      tpu.yield
    }) : () -> ()
    return
  }
}

module attributes {stable_mosaic.version = 14 : i64} {
  func.func @_tc_body(%arg0: i32, %arg1: memref<400x512xf32, #tpu.memory_space<vmem>>, %arg2: memref<3840x256xf32, #tpu.memory_space<vmem>>, %arg3: memref<2x512xf32, #tpu.memory_space<vmem>>, %arg4: memref<1x512xf32, #tpu.memory_space<vmem>>, %arg5: memref<1x256xf32, #tpu.memory_space<vmem>>) attributes {dimension_semantics = [#tpu.dimension_semantics<arbitrary>], iteration_bounds = array<i64: 25>, scalar_prefetch = 0 : i64, scratch_operands = 2 : i64, tpu.core_type = #tpu.core_type<tc>, window_params = [{transform_indices = @transform_0, window_bounds = array<i64: 400, 512>}, {transform_indices = @transform_1, window_bounds = array<i64: 3840, 256>}, {pipeline_mode = #tpu.pipeline_mode<synchronous>, transform_indices = @transform_2, window_bounds = array<i64: 2, 512>}]} {
    %eq3A = arith.constant 0 : i32
    %eq3A_0 = arith.cmpi eq, %arg0, %eq3A : i32
    %convert_element_type3A = arith.extui %eq3A_0 : i1 to i32
    %cond3A = arith.constant 0 : i32
    %cond3A_1 = arith.cmpi ne, %convert_element_type3A, %cond3A : i32
    scf.if %cond3A_1 {
      %broadcast_in_dim3A_28 = arith.constant 0.000000e+00 : f32
      %broadcast_in_dim3A_29 = vector.broadcast %broadcast_in_dim3A_28 : f32 to vector<1x512xf32>
      %swap3A_30 = arith.constant 0 : index
      %swap3A_31 = arith.constant 0 : index
      %swap3A_32 = vector.load %arg4[%swap3A_30, %swap3A_31] : memref<1x512xf32, #tpu.memory_space<vmem>>, vector<1x512xf32>
      tpu.vector_store %arg4[%swap3A_30, %swap3A_31], %broadcast_in_dim3A_29 {strides = array<i32>} : memref<1x512xf32, #tpu.memory_space<vmem>>, vector<1x512xf32>,
      %broadcast_in_dim3A_33 = arith.constant 0.000000e+00 : f32
      %broadcast_in_dim3A_34 = vector.broadcast %broadcast_in_dim3A_33 : f32 to vector<1x256xf32>
      %swap3A_35 = arith.constant 0 : index
      %swap3A_36 = arith.constant 0 : index
      %swap3A_37 = vector.load %arg5[%swap3A_35, %swap3A_36] : memref<1x256xf32, #tpu.memory_space<vmem>>, vector<1x256xf32>
      tpu.vector_store %arg5[%swap3A_35, %swap3A_36], %broadcast_in_dim3A_34 {strides = array<i32>} : memref<1x256xf32, #tpu.memory_space<vmem>>, vector<1x256xf32>,
    } else {
    }
    %get3A = arith.constant 0 : index
    %get3A_2 = arith.constant 0 : index
    %get3A_3 = vector.load %arg4[%get3A, %get3A_2] : memref<1x512xf32, #tpu.memory_space<vmem>>, vector<1x512xf32>
    %get3A_4 = arith.constant 0 : index
    %get3A_5 = arith.constant 0 : index
    %get3A_6 = vector.load %arg1[%get3A_4, %get3A_5] : memref<400x512xf32, #tpu.memory_space<vmem>>, vector<400x512xf32>
    %reduce_sum3A = arith.constant dense<0.000000e+00> : vector<512xf32>
    %reduce_sum3A_7 = vector.multi_reduction <add>, %get3A_6, %reduce_sum3A [0] : vector<400x512xf32> to vector<512xf32>
    %broadcast_in_dim3A = vector.shape_cast %reduce_sum3A_7 : vector<512xf32> to vector<1x512xf32>
    %add3A = arith.addf %get3A_3, %broadcast_in_dim3A : vector<1x512xf32>
    %swap3A = arith.constant 0 : index
    %swap3A_8 = arith.constant 0 : index
    %swap3A_9 = vector.load %arg4[%swap3A, %swap3A_8] : memref<1x512xf32, #tpu.memory_space<vmem>>, vector<1x512xf32>
    tpu.vector_store %arg4[%swap3A, %swap3A_8], %add3A {strides = array<i32>} : memref<1x512xf32, #tpu.memory_space<vmem>>, vector<1x512xf32>,
    %get3A_10 = arith.constant 0 : index
    %get3A_11 = arith.constant 0 : index
    %get3A_12 = vector.load %arg5[%get3A_10, %get3A_11] : memref<1x256xf32, #tpu.memory_space<vmem>>, vector<1x256xf32>
    %get3A_13 = arith.constant 0 : index
    %get3A_14 = arith.constant 0 : index
    %get3A_15 = vector.load %arg2[%get3A_13, %get3A_14] : memref<3840x256xf32, #tpu.memory_space<vmem>>, vector<3840x256xf32>
    %reduce_sum3A_16 = arith.constant dense<0.000000e+00> : vector<256xf32>
    %reduce_sum3A_17 = vector.multi_reduction <add>, %get3A_15, %reduce_sum3A_16 [0] : vector<3840x256xf32> to vector<256xf32>
    %broadcast_in_dim3A_18 = vector.shape_cast %reduce_sum3A_17 : vector<256xf32> to vector<1x256xf32>
    %add3A_19 = arith.addf %get3A_12, %broadcast_in_dim3A_18 : vector<1x256xf32>
    %swap3A_20 = arith.constant 0 : index
    %swap3A_21 = arith.constant 0 : index
    %swap3A_22 = vector.load %arg5[%swap3A_20, %swap3A_21] : memref<1x256xf32, #tpu.memory_space<vmem>>, vector<1x256xf32>
    tpu.vector_store %arg5[%swap3A_20, %swap3A_21], %add3A_19 {strides = array<i32>} : memref<1x256xf32, #tpu.memory_space<vmem>>, vector<1x256xf32>,
    %eq3A_23 = arith.constant 24 : i32
    %eq3A_24 = arith.cmpi eq, %arg0, %eq3A_23 : i32
    %convert_element_type3A_25 = arith.extui %eq3A_24 : i1 to i32
    %cond3A_26 = arith.constant 0 : i32
    %cond3A_27 = arith.cmpi ne, %convert_element_type3A_25, %cond3A_26 : i32
    scf.if %cond3A_27 {
      %get3A_28 = arith.constant 0 : index
      %get3A_29 = arith.constant 0 : index
      %get3A_30 = vector.load %arg4[%get3A_28, %get3A_29] : memref<1x512xf32, #tpu.memory_space<vmem>>, vector<1x512xf32>
      %swap3A_31 = arith.constant 0 : index
      %swap3A_32 = arith.constant 0 : index
      %swap3A_33 = vector.load %arg3[%swap3A_31, %swap3A_32] : memref<2x512xf32, #tpu.memory_space<vmem>>, vector<1x512xf32>
      tpu.vector_store %arg3[%swap3A_31, %swap3A_32], %get3A_30 {strides = array<i32>} : memref<2x512xf32, #tpu.memory_space<vmem>>, vector<1x512xf32>,
      %get3A_34 = arith.constant 0 : index
      %get3A_35 = arith.constant 0 : index
      %get3A_36 = vector.load %arg5[%get3A_34, %get3A_35] : memref<1x256xf32, #tpu.memory_space<vmem>>, vector<1x256xf32>
      %swap3A_37 = arith.constant 1 : index
      %swap3A_38 = arith.constant 0 : index
      %swap3A_39 = vector.load %arg3[%swap3A_37, %swap3A_38] : memref<2x512xf32, #tpu.memory_space<vmem>>, vector<1x256xf32>
      tpu.vector_store %arg3[%swap3A_37, %swap3A_38], %get3A_36 {strides = array<i32>} : memref<2x512xf32, #tpu.memory_space<vmem>>, vector<1x256xf32>,
    } else {
    }
    return
  }
  func.func @transform_0(%arg0: i32) -> (i32, i32) {
    %c0_i32 = arith.constant 0 : i32
    %c0_i32_0 = arith.constant 0 : i32
    return %arg0, %c0_i32 : i32, i32
  }
  func.func @transform_1(%arg0: i32) -> (i32, i32) {
    %c0_i32 = arith.constant 0 : i32
    %c0_i32_0 = arith.constant 0 : i32
    return %arg0, %c0_i32 : i32, i32
  }
  func.func @transform_2(%arg0: i32) -> (i32, i32) {
    %c0_i32 = arith.constant 0 : i32
    %c0_i32_0 = arith.constant 0 : i32
    %c0_i32_1 = arith.constant 0 : i32
    return %c0_i32, %c0_i32_0 : i32, i32
  }
}

module attributes {stable_mosaic.version = 14 : i64} {
  func.func @_combine_body(%arg0: memref<2x512xf32, #tpu.memory_space<vmem>>, %arg1: memref<32x256xf32, #tpu.memory_space<vmem>>, %arg2: memref<768x256xf32, #tpu.memory_space<vmem>>, %arg3: memref<1x256xf32, #tpu.memory_space<vmem>>) attributes {dimension_semantics = [], scalar_prefetch = 0 : i64, scratch_operands = 0 : i64, tpu.core_type = #tpu.core_type<tc>} {
    %get3A = arith.constant 0 : index
    %get3A_0 = arith.constant 0 : index
    %get3A_1 = vector.load %arg0[%get3A, %get3A_0] : memref<2x512xf32, #tpu.memory_space<vmem>>, vector<1x512xf32>
    %get3A_2 = arith.constant 1 : index
    %get3A_3 = arith.constant 0 : index
    %get3A_4 = vector.load %arg0[%get3A_2, %get3A_3] : memref<2x512xf32, #tpu.memory_space<vmem>>, vector<1x256xf32>
    %get3A_5 = arith.constant 0 : index
    %get3A_6 = arith.constant 0 : index
    %get3A_7 = vector.load %arg1[%get3A_5, %get3A_6] : memref<32x256xf32, #tpu.memory_space<vmem>>, vector<32x256xf32>
    %reduce_sum3A = arith.constant dense<0.000000e+00> : vector<256xf32>
    %reduce_sum3A_8 = vector.multi_reduction <add>, %get3A_7, %reduce_sum3A [0] : vector<32x256xf32> to vector<256xf32>
    %broadcast_in_dim3A = vector.shape_cast %reduce_sum3A_8 : vector<256xf32> to vector<1x256xf32>
    %add3A = arith.addf %get3A_4, %broadcast_in_dim3A : vector<1x256xf32>
    %transpose3A = tpu.transpose %get3A_1, [1, 0] : vector<1x512xf32> -> vector<512x1xf32>
    %get3A_9 = arith.constant 0 : index
    %get3A_10 = arith.constant 0 : index
    %get3A_11 = vector.load %arg2[%get3A_9, %get3A_10] : memref<768x256xf32, #tpu.memory_space<vmem>>, vector<512x256xf32>
    %mul3A = vector.broadcast %transpose3A : vector<512x1xf32> to vector<512x256xf32>
    %mul3A_12 = arith.mulf %mul3A, %get3A_11 : vector<512x256xf32>
    %reduce_sum3A_13 = arith.constant dense<0.000000e+00> : vector<256xf32>
    %reduce_sum3A_14 = vector.multi_reduction <add>, %mul3A_12, %reduce_sum3A_13 [0] : vector<512x256xf32> to vector<256xf32>
    %broadcast_in_dim3A_15 = vector.shape_cast %reduce_sum3A_14 : vector<256xf32> to vector<1x256xf32>
    %transpose3A_16 = tpu.transpose %add3A, [1, 0] : vector<1x256xf32> -> vector<256x1xf32>
    %get3A_17 = arith.constant 512 : index
    %get3A_18 = arith.constant 0 : index
    %get3A_19 = vector.load %arg2[%get3A_17, %get3A_18] : memref<768x256xf32, #tpu.memory_space<vmem>>, vector<256x256xf32>
    %mul3A_20 = vector.broadcast %transpose3A_16 : vector<256x1xf32> to vector<256x256xf32>
    %mul3A_21 = arith.mulf %mul3A_20, %get3A_19 : vector<256x256xf32>
    %reduce_sum3A_22 = arith.constant dense<0.000000e+00> : vector<256xf32>
    %reduce_sum3A_23 = vector.multi_reduction <add>, %mul3A_21, %reduce_sum3A_22 [0] : vector<256x256xf32> to vector<256xf32>
    %broadcast_in_dim3A_24 = vector.shape_cast %reduce_sum3A_23 : vector<256xf32> to vector<1x256xf32>
    %add3A_25 = arith.addf %broadcast_in_dim3A_15, %broadcast_in_dim3A_24 : vector<1x256xf32>
    %swap3A = arith.constant 0 : index
    %swap3A_26 = arith.constant 0 : index
    %swap3A_27 = vector.load %arg3[%swap3A, %swap3A_26] : memref<1x256xf32, #tpu.memory_space<vmem>>, vector<1x256xf32>
    tpu.vector_store %arg3[%swap3A, %swap3A_26], %add3A_25 {strides = array<i32>} : memref<1x256xf32, #tpu.memory_space<vmem>>, vector<1x256xf32>,
    return
  }
}

</mosaic_0001>

<sc_bundles>
// kernel: kernel.5.cloned.1.call-start
scs
__scs_entry_jumppad:
0x0: {  	(pc) =	sbr.rel $0x88, $3  }
0x1: {  	(tag) =	ssettag $0x0;
	lr =	simm.s32 $0x1  }
0x2: {  	[smem:$0x3F9E] =	sst lr;
	_ =	strace $0xD0000000  }
0x3: {  	_ = 	snop  }
0x4: {  	_ = 	snop  }
0x5: {  	_ = 	snop  }
0x6: {  	_ = 	snop  }
0x7: {  	_ = 	snop  }
__scs_overlays_trampoline_lowered:
0x8: {  	[smem:$0x3FAD] =	sst s0  }
0x9: {  	[smem:$0x3FAE] =	sst s1  }
0xa: {  	[smem:$0x3FAF] =	sst s2  }
0xb: {  	[smem:$0x3FB0] =	sst s3  }
0xc: {  	[smem:$0x3FB1] =	sst s4  }
0xd: {  	[smem:$0x3FB2] =	sst s5  }
0xe: {  	[smem:$0x3FB3] =	sst s6  }
0xf: {  	[smem:$0x3FB4] =	sst s7  }
0x10: {  	[smem:$0x3FB5] =	sst s8  }
0x11: {  	[smem:$0x3FB6] =	sst s9;
	s0 =	simm.s32 @!p0 $0x0  }
0x12: {  	s1 =	sld [smem:$0x3F9C];
	s0 =	simm.s32 @p0 $0x1  }
0x13: {  	[smem:$0x3FB7] =	sst s0;
	s0 =	simm.s32 @!p1 $0x0  }
0x14: {  	s2 =	sld [smem:$0x3F9B];
	s0 =	simm.s32 @p1 $0x1  }
0x15: {  	[smem:$0x3FB8] =	sst s0;
	s0 =	simm.s32 @!p2 $0x0  }
0x16: {  	s3 =	sld [smem:$0x3FDB];
	s0 =	simm.s32 @p2 $0x1  }
0x17: {  	s4 =	simm.s32 $0x1BF5;
	[smem:$0x3FBA] =	sst s0  }
0x18: {  	s0 =	sld [smem:$0x3F9D];
	_ =	swait.ge [sflag:s4], $0x0  }
0x19: {  	s7 =	sld [smem:$0x3F9E]  }
0x1a: {  	s8 =	sadd.s32 $0xFFFFE003, lr  }
0x1b: {  	s9 =	sadd.s32 $0xFFFFFEF7, lr;
	s5 =	simm.s32 $0xFFFFFFFF;
	p2 =	slt.u32 s8, $0xFFFFF086  }
0x1c: {  	p1 =	slt.u32 s9, $0xF7A;
	s5 =	simm.s32 @!p2 $0x0  }
0x1d: {  	s5 =	simm.s32 @p1 $0x1;
	p0 =	seq.s32 s7, s2  }
0x1e: {  	s7 =	smul.u32 @!p0 $0xF7A, s2;
	p2 =	seq.s32 @!p0 s5, $0x0  }
0x1f: {  	s9 =	smul.u32 $0xF7A, s1;
	s8 =	simm.s32 @!p0 $0x1BF5;
	p2 =	por !p2, p0  }
0x20: {  	[sflag:s8] =	ssyncset.s32 @!p0 $0xFFFFF086;
	s6 =	sadd.s32 @!p0 s3, s7;
	s7 =	simm.s32 @!p0 $0x108  }
0x21: {  	s3 =	sadd.s32 s3, s9;
	s6 =	sadd.s32 @!p0 $0x88, s6;
	s7 =	simm.s32 @p2 $0x1082  }
0x22: {  	[simem:s7], [sflag:s8] =	dma.local @!p0 [hbm:s6], $0xF7A  }
0x23: {  	s9 =	sor.u32 $0xD0000000, s2;
	s6 =	simm.s32 $0x108;
	_ =	swait.ge @!p0 [sflag:s8], $0x0  }
0x24: {  	s3 =	sadd.s32 $0x88, s3;
	s6 =	simm.s32 @!p1 $0x1082;
	[sflag:s4] =	ssyncset.s32 $0xFFFFF086  }
0x25: {  	[simem:s6], [sflag:s4] =	dma.local [hbm:s3], $0xF7A  }
0x26: {  	[smem:$0x3F9E] =	sst s1;
	(tag) =	ssettag s2;
	_ =	strace s9  }
0x27: {  	s1 =	sld [smem:$0x3FAE]  }
0x28: {  	s2 =	sld [smem:$0x3FAF]  }
0x29: {  	s4 =	sld [smem:$0x3FB1]  }
0x2a: {  	p0 =	seq.s32 s5, $0x0;
	s5 =	sld [smem:$0x3FB2]  }
0x2b: {  	s6 =	sld [smem:$0x3FB3]  }
0x2c: {  	s7 =	sld [smem:$0x3FB4]  }
0x2d: {  	s3 =	simm.s32 $0x108;
	s8 =	sld [smem:$0x3FB5]  }
0x2e: {  	s3 =	simm.s32 @!p0 $0x1082;
	s9 =	sld [smem:$0x3FB6]  }
0x2f: {  	lr =	sadd.s32 s0, s3;
	s0 =	sld [smem:$0x3FAD]  }
0x30: {  	s3 =	sld [smem:$0x3FB0]  }
0x31: {  	[smem:$0x3FB9] =	sst s10  }
0x32: {  	s10 =	sld [smem:$0x3FB7];
	_ =	sdelay $0x3  }
0x33: {  	p0 =	seq.s32 s10, $0x1;
	s10 =	sld [smem:$0x3FB9];
	_ =	sdelay $0x3  }
0x34: {  	[smem:$0x3FB9] =	sst s10  }
0x35: {  	s10 =	sld [smem:$0x3FB8];
	_ =	sdelay $0x3  }
0x36: {  	p1 =	seq.s32 s10, $0x1;
	s10 =	sld [smem:$0x3FB9];
	_ =	sdelay $0x3  }
0x37: {  	[smem:$0x3FB9] =	sst s10  }
0x38: {  	s10 =	sld [smem:$0x3FBA]  }
0x39: {  	_ = 	snop;
	(pc) =	sbr.ind lr, $3  }
0x3a: {  	_ = 	snop  }
0x3b: {  	_ = 	snop  }
0x3c: {  	p2 =	seq.s32 s10, $0x1;
	s10 =	sld [smem:$0x3FB9]  }
0x3d: {  	_ =	shalt  }
0x3e: {  	_ =	shalt  }
0x3f: {  	_ =	shalt  }
0x40: {  	_ =	shalt  }
0x41: {  	_ =	shalt  }
0x42: {  	_ =	shalt  }
0x43: {  	_ =	shalt  }
0x44: {  	_ =	shalt  }
0x45: {  	_ =	shalt  }
0x46: {  	_ =	shalt  }
0x47: {  	_ =	shalt  }
0x48: {  	_ =	shalt  }
0x49: {  	_ =	shalt  }
0x4a: {  	_ =	shalt  }
0x4b: {  	_ =	shalt  }
0x4c: {  	_ =	shalt  }
0x4d: {  	_ =	shalt  }
0x4e: {  	_ =	shalt  }
0x4f: {  	_ =	shalt  }
0x50: {  	_ =	shalt  }
0x51: {  	_ =	shalt  }
0x52: {  	_ =	shalt  }
0x53: {  	_ =	shalt  }
0x54: {  	_ =	shalt  }
0x55: {  	_ =	shalt  }
0x56: {  	_ =	shalt  }
0x57: {  	_ =	shalt  }
0x58: {  	_ =	shalt  }
0x59: {  	_ =	shalt  }
0x5a: {  	_ =	shalt  }
0x5b: {  	_ =	shalt  }
0x5c: {  	_ =	shalt  }
0x5d: {  	_ =	shalt  }
0x5e: {  	_ =	shalt  }
0x5f: {  	_ =	shalt  }
0x60: {  	_ =	shalt  }
0x61: {  	_ =	shalt  }
0x62: {  	_ =	shalt  }
0x63: {  	_ =	shalt  }
0x64: {  	_ =	shalt  }
0x65: {  	_ =	shalt  }
0x66: {  	_ =	shalt  }
0x67: {  	_ =	shalt  }
0x68: {  	_ =	shalt  }
0x69: {  	_ =	shalt  }
0x6a: {  	_ =	shalt  }
0x6b: {  	_ =	shalt  }
0x6c: {  	_ =	shalt  }
0x6d: {  	_ =	shalt  }
0x6e: {  	_ =	shalt  }
0x6f: {  	_ =	shalt  }
0x70: {  	_ =	shalt  }
0x71: {  	_ =	shalt  }
0x72: {  	_ =	shalt  }
0x73: {  	_ =	shalt  }
0x74: {  	_ =	shalt  }
0x75: {  	_ =	shalt  }
0x76: {  	_ =	shalt  }
0x77: {  	_ =	shalt  }
0x78: {  	_ =	shalt  }
0x79: {  	_ =	shalt  }
0x7a: {  	_ =	shalt  }
0x7b: {  	_ =	shalt  }
0x7c: {  	_ =	shalt  }
0x7d: {  	_ =	shalt  }
0x7e: {  	_ =	shalt  }
0x7f: {  	_ =	shalt  }
0x80: {  	_ =	shalt  }
0x81: {  	_ =	shalt  }
0x82: {  	_ =	shalt  }
0x83: {  	_ =	shalt  }
0x84: {  	_ =	shalt  }
0x85: {  	_ =	shalt  }
0x86: {  	_ =	shalt  }
0x87: {  	_ =	shalt  }
.Lfunc_end0:
.L_simem_size_0:
called_computation.1_lowered:
.L_overlay_start_0:
0x88: {  	s2 =	sld [smem:$0x3FD9]  }
0x89: {  	s3 =	sld [smem:$0x3FFE];
	_ =	sdelay $0x1  }
0x8a: {  	s1 =	srdreg.scid  }
0x8b: {  	s0 =	sand.u32 $0x1, s1  }
0x8c: {  	s16 =	sshll.u32 s0, $0xA;
	s2 =	sadd.s32 s3, s2  }
0x8d: {  	s2 =	sadd.s32 s2, s16  }
0x8e: {  	[smem:$0x3FC5] =	sst s2  }
0x8f: {  	_ = 	snop  }
0x90: {  	(tm) =	ssettm $0x1  }
0x91: {  	s17 =	sld [smem:$0x3FFB];
	_ =	sdelay $0x3  }
0x92: {  	_ =	strace s17  }
0x93: {  	s2 =	sld [smem:$0x3FFC];
	_ =	sdelay $0x3  }
0x94: {  	_ =	strace s2  }
0x95: {  	s2 =	sld [smem:$0x3FFD];
	_ =	sdelay $0x3  }
0x96: {  	_ =	strace s2  }
0x97: {  	_ =	strace $0x8FFFFFFF  }
0x98: {  	s18 =	sld [smem:$0x3FDB];
	_ =	sdelay $0x1  }
0x99: {  	s19 =	simm.s32 $_scs_section_size  }
0x9a: {  	s4 =	simm.s32 $_size__tile_overlayer_lowered;
	s5 =	simm.s32 $_tile_overlayer_lowered  }
0x9b: {  	s22 =	simm.s32 $0x1BFF;
	s21 =	sshll.u32 s5, $0x1;
	s2 =	sadd.s32 s19, s18  }
0x9c: {  	s6 =	simm.s32 $0x0;
	s20 =	sshll.u32 s4, $0x1;
	s4 =	sadd.s32 s21, s2  }
0x9d: {  	[timem:s6], [sflag:s22] =	dma.local [hbm:s4], s20  }
0x9e: {  	_ =	swait.ge [sflag:s22], s20  }
0x9f: {  	s3 =	ssub.s32 $0x0, s20;
	[sflag:s22] =	ssyncset.done $0x0  }
0xa0: {  	[sflag:s22] =	ssyncadd.s32 s3;
	_ =	sdelay $0x1  }
0xa1: {  	s23 =	simm.s32 $0x1B8B  }
0xa2: {  	_ =	swait.ge [sflag:s23], $0x1  }
0xa3: {  	[sflag:s23] =	ssyncset.done $0x0  }
0xa4: {  	s25 =	simm.s32 $0x1B8E;
	s24 =	sld [smem:$0x3FFE];
	[sflag:s23] =	ssyncadd.s32 $0xFFFFFFFF  }
0xa5: {  	s26 =	simm.s32 $execute0_lowered;
	[smem:$0x3FD2] =	sst s25  }
0xa6: {  	s4 =	sshll.u32 s26, $0x1;
	_ =	strace $0x80000049;
	[dreg:$0x1] =	wrdreg $0xFFFFFFFF  }
0xa7: {  	s28 =	simm.s32 $_size_execute0_lowered;
	s2 =	sadd.s32 s2, s4;
	[dreg:$0x0] =	wrdreg $0x0  }
0xa8: {  	s4 =	sshll.u32 s28, $0x1;
	[dreg:$0x2] =	wrdreg s2  }
0xa9: {  	[dreg:$0x3] =	wrdreg s4  }
0xaa: {  	[dreg:$0x4] =	wrdreg $0xC0  }
0xab: {  	_ =	task [dreg:s6], $0x5FFFF  }
0xac: {  	[dreg:$0x1] =	wrdreg $0xFFFFFFFF  }
0xad: {  	[dreg:$0x0] =	wrdreg $0x60  }
0xae: {  	[dreg:$0x2] =	wrdreg s24  }
0xaf: {  	[dreg:$0x3] =	wrdreg $0x9  }
0xb0: {  	_ =	task.clear_ibuf [dreg:s6], $0x4FFFF;
	_ =	strace $0x90000049  }
0xb1: {  	s29 =	simm.s32 $0x9;
	_ =	strace $0x8000004B  }
0xb2: {  	_ =	swait.ge [sflag:s29], $0x1  }
0xb3: {  	[sflag:s29] =	ssyncadd.s32 $0xFFFFFFFF  }
0xb4: {  	_ =	strace $0x9000004B  }
0xb5: {  	_ =	sfence  }
0xb6: {  	s30 =	sld [smem:$0x0];
	_ =	sdelay $0x2  }
0xb7: {  	s31 =	sshll.u32 s1, $0xD;
	s1 =	sshrl.u32 s1, $0x2  }
0xb8: {  	s3 =	sand.u32 $0x4000, s31;
	s1 =	sadd.s32 s1, s30  }
0xb9: {  	s0 =	sor.u32 s3, s0;
	s1 =	sshll.u32 s1, $0x11  }
0xba: {  	s0 =	sor.u32 s1, s0  }
0xbb: {  	s0 =	sadd.s32 $0x8F2B, s0  }
0xbc: {  	[sflag:s0] =	ssyncadd.remote.s32 $0x1  }
0xbd: {  	_ =	sfence.sel $0xFFFF  }
0xbe: {  	[dreg:$0x0] =	wrdreg $0xFFFFFFFF;
	(pc) =	sbr.abs _section_cstart, $3  }
0xbf: {  	[dreg:$0x1] =	wrdreg $0xFFFFFFFF  }
0xc0: {  	_ =	task.clear_ibuf [dreg:s6], $0x2FFFF;
	_ =	strace $0x9FFFFFFF  }
0xc1: {  	(tm) =	ssettm $0x7FFFFFFF  }
tec
execute0_lowered:
.L_overlay_start_1:
0x0: {  	(tag) =	ssettag $0x1  }
0x1: {  	s0 =	rddreg [dreg:$0x0];
	s1 =	srdreg.scid  }
0x2: {  	s2 =	stileid.u32;
	s31 =	simm.s32 $0x0;
	s9 =	simm.s32 $0xC800  }
0x3: {  	s10 =	simm.s32 $0x1;
	s11 =	simm.s32 $0x19000;
	s12 =	simm.s32 $0x19010  }
0x4: {  	s13 =	simm.s32 $0x19020;
	s14 =	simm.s32 $0x19030;
	s15 =	simm.s32 $0x19040  }
0x5: {  	s16 =	simm.s32 $0x19050;
	s17 =	simm.s32 $0x19060;
	s18 =	simm.s32 $0x19070  }
0x6: {  	s19 =	simm.s32 $0x19080;
	s20 =	simm.s32 $0x19090;
	s21 =	simm.s32 $0x190A0  }
0x7: {  	s22 =	simm.s32 $0x190B0;
	s23 =	simm.s32 $0x190C0;
	s24 =	simm.s32 $0x190D0  }
0x8: {  	s25 =	simm.s32 $0x190E0;
	s28 =	simm.s32 $0x2;
	s29 =	simm.s32 $0x3  }
0x9: {  	s30 =	simm.s32 $0x0;
	s1 =	sand.u32 $0x1, s1;
	s2 =	sshll.u32 s2, $0x1  }
0xa: {  	[smem:$0x7FF] =	sst s31;
	s3 =	sadd.s32 $0x1F5E00, s0;
	s2 =	sor.u32 s1, s2  }
0xb: {  	_ =	strace $0x8000004A;
	s1 =	ssub.s32 $0x2, s1;
	s6 =	smul.u32 $0x7D0, s2  }
0xc: {  	s4 =	sshll.u32 s2, $0x5;
	s2 =	smul.u32 $0xFA00, s2;
	s26 =	sshrl.u32 s1, $0x1  }
0xd: {  	s0 =	sadd.s32 s4, s0;
	s1 =	ssub.s32 s1, s26;
	s26 =	simm.s32 $0x190F0  }
0xe: {  	s2 =	sadd.s32 s3, s2;
	s5 =	sadd.s32 $0xC8, s6;
	s6 =	sadd.s32 $0x190, s6  }
0xf: {  	v0 =	vimm.f32 $0.0e+00;
	s7 =	sadd.s32 $0x1E00, s0;
	s8 =	smax.u32 s1, $0x1;
	[dreg:$0x2] =	wrdreg s2  }
.LBB2_1:
0x10: {  	[tilespmem:$0x19000] =	vst v0  }
0x11: {  	[tilespmem:$0x19010] =	vst v0  }
0x12: {  	[tilespmem:$0x19020] =	vst v0  }
0x13: {  	[tilespmem:$0x19030] =	vst v0  }
0x14: {  	[tilespmem:$0x19040] =	vst v0  }
0x15: {  	[tilespmem:$0x19050] =	vst v0  }
0x16: {  	[tilespmem:$0x19060] =	vst v0  }
0x17: {  	[tilespmem:$0x19070] =	vst v0  }
0x18: {  	[tilespmem:$0x19080] =	vst v0  }
0x19: {  	[tilespmem:$0x19090] =	vst v0  }
0x1a: {  	[tilespmem:$0x190A0] =	vst v0  }
0x1b: {  	[tilespmem:$0x190B0] =	vst v0  }
0x1c: {  	[tilespmem:$0x190C0] =	vst v0  }
0x1d: {  	[tilespmem:$0x190D0] =	vst v0  }
0x1e: {  	[tilespmem:$0x190E0] =	vst v0  }
0x1f: {  	[tilespmem:$0x190F0] =	vst v0;
	s0 =	rddreg [dreg:$0x2]  }
0x20: {  	[tilespmem:s31], [sflag:$0x1] =	stream.linear.gather [hbm4b:s0+s31], $0xC800, $0x38;
	[tilespmem:$0x19100] =	vst v63  }
0x21: {  	s31 =	simm.s32 $0x0  }
.LBB2_2:
0x22: {  	s0 =	smul.u32 $0x190, s31;
	_ =	sdelay $0x1  }
0x23: {  	s1 =	sadd.s32 s0, s5  }
0x24: {  	s1 =	sshll.u32 s1, $0x5  }
0x25: {  	s1 =	sand.u32 $0x1FFFFF00, s1  }
0x26: {  	s2 =	simm.s32 $0x0;
	s1 =	sadd.s32 s3, s1  }
0x27: {  	[tilespmem:s9], [sflag:$0x2] =	stream.linear.gather [hbm4b:s1+s2], $0xC800, $0x38;
	[tilespmem:$0x19100] =	vst v63  }
0x28: {  	_ =	swait.ge [sflag:s10], $0xC800  }
0x29: {  	[sflag:s10] =	ssyncset.done $0x0  }
0x2a: {  	s1 =	simm.s32 $0x0;
	[sflag:s10] =	ssyncadd.s32 $0xFFFF3800  }
0x2b: {  	v1 =	vld [tilespmem:s1+$0x0]  }
0x2c: {  	v2 =	vld [tilespmem:s1+$0x100];
	_ =	sdelay $0x1  }
0x2d: {  	v3 =	vld [tilespmem:s1+$0x200];
	_ =	sdelay $0x1  }
0x2e: {  	v4 =	vld [tilespmem:s1+$0x300]  }
0x2f: {  	v1 =	vadd.f32 v2, v1  }
0x30: {  	v2 =	vld [tilespmem:s1+$0x400]  }
0x31: {  	v1 =	vadd.f32 v3, v1  }
0x32: {  	v3 =	vld [tilespmem:s1+$0x500]  }
0x33: {  	v1 =	vadd.f32 v4, v1  }
0x34: {  	v4 =	vld [tilespmem:s1+$0x600]  }
0x35: {  	v1 =	vadd.f32 v2, v1  }
0x36: {  	v2 =	vld [tilespmem:s1+$0x700]  }
0x37: {  	v1 =	vadd.f32 v3, v1;
	_ =	sdelay $0x1  }
0x38: {  	v1 =	vadd.f32 v4, v1;
	_ =	sdelay $0x1  }
0x39: {  	v1 =	vadd.f32 v2, v1;
	_ =	sdelay $0x1  }
0x3a: {  	[tilespmem:s11+$0x0] =	vst.add.f32.msk $0xffff, v1  }
0x3b: {  	v1 =	vld [tilespmem:s1+$0x10]  }
0x3c: {  	v2 =	vld [tilespmem:s1+$0x110];
	_ =	sdelay $0x1  }
0x3d: {  	v3 =	vld [tilespmem:s1+$0x210];
	_ =	sdelay $0x1  }
0x3e: {  	v4 =	vld [tilespmem:s1+$0x310]  }
0x3f: {  	v1 =	vadd.f32 v2, v1  }
0x40: {  	v2 =	vld [tilespmem:s1+$0x410]  }
0x41: {  	v1 =	vadd.f32 v3, v1  }
0x42: {  	v3 =	vld [tilespmem:s1+$0x510]  }
0x43: {  	v1 =	vadd.f32 v4, v1  }
0x44: {  	v4 =	vld [tilespmem:s1+$0x610]  }
0x45: {  	v1 =	vadd.f32 v2, v1  }
0x46: {  	v2 =	vld [tilespmem:s1+$0x710]  }
0x47: {  	v1 =	vadd.f32 v3, v1;
	_ =	sdelay $0x1  }
0x48: {  	v1 =	vadd.f32 v4, v1;
	_ =	sdelay $0x1  }
0x49: {  	v1 =	vadd.f32 v2, v1;
	_ =	sdelay $0x1  }
0x4a: {  	[tilespmem:s12+$0x0] =	vst.add.f32.msk $0xffff, v1  }
0x4b: {  	v1 =	vld [tilespmem:s1+$0x20]  }
0x4c: {  	v2 =	vld [tilespmem:s1+$0x120];
	_ =	sdelay $0x1  }
0x4d: {  	v3 =	vld [tilespmem:s1+$0x220];
	_ =	sdelay $0x1  }
0x4e: {  	v4 =	vld [tilespmem:s1+$0x320]  }
0x4f: {  	v1 =	vadd.f32 v2, v1  }
0x50: {  	v2 =	vld [tilespmem:s1+$0x420]  }
0x51: {  	v1 =	vadd.f32 v3, v1  }
0x52: {  	v3 =	vld [tilespmem:s1+$0x520]  }
0x53: {  	v1 =	vadd.f32 v4, v1  }
0x54: {  	v4 =	vld [tilespmem:s1+$0x620]  }
0x55: {  	v1 =	vadd.f32 v2, v1  }
0x56: {  	v2 =	vld [tilespmem:s1+$0x720]  }
0x57: {  	v1 =	vadd.f32 v3, v1;
	_ =	sdelay $0x1  }
0x58: {  	v1 =	vadd.f32 v4, v1;
	_ =	sdelay $0x1  }
0x59: {  	v1 =	vadd.f32 v2, v1;
	_ =	sdelay $0x1  }
0x5a: {  	[tilespmem:s13+$0x0] =	vst.add.f32.msk $0xffff, v1  }
0x5b: {  	v1 =	vld [tilespmem:s1+$0x30]  }
0x5c: {  	v2 =	vld [tilespmem:s1+$0x130];
	_ =	sdelay $0x1  }
0x5d: {  	v3 =	vld [tilespmem:s1+$0x230];
	_ =	sdelay $0x1  }
0x5e: {  	v4 =	vld [tilespmem:s1+$0x330]  }
0x5f: {  	v1 =	vadd.f32 v2, v1  }
0x60: {  	v2 =	vld [tilespmem:s1+$0x430]  }
0x61: {  	v1 =	vadd.f32 v3, v1  }
0x62: {  	v3 =	vld [tilespmem:s1+$0x530]  }
0x63: {  	v1 =	vadd.f32 v4, v1  }
0x64: {  	v4 =	vld [tilespmem:s1+$0x630]  }
0x65: {  	v1 =	vadd.f32 v2, v1  }
0x66: {  	v2 =	vld [tilespmem:s1+$0x730]  }
0x67: {  	v1 =	vadd.f32 v3, v1;
	_ =	sdelay $0x1  }
0x68: {  	v1 =	vadd.f32 v4, v1;
	_ =	sdelay $0x1  }
0x69: {  	v1 =	vadd.f32 v2, v1;
	_ =	sdelay $0x1  }
0x6a: {  	[tilespmem:s14+$0x0] =	vst.add.f32.msk $0xffff, v1  }
0x6b: {  	v1 =	vld [tilespmem:s1+$0x40]  }
0x6c: {  	v2 =	vld [tilespmem:s1+$0x140];
	_ =	sdelay $0x1  }
0x6d: {  	v3 =	vld [tilespmem:s1+$0x240];
	_ =	sdelay $0x1  }
0x6e: {  	v4 =	vld [tilespmem:s1+$0x340]  }
0x6f: {  	v1 =	vadd.f32 v2, v1  }
0x70: {  	v2 =	vld [tilespmem:s1+$0x440]  }
0x71: {  	v1 =	vadd.f32 v3, v1  }
0x72: {  	v3 =	vld [tilespmem:s1+$0x540]  }
0x73: {  	v1 =	vadd.f32 v4, v1  }
0x74: {  	v4 =	vld [tilespmem:s1+$0x640]  }
0x75: {  	v1 =	vadd.f32 v2, v1  }
0x76: {  	v2 =	vld [tilespmem:s1+$0x740]  }
0x77: {  	v1 =	vadd.f32 v3, v1;
	_ =	sdelay $0x1  }
0x78: {  	v1 =	vadd.f32 v4, v1;
	_ =	sdelay $0x1  }
0x79: {  	v1 =	vadd.f32 v2, v1;
	_ =	sdelay $0x1  }
0x7a: {  	[tilespmem:s15+$0x0] =	vst.add.f32.msk $0xffff, v1  }
0x7b: {  	v1 =	vld [tilespmem:s1+$0x50]  }
0x7c: {  	v2 =	vld [tilespmem:s1+$0x150];
	_ =	sdelay $0x1  }
0x7d: {  	v3 =	vld [tilespmem:s1+$0x250];
	_ =	sdelay $0x1  }
0x7e: {  	v4 =	vld [tilespmem:s1+$0x350]  }
0x7f: {  	v1 =	vadd.f32 v2, v1  }
0x80: {  	v2 =	vld [tilespmem:s1+$0x450]  }
0x81: {  	v1 =	vadd.f32 v3, v1  }
0x82: {  	v3 =	vld [tilespmem:s1+$0x550]  }
0x83: {  	v1 =	vadd.f32 v4, v1  }
0x84: {  	v4 =	vld [tilespmem:s1+$0x650]  }
0x85: {  	v1 =	vadd.f32 v2, v1  }
0x86: {  	v2 =	vld [tilespmem:s1+$0x750]  }
0x87: {  	v1 =	vadd.f32 v3, v1;
	_ =	sdelay $0x1  }
0x88: {  	v1 =	vadd.f32 v4, v1;
	_ =	sdelay $0x1  }
0x89: {  	v1 =	vadd.f32 v2, v1;
	_ =	sdelay $0x1  }
0x8a: {  	[tilespmem:s16+$0x0] =	vst.add.f32.msk $0xffff, v1  }
0x8b: {  	v1 =	vld [tilespmem:s1+$0x60]  }
0x8c: {  	v2 =	vld [tilespmem:s1+$0x160];
	_ =	sdelay $0x1  }
0x8d: {  	v3 =	vld [tilespmem:s1+$0x260];
	_ =	sdelay $0x1  }
0x8e: {  	v4 =	vld [tilespmem:s1+$0x360]  }
0x8f: {  	v1 =	vadd.f32 v2, v1  }
0x90: {  	v2 =	vld [tilespmem:s1+$0x460]  }
0x91: {  	v1 =	vadd.f32 v3, v1  }
0x92: {  	v3 =	vld [tilespmem:s1+$0x560]  }
0x93: {  	v1 =	vadd.f32 v4, v1  }
0x94: {  	v4 =	vld [tilespmem:s1+$0x660]  }
0x95: {  	v1 =	vadd.f32 v2, v1  }
0x96: {  	v2 =	vld [tilespmem:s1+$0x760]  }
0x97: {  	v1 =	vadd.f32 v3, v1;
	_ =	sdelay $0x1  }
0x98: {  	v1 =	vadd.f32 v4, v1;
	_ =	sdelay $0x1  }
0x99: {  	v1 =	vadd.f32 v2, v1;
	_ =	sdelay $0x1  }
0x9a: {  	[tilespmem:s17+$0x0] =	vst.add.f32.msk $0xffff, v1  }
0x9b: {  	v1 =	vld [tilespmem:s1+$0x70]  }
0x9c: {  	v2 =	vld [tilespmem:s1+$0x170];
	_ =	sdelay $0x1  }
0x9d: {  	v3 =	vld [tilespmem:s1+$0x270];
	_ =	sdelay $0x1  }
0x9e: {  	v4 =	vld [tilespmem:s1+$0x370]  }
0x9f: {  	v1 =	vadd.f32 v2, v1  }
0xa0: {  	v2 =	vld [tilespmem:s1+$0x470]  }
0xa1: {  	v1 =	vadd.f32 v3, v1  }
0xa2: {  	v3 =	vld [tilespmem:s1+$0x570]  }
0xa3: {  	v1 =	vadd.f32 v4, v1  }
0xa4: {  	v4 =	vld [tilespmem:s1+$0x670]  }
0xa5: {  	v1 =	vadd.f32 v2, v1  }
0xa6: {  	v2 =	vld [tilespmem:s1+$0x770]  }
0xa7: {  	v1 =	vadd.f32 v3, v1;
	_ =	sdelay $0x1  }
0xa8: {  	v1 =	vadd.f32 v4, v1;
	_ =	sdelay $0x1  }
0xa9: {  	v1 =	vadd.f32 v2, v1;
	_ =	sdelay $0x1  }
0xaa: {  	[tilespmem:s18+$0x0] =	vst.add.f32.msk $0xffff, v1  }
0xab: {  	v1 =	vld [tilespmem:s1+$0x80]  }
0xac: {  	v2 =	vld [tilespmem:s1+$0x180];
	_ =	sdelay $0x1  }
0xad: {  	v3 =	vld [tilespmem:s1+$0x280];
	_ =	sdelay $0x1  }
0xae: {  	v4 =	vld [tilespmem:s1+$0x380]  }
0xaf: {  	v1 =	vadd.f32 v2, v1  }
0xb0: {  	v2 =	vld [tilespmem:s1+$0x480]  }
0xb1: {  	v1 =	vadd.f32 v3, v1  }
0xb2: {  	v3 =	vld [tilespmem:s1+$0x580]  }
0xb3: {  	v1 =	vadd.f32 v4, v1  }
0xb4: {  	v4 =	vld [tilespmem:s1+$0x680]  }
0xb5: {  	v1 =	vadd.f32 v2, v1  }
0xb6: {  	v2 =	vld [tilespmem:s1+$0x780]  }
0xb7: {  	v1 =	vadd.f32 v3, v1;
	_ =	sdelay $0x1  }
0xb8: {  	v1 =	vadd.f32 v4, v1;
	_ =	sdelay $0x1  }
0xb9: {  	v1 =	vadd.f32 v2, v1;
	_ =	sdelay $0x1  }
0xba: {  	[tilespmem:s19+$0x0] =	vst.add.f32.msk $0xffff, v1  }
0xbb: {  	v1 =	vld [tilespmem:s1+$0x90]  }
0xbc: {  	v2 =	vld [tilespmem:s1+$0x190];
	_ =	sdelay $0x1  }
0xbd: {  	v3 =	vld [tilespmem:s1+$0x290];
	_ =	sdelay $0x1  }
0xbe: {  	v4 =	vld [tilespmem:s1+$0x390]  }
0xbf: {  	v1 =	vadd.f32 v2, v1  }
0xc0: {  	v2 =	vld [tilespmem:s1+$0x490]  }
0xc1: {  	v1 =	vadd.f32 v3, v1  }
0xc2: {  	v3 =	vld [tilespmem:s1+$0x590]  }
0xc3: {  	v1 =	vadd.f32 v4, v1  }
0xc4: {  	v4 =	vld [tilespmem:s1+$0x690]  }
0xc5: {  	v1 =	vadd.f32 v2, v1  }
0xc6: {  	v2 =	vld [tilespmem:s1+$0x790]  }
0xc7: {  	v1 =	vadd.f32 v3, v1;
	_ =	sdelay $0x1  }
0xc8: {  	v1 =	vadd.f32 v4, v1;
	_ =	sdelay $0x1  }
0xc9: {  	v1 =	vadd.f32 v2, v1;
	_ =	sdelay $0x1  }
0xca: {  	[tilespmem:s20+$0x0] =	vst.add.f32.msk $0xffff, v1  }
0xcb: {  	v1 =	vld [tilespmem:s1+$0xA0]  }
0xcc: {  	v2 =	vld [tilespmem:s1+$0x1A0];
	_ =	sdelay $0x1  }
0xcd: {  	v3 =	vld [tilespmem:s1+$0x2A0];
	_ =	sdelay $0x1  }
0xce: {  	v4 =	vld [tilespmem:s1+$0x3A0]  }
0xcf: {  	v1 =	vadd.f32 v2, v1  }
0xd0: {  	v2 =	vld [tilespmem:s1+$0x4A0]  }
0xd1: {  	v1 =	vadd.f32 v3, v1  }
0xd2: {  	v3 =	vld [tilespmem:s1+$0x5A0]  }
0xd3: {  	v1 =	vadd.f32 v4, v1  }
0xd4: {  	v4 =	vld [tilespmem:s1+$0x6A0]  }
0xd5: {  	v1 =	vadd.f32 v2, v1  }
0xd6: {  	v2 =	vld [tilespmem:s1+$0x7A0]  }
0xd7: {  	v1 =	vadd.f32 v3, v1;
	_ =	sdelay $0x1  }
0xd8: {  	v1 =	vadd.f32 v4, v1;
	_ =	sdelay $0x1  }
0xd9: {  	v1 =	vadd.f32 v2, v1;
	_ =	sdelay $0x1  }
0xda: {  	[tilespmem:s21+$0x0] =	vst.add.f32.msk $0xffff, v1  }
0xdb: {  	v1 =	vld [tilespmem:s1+$0xB0]  }
0xdc: {  	v2 =	vld [tilespmem:s1+$0x1B0];
	_ =	sdelay $0x1  }
0xdd: {  	v3 =	vld [tilespmem:s1+$0x2B0];
	_ =	sdelay $0x1  }
0xde: {  	v4 =	vld [tilespmem:s1+$0x3B0]  }
0xdf: {  	v1 =	vadd.f32 v2, v1  }
0xe0: {  	v2 =	vld [tilespmem:s1+$0x4B0]  }
0xe1: {  	v1 =	vadd.f32 v3, v1  }
0xe2: {  	v3 =	vld [tilespmem:s1+$0x5B0]  }
0xe3: {  	v1 =	vadd.f32 v4, v1  }
0xe4: {  	v4 =	vld [tilespmem:s1+$0x6B0]  }
0xe5: {  	v1 =	vadd.f32 v2, v1  }
0xe6: {  	v2 =	vld [tilespmem:s1+$0x7B0]  }
0xe7: {  	v1 =	vadd.f32 v3, v1;
	_ =	sdelay $0x1  }
0xe8: {  	v1 =	vadd.f32 v4, v1;
	_ =	sdelay $0x1  }
0xe9: {  	v1 =	vadd.f32 v2, v1;
	_ =	sdelay $0x1  }
0xea: {  	[tilespmem:s22+$0x0] =	vst.add.f32.msk $0xffff, v1  }
0xeb: {  	v1 =	vld [tilespmem:s1+$0xC0]  }
0xec: {  	v2 =	vld [tilespmem:s1+$0x1C0];
	_ =	sdelay $0x1  }
0xed: {  	v3 =	vld [tilespmem:s1+$0x2C0];
	_ =	sdelay $0x1  }
0xee: {  	v4 =	vld [tilespmem:s1+$0x3C0]  }
0xef: {  	v1 =	vadd.f32 v2, v1  }
0xf0: {  	v2 =	vld [tilespmem:s1+$0x4C0]  }
0xf1: {  	v1 =	vadd.f32 v3, v1  }
0xf2: {  	v3 =	vld [tilespmem:s1+$0x5C0]  }
0xf3: {  	v1 =	vadd.f32 v4, v1  }
0xf4: {  	v4 =	vld [tilespmem:s1+$0x6C0]  }
0xf5: {  	v1 =	vadd.f32 v2, v1  }
0xf6: {  	v2 =	vld [tilespmem:s1+$0x7C0]  }
0xf7: {  	v1 =	vadd.f32 v3, v1;
	_ =	sdelay $0x1  }
0xf8: {  	v1 =	vadd.f32 v4, v1;
	_ =	sdelay $0x1  }
0xf9: {  	v1 =	vadd.f32 v2, v1;
	_ =	sdelay $0x1  }
0xfa: {  	[tilespmem:s23+$0x0] =	vst.add.f32.msk $0xffff, v1  }
0xfb: {  	v1 =	vld [tilespmem:s1+$0xD0]  }
0xfc: {  	v2 =	vld [tilespmem:s1+$0x1D0];
	_ =	sdelay $0x1  }
0xfd: {  	v3 =	vld [tilespmem:s1+$0x2D0];
	_ =	sdelay $0x1  }
0xfe: {  	v4 =	vld [tilespmem:s1+$0x3D0]  }
0xff: {  	v1 =	vadd.f32 v2, v1  }
0x100: {  	v2 =	vld [tilespmem:s1+$0x4D0]  }
0x101: {  	v1 =	vadd.f32 v3, v1  }
0x102: {  	v3 =	vld [tilespmem:s1+$0x5D0]  }
0x103: {  	v1 =	vadd.f32 v4, v1  }
0x104: {  	v4 =	vld [tilespmem:s1+$0x6D0]  }
0x105: {  	v1 =	vadd.f32 v2, v1  }
0x106: {  	v2 =	vld [tilespmem:s1+$0x7D0]  }
0x107: {  	v1 =	vadd.f32 v3, v1;
	_ =	sdelay $0x1  }
0x108: {  	v1 =	vadd.f32 v4, v1;
	_ =	sdelay $0x1  }
0x109: {  	v1 =	vadd.f32 v2, v1;
	_ =	sdelay $0x1  }
0x10a: {  	[tilespmem:s24+$0x0] =	vst.add.f32.msk $0xffff, v1  }
0x10b: {  	v1 =	vld [tilespmem:s1+$0xE0]  }
0x10c: {  	v2 =	vld [tilespmem:s1+$0x1E0];
	_ =	sdelay $0x1  }
0x10d: {  	v3 =	vld [tilespmem:s1+$0x2E0];
	_ =	sdelay $0x1  }
0x10e: {  	v4 =	vld [tilespmem:s1+$0x3E0]  }
0x10f: {  	v1 =	vadd.f32 v2, v1  }
0x110: {  	v2 =	vld [tilespmem:s1+$0x4E0]  }
0x111: {  	v1 =	vadd.f32 v3, v1  }
0x112: {  	v3 =	vld [tilespmem:s1+$0x5E0]  }
0x113: {  	v1 =	vadd.f32 v4, v1  }
0x114: {  	v4 =	vld [tilespmem:s1+$0x6E0]  }
0x115: {  	v1 =	vadd.f32 v2, v1  }
0x116: {  	v2 =	vld [tilespmem:s1+$0x7E0]  }
0x117: {  	v1 =	vadd.f32 v3, v1;
	_ =	sdelay $0x1  }
0x118: {  	v1 =	vadd.f32 v4, v1;
	_ =	sdelay $0x1  }
0x119: {  	v1 =	vadd.f32 v2, v1;
	_ =	sdelay $0x1  }
0x11a: {  	[tilespmem:s25+$0x0] =	vst.add.f32.msk $0xffff, v1  }
0x11b: {  	v1 =	vld [tilespmem:s1+$0xF0]  }
0x11c: {  	v3 =	vld [tilespmem:s1+$0x1F0]  }
0x11d: {  	s2 =	simm.s32 $0x2000;
	v2 =	vld [tilespmem:s1+$0x2F0]  }
.LBB2_3:
0x11e: {  	p0 =	sne.s32 s2, $0x30000;
	v4 =	vld [tilespmem:s1+$0x3F0];
	s4 =	smov.u32 s2;
	s2 =	sadd.s32 $0x2000, s2  }
0x11f: {  	v5 =	vld [tilespmem:s1+$0x4F0]  }
0x120: {  	v6 =	vld [tilespmem:s1+$0x5F0]  }
0x121: {  	v1 =	vadd.f32 v3, v1;
	v3 =	vld [tilespmem:s1+$0x6F0]  }
0x122: {  	v7 =	vld [tilespmem:s1+$0x7F0]  }
0x123: {  	v1 =	vadd.f32 v2, v1;
	_ =	sdelay $0x1  }
0x124: {  	v1 =	vadd.f32 v4, v1;
	_ =	sdelay $0x1  }
0x125: {  	v1 =	vadd.f32 v5, v1;
	_ =	sdelay $0x1  }
0x126: {  	v1 =	vadd.f32 v6, v1;
	_ =	sdelay $0x1  }
0x127: {  	v1 =	vadd.f32 v3, v1;
	_ =	sdelay $0x1  }
0x128: {  	v1 =	vadd.f32 v7, v1  }
0x129: {  	s1 =	sshra.s32 s4, $0x2  }
0x12a: {  	[tilespmem:s26+$0x0] =	vst.add.f32.msk $0xffff, v1  }
0x12b: {  	v1 =	vld [tilespmem:s1+$0x0]  }
0x12c: {  	v2 =	vld [tilespmem:s1+$0x100]  }
0x12d: {  	v3 =	vld [tilespmem:s1+$0x200];
	_ =	sdelay $0x1  }
0x12e: {  	v4 =	vld [tilespmem:s1+$0x300];
	_ =	sdelay $0x1  }
0x12f: {  	v1 =	vadd.f32 v2, v1;
	v2 =	vld [tilespmem:s1+$0x400];
	_ =	sdelay $0x1  }
0x130: {  	v1 =	vadd.f32 v3, v1;
	v3 =	vld [tilespmem:s1+$0x500];
	_ =	sdelay $0x1  }
0x131: {  	v1 =	vadd.f32 v4, v1;
	v4 =	vld [tilespmem:s1+$0x600];
	_ =	sdelay $0x1  }
0x132: {  	v1 =	vadd.f32 v2, v1;
	v2 =	vld [tilespmem:s1+$0x700];
	_ =	sdelay $0x1  }
0x133: {  	v1 =	vadd.f32 v3, v1;
	_ =	sdelay $0x1  }
0x134: {  	v1 =	vadd.f32 v4, v1;
	_ =	sdelay $0x1  }
0x135: {  	v1 =	vadd.f32 v2, v1;
	_ =	sdelay $0x1  }
0x136: {  	[tilespmem:s11+$0x0] =	vst.add.f32.msk $0xffff, v1  }
0x137: {  	v1 =	vld [tilespmem:s1+$0x10]  }
0x138: {  	v2 =	vld [tilespmem:s1+$0x110];
	_ =	sdelay $0x1  }
0x139: {  	v3 =	vld [tilespmem:s1+$0x210];
	_ =	sdelay $0x1  }
0x13a: {  	v4 =	vld [tilespmem:s1+$0x310]  }
0x13b: {  	v1 =	vadd.f32 v2, v1  }
0x13c: {  	v2 =	vld [tilespmem:s1+$0x410]  }
0x13d: {  	v1 =	vadd.f32 v3, v1  }
0x13e: {  	v3 =	vld [tilespmem:s1+$0x510]  }
0x13f: {  	v1 =	vadd.f32 v4, v1  }
0x140: {  	v4 =	vld [tilespmem:s1+$0x610]  }
0x141: {  	v1 =	vadd.f32 v2, v1  }
0x142: {  	v2 =	vld [tilespmem:s1+$0x710]  }
0x143: {  	v1 =	vadd.f32 v3, v1;
	_ =	sdelay $0x1  }
0x144: {  	v1 =	vadd.f32 v4, v1;
	_ =	sdelay $0x1  }
0x145: {  	v1 =	vadd.f32 v2, v1;
	_ =	sdelay $0x1  }
0x146: {  	[tilespmem:s12+$0x0] =	vst.add.f32.msk $0xffff, v1  }
0x147: {  	v1 =	vld [tilespmem:s1+$0x20]  }
0x148: {  	v2 =	vld [tilespmem:s1+$0x120]  }
0x149: {  	v3 =	vld [tilespmem:s1+$0x220];
	_ =	sdelay $0x2  }
0x14a: {  	v4 =	vld [tilespmem:s1+$0x320]  }
0x14b: {  	v1 =	vadd.f32 v2, v1  }
0x14c: {  	v2 =	vld [tilespmem:s1+$0x420]  }
0x14d: {  	v1 =	vadd.f32 v3, v1  }
0x14e: {  	v3 =	vld [tilespmem:s1+$0x520]  }
0x14f: {  	v1 =	vadd.f32 v4, v1  }
0x150: {  	v4 =	vld [tilespmem:s1+$0x620]  }
0x151: {  	v1 =	vadd.f32 v2, v1  }
0x152: {  	v2 =	vld [tilespmem:s1+$0x720]  }
0x153: {  	v1 =	vadd.f32 v3, v1;
	_ =	sdelay $0x1  }
0x154: {  	v1 =	vadd.f32 v4, v1;
	_ =	sdelay $0x1  }
0x155: {  	v1 =	vadd.f32 v2, v1;
	_ =	sdelay $0x1  }
0x156: {  	[tilespmem:s13+$0x0] =	vst.add.f32.msk $0xffff, v1  }
0x157: {  	v1 =	vld [tilespmem:s1+$0x30]  }
0x158: {  	v2 =	vld [tilespmem:s1+$0x130]  }
0x159: {  	v3 =	vld [tilespmem:s1+$0x630]  }
0x15a: {  	v4 =	vld [tilespmem:s1+$0x230];
	_ =	sdelay $0x1  }
0x15b: {  	v5 =	vld [tilespmem:s1+$0x330]  }
0x15c: {  	v1 =	vadd.f32 v2, v1  }
0x15d: {  	v2 =	vld [tilespmem:s1+$0x430]  }
0x15e: {  	v1 =	vadd.f32 v4, v1  }
0x15f: {  	v4 =	vld [tilespmem:s1+$0x530]  }
0x160: {  	v1 =	vadd.f32 v5, v1;
	_ =	sdelay $0x1  }
0x161: {  	v1 =	vadd.f32 v2, v1  }
0x162: {  	v2 =	vld [tilespmem:s1+$0x730]  }
0x163: {  	v1 =	vadd.f32 v4, v1;
	_ =	sdelay $0x1  }
0x164: {  	v1 =	vadd.f32 v3, v1;
	_ =	sdelay $0x1  }
0x165: {  	v1 =	vadd.f32 v2, v1;
	_ =	sdelay $0x1  }
0x166: {  	[tilespmem:s14+$0x0] =	vst.add.f32.msk $0xffff, v1  }
0x167: {  	v1 =	vld [tilespmem:s1+$0x40]  }
0x168: {  	v2 =	vld [tilespmem:s1+$0x140]  }
0x169: {  	v3 =	vld [tilespmem:s1+$0x340]  }
0x16a: {  	v4 =	vld [tilespmem:s1+$0x240];
	_ =	sdelay $0x2  }
0x16b: {  	v1 =	vadd.f32 v2, v1  }
0x16c: {  	v2 =	vld [tilespmem:s1+$0x440]  }
0x16d: {  	v1 =	vadd.f32 v4, v1  }
0x16e: {  	v4 =	vld [tilespmem:s1+$0x540]  }
0x16f: {  	v1 =	vadd.f32 v3, v1  }
0x170: {  	v3 =	vld [tilespmem:s1+$0x640]  }
0x171: {  	v1 =	vadd.f32 v2, v1  }
0x172: {  	v2 =	vld [tilespmem:s1+$0x740]  }
0x173: {  	v1 =	vadd.f32 v4, v1;
	_ =	sdelay $0x1  }
0x174: {  	v1 =	vadd.f32 v3, v1;
	_ =	sdelay $0x1  }
0x175: {  	v1 =	vadd.f32 v2, v1;
	_ =	sdelay $0x1  }
0x176: {  	[tilespmem:s15+$0x0] =	vst.add.f32.msk $0xffff, v1  }
0x177: {  	v1 =	vld [tilespmem:s1+$0x50]  }
0x178: {  	v2 =	vld [tilespmem:s1+$0x150]  }
0x179: {  	v3 =	vld [tilespmem:s1+$0x350]  }
0x17a: {  	v4 =	vld [tilespmem:s1+$0x250];
	_ =	sdelay $0x2  }
0x17b: {  	v1 =	vadd.f32 v2, v1  }
0x17c: {  	v2 =	vld [tilespmem:s1+$0x450]  }
0x17d: {  	v1 =	vadd.f32 v4, v1  }
0x17e: {  	v4 =	vld [tilespmem:s1+$0x550]  }
0x17f: {  	v1 =	vadd.f32 v3, v1  }
0x180: {  	v3 =	vld [tilespmem:s1+$0x650]  }
0x181: {  	v1 =	vadd.f32 v2, v1  }
0x182: {  	v2 =	vld [tilespmem:s1+$0x750]  }
0x183: {  	v1 =	vadd.f32 v4, v1;
	_ =	sdelay $0x1  }
0x184: {  	v1 =	vadd.f32 v3, v1;
	_ =	sdelay $0x1  }
0x185: {  	v1 =	vadd.f32 v2, v1;
	_ =	sdelay $0x1  }
0x186: {  	[tilespmem:s16+$0x0] =	vst.add.f32.msk $0xffff, v1  }
0x187: {  	v1 =	vld [tilespmem:s1+$0x60]  }
0x188: {  	v2 =	vld [tilespmem:s1+$0x160]  }
0x189: {  	v3 =	vld [tilespmem:s1+$0x360]  }
0x18a: {  	v4 =	vld [tilespmem:s1+$0x260];
	_ =	sdelay $0x2  }
0x18b: {  	v1 =	vadd.f32 v2, v1  }
0x18c: {  	v2 =	vld [tilespmem:s1+$0x460]  }
0x18d: {  	v1 =	vadd.f32 v4, v1  }
0x18e: {  	v4 =	vld [tilespmem:s1+$0x560]  }
0x18f: {  	v1 =	vadd.f32 v3, v1  }
0x190: {  	v3 =	vld [tilespmem:s1+$0x660]  }
0x191: {  	v1 =	vadd.f32 v2, v1  }
0x192: {  	v2 =	vld [tilespmem:s1+$0x760]  }
0x193: {  	v1 =	vadd.f32 v4, v1;
	_ =	sdelay $0x1  }
0x194: {  	v1 =	vadd.f32 v3, v1;
	_ =	sdelay $0x1  }
0x195: {  	v1 =	vadd.f32 v2, v1;
	_ =	sdelay $0x1  }
0x196: {  	[tilespmem:s17+$0x0] =	vst.add.f32.msk $0xffff, v1  }
0x197: {  	v1 =	vld [tilespmem:s1+$0x70]  }
0x198: {  	v2 =	vld [tilespmem:s1+$0x170]  }
0x199: {  	v3 =	vld [tilespmem:s1+$0x370]  }
0x19a: {  	v4 =	vld [tilespmem:s1+$0x270];
	_ =	sdelay $0x2  }
0x19b: {  	v1 =	vadd.f32 v2, v1  }
0x19c: {  	v2 =	vld [tilespmem:s1+$0x470]  }
0x19d: {  	v1 =	vadd.f32 v4, v1  }
0x19e: {  	v4 =	vld [tilespmem:s1+$0x570]  }
0x19f: {  	v1 =	vadd.f32 v3, v1  }
0x1a0: {  	v3 =	vld [tilespmem:s1+$0x670]  }
0x1a1: {  	v1 =	vadd.f32 v2, v1  }
0x1a2: {  	v2 =	vld [tilespmem:s1+$0x770]  }
0x1a3: {  	v1 =	vadd.f32 v4, v1;
	_ =	sdelay $0x1  }
0x1a4: {  	v1 =	vadd.f32 v3, v1;
	_ =	sdelay $0x1  }
0x1a5: {  	v1 =	vadd.f32 v2, v1;
	_ =	sdelay $0x1  }
0x1a6: {  	[tilespmem:s18+$0x0] =	vst.add.f32.msk $0xffff, v1  }
0x1a7: {  	v1 =	vld [tilespmem:s1+$0x80]  }
0x1a8: {  	v2 =	vld [tilespmem:s1+$0x180]  }
0x1a9: {  	v3 =	vld [tilespmem:s1+$0x480]  }
0x1aa: {  	v4 =	vld [tilespmem:s1+$0x280];
	_ =	sdelay $0x1  }
0x1ab: {  	v5 =	vld [tilespmem:s1+$0x380]  }
0x1ac: {  	v1 =	vadd.f32 v2, v1;
	_ =	sdelay $0x1  }
0x1ad: {  	v1 =	vadd.f32 v4, v1  }
0x1ae: {  	v2 =	vld [tilespmem:s1+$0x580]  }
0x1af: {  	v1 =	vadd.f32 v5, v1  }
0x1b0: {  	v4 =	vld [tilespmem:s1+$0x680]  }
0x1b1: {  	v1 =	vadd.f32 v3, v1  }
0x1b2: {  	v3 =	vld [tilespmem:s1+$0x780]  }
0x1b3: {  	v1 =	vadd.f32 v2, v1;
	_ =	sdelay $0x1  }
0x1b4: {  	v1 =	vadd.f32 v4, v1;
	_ =	sdelay $0x1  }
0x1b5: {  	v1 =	vadd.f32 v3, v1;
	_ =	sdelay $0x1  }
0x1b6: {  	[tilespmem:s19+$0x0] =	vst.add.f32.msk $0xffff, v1  }
0x1b7: {  	v1 =	vld [tilespmem:s1+$0x90]  }
0x1b8: {  	v2 =	vld [tilespmem:s1+$0x190]  }
0x1b9: {  	v3 =	vld [tilespmem:s1+$0x290]  }
0x1ba: {  	v4 =	vld [tilespmem:s1+$0x390]  }
0x1bb: {  	v5 =	vld [tilespmem:s1+$0x490]  }
0x1bc: {  	v6 =	vld [tilespmem:s1+$0x590]  }
0x1bd: {  	v1 =	vadd.f32 v2, v1;
	v2 =	vld [tilespmem:s1+$0x690]  }
0x1be: {  	v7 =	vld [tilespmem:s1+$0x790]  }
0x1bf: {  	v1 =	vadd.f32 v3, v1;
	_ =	sdelay $0x1  }
0x1c0: {  	v1 =	vadd.f32 v4, v1;
	_ =	sdelay $0x1  }
0x1c1: {  	v1 =	vadd.f32 v5, v1;
	_ =	sdelay $0x1  }
0x1c2: {  	v1 =	vadd.f32 v6, v1;
	_ =	sdelay $0x1  }
0x1c3: {  	v1 =	vadd.f32 v2, v1;
	_ =	sdelay $0x1  }
0x1c4: {  	v1 =	vadd.f32 v7, v1;
	_ =	sdelay $0x1  }
0x1c5: {  	[tilespmem:s20+$0x0] =	vst.add.f32.msk $0xffff, v1  }
0x1c6: {  	v1 =	vld [tilespmem:s1+$0xA0]  }
0x1c7: {  	v2 =	vld [tilespmem:s1+$0x1A0]  }
0x1c8: {  	v3 =	vld [tilespmem:s1+$0x3A0]  }
0x1c9: {  	v4 =	vld [tilespmem:s1+$0x2A0]  }
0x1ca: {  	v5 =	vld [tilespmem:s1+$0x4A0]  }
0x1cb: {  	v6 =	vld [tilespmem:s1+$0x5A0]  }
0x1cc: {  	v1 =	vadd.f32 v2, v1;
	v2 =	vld [tilespmem:s1+$0x6A0]  }
0x1cd: {  	v7 =	vld [tilespmem:s1+$0x7A0]  }
0x1ce: {  	v1 =	vadd.f32 v4, v1;
	_ =	sdelay $0x1  }
0x1cf: {  	v1 =	vadd.f32 v3, v1;
	_ =	sdelay $0x1  }
0x1d0: {  	v1 =	vadd.f32 v5, v1;
	_ =	sdelay $0x1  }
0x1d1: {  	v1 =	vadd.f32 v6, v1;
	_ =	sdelay $0x1  }
0x1d2: {  	v1 =	vadd.f32 v2, v1;
	_ =	sdelay $0x1  }
0x1d3: {  	v1 =	vadd.f32 v7, v1;
	_ =	sdelay $0x1  }
0x1d4: {  	[tilespmem:s21+$0x0] =	vst.add.f32.msk $0xffff, v1  }
0x1d5: {  	v1 =	vld [tilespmem:s1+$0xB0]  }
0x1d6: {  	v2 =	vld [tilespmem:s1+$0x1B0]  }
0x1d7: {  	v3 =	vld [tilespmem:s1+$0x2B0]  }
0x1d8: {  	v4 =	vld [tilespmem:s1+$0x3B0]  }
0x1d9: {  	v5 =	vld [tilespmem:s1+$0x4B0]  }
0x1da: {  	v6 =	vld [tilespmem:s1+$0x5B0]  }
0x1db: {  	v1 =	vadd.f32 v2, v1;
	v2 =	vld [tilespmem:s1+$0x6B0]  }
0x1dc: {  	v7 =	vld [tilespmem:s1+$0x7B0]  }
0x1dd: {  	v1 =	vadd.f32 v3, v1;
	_ =	sdelay $0x1  }
0x1de: {  	v1 =	vadd.f32 v4, v1;
	_ =	sdelay $0x1  }
0x1df: {  	v1 =	vadd.f32 v5, v1;
	_ =	sdelay $0x1  }
0x1e0: {  	v1 =	vadd.f32 v6, v1;
	_ =	sdelay $0x1  }
0x1e1: {  	v1 =	vadd.f32 v2, v1;
	_ =	sdelay $0x1  }
0x1e2: {  	v1 =	vadd.f32 v7, v1;
	_ =	sdelay $0x1  }
0x1e3: {  	[tilespmem:s22+$0x0] =	vst.add.f32.msk $0xffff, v1  }
0x1e4: {  	v1 =	vld [tilespmem:s1+$0xC0]  }
0x1e5: {  	v2 =	vld [tilespmem:s1+$0x1C0]  }
0x1e6: {  	v3 =	vld [tilespmem:s1+$0x2C0]  }
0x1e7: {  	v4 =	vld [tilespmem:s1+$0x3C0]  }
0x1e8: {  	v5 =	vld [tilespmem:s1+$0x4C0]  }
0x1e9: {  	v6 =	vld [tilespmem:s1+$0x5C0]  }
0x1ea: {  	v1 =	vadd.f32 v2, v1;
	v2 =	vld [tilespmem:s1+$0x6C0]  }
0x1eb: {  	v7 =	vld [tilespmem:s1+$0x7C0]  }
0x1ec: {  	v1 =	vadd.f32 v3, v1;
	_ =	sdelay $0x1  }
0x1ed: {  	v1 =	vadd.f32 v4, v1;
	_ =	sdelay $0x1  }
0x1ee: {  	v1 =	vadd.f32 v5, v1;
	_ =	sdelay $0x1  }
0x1ef: {  	v1 =	vadd.f32 v6, v1;
	_ =	sdelay $0x1  }
0x1f0: {  	v1 =	vadd.f32 v2, v1;
	_ =	sdelay $0x1  }
0x1f1: {  	v1 =	vadd.f32 v7, v1;
	_ =	sdelay $0x1  }
0x1f2: {  	[tilespmem:s23+$0x0] =	vst.add.f32.msk $0xffff, v1  }
0x1f3: {  	v1 =	vld [tilespmem:s1+$0xD0]  }
0x1f4: {  	v2 =	vld [tilespmem:s1+$0x1D0]  }
0x1f5: {  	v3 =	vld [tilespmem:s1+$0x2D0]  }
0x1f6: {  	v4 =	vld [tilespmem:s1+$0x3D0]  }
0x1f7: {  	v5 =	vld [tilespmem:s1+$0x4D0]  }
0x1f8: {  	v6 =	vld [tilespmem:s1+$0x5D0]  }
0x1f9: {  	v1 =	vadd.f32 v2, v1;
	v2 =	vld [tilespmem:s1+$0x6D0]  }
0x1fa: {  	v7 =	vld [tilespmem:s1+$0x7D0]  }
0x1fb: {  	v1 =	vadd.f32 v3, v1;
	_ =	sdelay $0x1  }
0x1fc: {  	v1 =	vadd.f32 v4, v1;
	_ =	sdelay $0x1  }
0x1fd: {  	v1 =	vadd.f32 v5, v1;
	_ =	sdelay $0x1  }
0x1fe: {  	v1 =	vadd.f32 v6, v1;
	_ =	sdelay $0x1  }
0x1ff: {  	v1 =	vadd.f32 v2, v1;
	_ =	sdelay $0x1  }
0x200: {  	v1 =	vadd.f32 v7, v1;
	_ =	sdelay $0x1  }
0x201: {  	[tilespmem:s24+$0x0] =	vst.add.f32.msk $0xffff, v1  }
0x202: {  	v1 =	vld [tilespmem:s1+$0xE0]  }
0x203: {  	v2 =	vld [tilespmem:s1+$0x1E0]  }
0x204: {  	v3 =	vld [tilespmem:s1+$0x2E0]  }
0x205: {  	v4 =	vld [tilespmem:s1+$0x3E0]  }
0x206: {  	v5 =	vld [tilespmem:s1+$0x4E0]  }
0x207: {  	v6 =	vld [tilespmem:s1+$0x5E0]  }
0x208: {  	v1 =	vadd.f32 v2, v1;
	v2 =	vld [tilespmem:s1+$0x6E0]  }
0x209: {  	v7 =	vld [tilespmem:s1+$0x7E0]  }
0x20a: {  	v1 =	vadd.f32 v3, v1;
	_ =	sdelay $0x1  }
0x20b: {  	v1 =	vadd.f32 v4, v1;
	_ =	sdelay $0x1  }
0x20c: {  	v1 =	vadd.f32 v5, v1;
	_ =	sdelay $0x1  }
0x20d: {  	v1 =	vadd.f32 v6, v1;
	_ =	sdelay $0x1  }
0x20e: {  	v1 =	vadd.f32 v2, v1;
	_ =	sdelay $0x1  }
0x20f: {  	v1 =	vadd.f32 v7, v1  }
.Ltmp0:
0x210: {  	(pc) =	sbr.rel @p0 .LBB2_3-.Ltmp0, $4  }
0x211: {  	[tilespmem:s25+$0x0] =	vst.add.f32.msk $0xffff, v1  }
0x212: {  	v1 =	vld [tilespmem:s1+$0xF0]  }
0x213: {  	v3 =	vld [tilespmem:s1+$0x1F0]  }
0x214: {  	v2 =	vld [tilespmem:s1+$0x2F0]  }
0x215: {  	_ =	sdelay $0x1  }
0x216: {  	v4 =	vld [tilespmem:s1+$0x3F0]  }
0x217: {  	v1 =	vadd.f32 v3, v1  }
0x218: {  	v3 =	vld [tilespmem:s1+$0x4F0]  }
0x219: {  	v1 =	vadd.f32 v2, v1  }
0x21a: {  	v2 =	vld [tilespmem:s1+$0x5F0]  }
0x21b: {  	v1 =	vadd.f32 v4, v1  }
0x21c: {  	v4 =	vld [tilespmem:s1+$0x6F0]  }
0x21d: {  	v1 =	vadd.f32 v3, v1  }
0x21e: {  	v3 =	vld [tilespmem:s1+$0x7F0]  }
0x21f: {  	v1 =	vadd.f32 v2, v1;
	_ =	sdelay $0x1  }
0x220: {  	p0 =	seq.s32 s31, $0x4;
	v1 =	vadd.f32 v4, v1  }
0x221: {  	s0 =	sadd.s32 @!p0 s0, s6  }
0x222: {  	s0 =	sshll.u32 @!p0 s0, $0x5;
	v1 =	vadd.f32 v3, v1  }
0x223: {  	s0 =	sand.u32 @!p0 $0x1FFFFE00, s0  }
0x224: {  	s0 =	sadd.s32 @!p0 s3, s0;
	s1 =	simm.s32 @!p0 $0x0;
	[tilespmem:s26+$0x0] =	vst.add.f32.msk $0xffff, v1  }
0x225: {  	[tilespmem:s1], [sflag:$0x1] =	stream.linear.gather @!p0 [hbm4b:s0+s1], $0xC800, $0x38;
	[tilespmem:$0x19100] =	vst v63  }
0x226: {  	_ =	swait.ge [sflag:s28], $0xC800  }
0x227: {  	[sflag:s28] =	ssyncset.done $0x0  }
0x228: {  	s0 =	simm.s32 $0x0;
	[sflag:s28] =	ssyncadd.s32 $0xFFFF3800  }
0x229: {  	v1 =	vld [tilespmem:s0+$0xC800]  }
0x22a: {  	v2 =	vld [tilespmem:s0+$0xC900];
	_ =	sdelay $0x1  }
0x22b: {  	v3 =	vld [tilespmem:s0+$0xCA00];
	_ =	sdelay $0x1  }
0x22c: {  	v4 =	vld [tilespmem:s0+$0xCB00]  }
0x22d: {  	v1 =	vadd.f32 v2, v1  }
0x22e: {  	v2 =	vld [tilespmem:s0+$0xCC00]  }
0x22f: {  	v1 =	vadd.f32 v3, v1  }
0x230: {  	v3 =	vld [tilespmem:s0+$0xCD00]  }
0x231: {  	v1 =	vadd.f32 v4, v1  }
0x232: {  	v4 =	vld [tilespmem:s0+$0xCE00]  }
0x233: {  	v1 =	vadd.f32 v2, v1  }
0x234: {  	v2 =	vld [tilespmem:s0+$0xCF00]  }
0x235: {  	v1 =	vadd.f32 v3, v1;
	_ =	sdelay $0x1  }
0x236: {  	v1 =	vadd.f32 v4, v1;
	_ =	sdelay $0x1  }
0x237: {  	v1 =	vadd.f32 v2, v1;
	_ =	sdelay $0x1  }
0x238: {  	[tilespmem:s11+$0x0] =	vst.add.f32.msk $0xffff, v1  }
0x239: {  	v1 =	vld [tilespmem:s0+$0xC810]  }
0x23a: {  	v2 =	vld [tilespmem:s0+$0xC910];
	_ =	sdelay $0x1  }
0x23b: {  	v3 =	vld [tilespmem:s0+$0xCA10];
	_ =	sdelay $0x1  }
0x23c: {  	v4 =	vld [tilespmem:s0+$0xCB10]  }
0x23d: {  	v1 =	vadd.f32 v2, v1  }
0x23e: {  	v2 =	vld [tilespmem:s0+$0xCC10]  }
0x23f: {  	v1 =	vadd.f32 v3, v1  }
0x240: {  	v3 =	vld [tilespmem:s0+$0xCD10]  }
0x241: {  	v1 =	vadd.f32 v4, v1  }
0x242: {  	v4 =	vld [tilespmem:s0+$0xCE10]  }
0x243: {  	v1 =	vadd.f32 v2, v1  }
0x244: {  	v2 =	vld [tilespmem:s0+$0xCF10]  }
0x245: {  	v1 =	vadd.f32 v3, v1;
	_ =	sdelay $0x1  }
0x246: {  	v1 =	vadd.f32 v4, v1;
	_ =	sdelay $0x1  }
0x247: {  	v1 =	vadd.f32 v2, v1;
	_ =	sdelay $0x1  }
0x248: {  	[tilespmem:s12+$0x0] =	vst.add.f32.msk $0xffff, v1  }
0x249: {  	v1 =	vld [tilespmem:s0+$0xC820]  }
0x24a: {  	v2 =	vld [tilespmem:s0+$0xC920];
	_ =	sdelay $0x1  }
0x24b: {  	v3 =	vld [tilespmem:s0+$0xCA20];
	_ =	sdelay $0x1  }
0x24c: {  	v4 =	vld [tilespmem:s0+$0xCB20]  }
0x24d: {  	v1 =	vadd.f32 v2, v1  }
0x24e: {  	v2 =	vld [tilespmem:s0+$0xCC20]  }
0x24f: {  	v1 =	vadd.f32 v3, v1  }
0x250: {  	v3 =	vld [tilespmem:s0+$0xCD20]  }
0x251: {  	v1 =	vadd.f32 v4, v1  }
0x252: {  	v4 =	vld [tilespmem:s0+$0xCE20]  }
0x253: {  	v1 =	vadd.f32 v2, v1  }
0x254: {  	v2 =	vld [tilespmem:s0+$0xCF20]  }
0x255: {  	v1 =	vadd.f32 v3, v1;
	_ =	sdelay $0x1  }
0x256: {  	v1 =	vadd.f32 v4, v1;
	_ =	sdelay $0x1  }
0x257: {  	v1 =	vadd.f32 v2, v1;
	_ =	sdelay $0x1  }
0x258: {  	[tilespmem:s13+$0x0] =	vst.add.f32.msk $0xffff, v1  }
0x259: {  	v1 =	vld [tilespmem:s0+$0xC830]  }
0x25a: {  	v2 =	vld [tilespmem:s0+$0xC930];
	_ =	sdelay $0x1  }
0x25b: {  	v3 =	vld [tilespmem:s0+$0xCA30];
	_ =	sdelay $0x1  }
0x25c: {  	v4 =	vld [tilespmem:s0+$0xCB30]  }
0x25d: {  	v1 =	vadd.f32 v2, v1  }
0x25e: {  	v2 =	vld [tilespmem:s0+$0xCC30]  }
0x25f: {  	v1 =	vadd.f32 v3, v1  }
0x260: {  	v3 =	vld [tilespmem:s0+$0xCD30]  }
0x261: {  	v1 =	vadd.f32 v4, v1  }
0x262: {  	v4 =	vld [tilespmem:s0+$0xCE30]  }
0x263: {  	v1 =	vadd.f32 v2, v1  }
0x264: {  	v2 =	vld [tilespmem:s0+$0xCF30]  }
0x265: {  	v1 =	vadd.f32 v3, v1;
	_ =	sdelay $0x1  }
0x266: {  	v1 =	vadd.f32 v4, v1;
	_ =	sdelay $0x1  }
0x267: {  	v1 =	vadd.f32 v2, v1;
	_ =	sdelay $0x1  }
0x268: {  	[tilespmem:s14+$0x0] =	vst.add.f32.msk $0xffff, v1  }
0x269: {  	v1 =	vld [tilespmem:s0+$0xC840]  }
0x26a: {  	v2 =	vld [tilespmem:s0+$0xC940];
	_ =	sdelay $0x1  }
0x26b: {  	v3 =	vld [tilespmem:s0+$0xCA40];
	_ =	sdelay $0x1  }
0x26c: {  	v4 =	vld [tilespmem:s0+$0xCB40]  }
0x26d: {  	v1 =	vadd.f32 v2, v1  }
0x26e: {  	v2 =	vld [tilespmem:s0+$0xCC40]  }
0x26f: {  	v1 =	vadd.f32 v3, v1  }
0x270: {  	v3 =	vld [tilespmem:s0+$0xCD40]  }
0x271: {  	v1 =	vadd.f32 v4, v1  }
0x272: {  	v4 =	vld [tilespmem:s0+$0xCE40]  }
0x273: {  	v1 =	vadd.f32 v2, v1  }
0x274: {  	v2 =	vld [tilespmem:s0+$0xCF40]  }
0x275: {  	v1 =	vadd.f32 v3, v1;
	_ =	sdelay $0x1  }
0x276: {  	v1 =	vadd.f32 v4, v1;
	_ =	sdelay $0x1  }
0x277: {  	v1 =	vadd.f32 v2, v1;
	_ =	sdelay $0x1  }
0x278: {  	[tilespmem:s15+$0x0] =	vst.add.f32.msk $0xffff, v1  }
0x279: {  	v1 =	vld [tilespmem:s0+$0xC850]  }
0x27a: {  	v2 =	vld [tilespmem:s0+$0xC950];
	_ =	sdelay $0x1  }
0x27b: {  	v3 =	vld [tilespmem:s0+$0xCA50];
	_ =	sdelay $0x1  }
0x27c: {  	v4 =	vld [tilespmem:s0+$0xCB50]  }
0x27d: {  	v1 =	vadd.f32 v2, v1  }
0x27e: {  	v2 =	vld [tilespmem:s0+$0xCC50]  }
0x27f: {  	v1 =	vadd.f32 v3, v1  }
0x280: {  	v3 =	vld [tilespmem:s0+$0xCD50]  }
0x281: {  	v1 =	vadd.f32 v4, v1  }
0x282: {  	v4 =	vld [tilespmem:s0+$0xCE50]  }
0x283: {  	v1 =	vadd.f32 v2, v1  }
0x284: {  	v2 =	vld [tilespmem:s0+$0xCF50]  }
0x285: {  	v1 =	vadd.f32 v3, v1;
	_ =	sdelay $0x1  }
0x286: {  	v1 =	vadd.f32 v4, v1;
	_ =	sdelay $0x1  }
0x287: {  	v1 =	vadd.f32 v2, v1;
	_ =	sdelay $0x1  }
0x288: {  	[tilespmem:s16+$0x0] =	vst.add.f32.msk $0xffff, v1  }
0x289: {  	v1 =	vld [tilespmem:s0+$0xC860]  }
0x28a: {  	v2 =	vld [tilespmem:s0+$0xC960];
	_ =	sdelay $0x1  }
0x28b: {  	v3 =	vld [tilespmem:s0+$0xCA60];
	_ =	sdelay $0x1  }
0x28c: {  	v4 =	vld [tilespmem:s0+$0xCB60]  }
0x28d: {  	v1 =	vadd.f32 v2, v1  }
0x28e: {  	v2 =	vld [tilespmem:s0+$0xCC60]  }
0x28f: {  	v1 =	vadd.f32 v3, v1  }
0x290: {  	v3 =	vld [tilespmem:s0+$0xCD60]  }
0x291: {  	v1 =	vadd.f32 v4, v1  }
0x292: {  	v4 =	vld [tilespmem:s0+$0xCE60]  }
0x293: {  	v1 =	vadd.f32 v2, v1  }
0x294: {  	v2 =	vld [tilespmem:s0+$0xCF60]  }
0x295: {  	v1 =	vadd.f32 v3, v1;
	_ =	sdelay $0x1  }
0x296: {  	v1 =	vadd.f32 v4, v1;
	_ =	sdelay $0x1  }
0x297: {  	v1 =	vadd.f32 v2, v1;
	_ =	sdelay $0x1  }
0x298: {  	[tilespmem:s17+$0x0] =	vst.add.f32.msk $0xffff, v1  }
0x299: {  	v1 =	vld [tilespmem:s0+$0xC870]  }
0x29a: {  	v2 =	vld [tilespmem:s0+$0xC970];
	_ =	sdelay $0x1  }
0x29b: {  	v3 =	vld [tilespmem:s0+$0xCA70];
	_ =	sdelay $0x1  }
0x29c: {  	v4 =	vld [tilespmem:s0+$0xCB70]  }
0x29d: {  	v1 =	vadd.f32 v2, v1  }
0x29e: {  	v2 =	vld [tilespmem:s0+$0xCC70]  }
0x29f: {  	v1 =	vadd.f32 v3, v1  }
0x2a0: {  	v3 =	vld [tilespmem:s0+$0xCD70]  }
0x2a1: {  	v1 =	vadd.f32 v4, v1  }
0x2a2: {  	v4 =	vld [tilespmem:s0+$0xCE70]  }
0x2a3: {  	v1 =	vadd.f32 v2, v1  }
0x2a4: {  	v2 =	vld [tilespmem:s0+$0xCF70]  }
0x2a5: {  	v1 =	vadd.f32 v3, v1;
	_ =	sdelay $0x1  }
0x2a6: {  	v1 =	vadd.f32 v4, v1;
	_ =	sdelay $0x1  }
0x2a7: {  	v1 =	vadd.f32 v2, v1;
	_ =	sdelay $0x1  }
0x2a8: {  	[tilespmem:s18+$0x0] =	vst.add.f32.msk $0xffff, v1  }
0x2a9: {  	v1 =	vld [tilespmem:s0+$0xC880]  }
0x2aa: {  	v2 =	vld [tilespmem:s0+$0xC980];
	_ =	sdelay $0x1  }
0x2ab: {  	v3 =	vld [tilespmem:s0+$0xCA80];
	_ =	sdelay $0x1  }
0x2ac: {  	v4 =	vld [tilespmem:s0+$0xCB80]  }
0x2ad: {  	v1 =	vadd.f32 v2, v1  }
0x2ae: {  	v2 =	vld [tilespmem:s0+$0xCC80]  }
0x2af: {  	v1 =	vadd.f32 v3, v1  }
0x2b0: {  	v3 =	vld [tilespmem:s0+$0xCD80]  }
0x2b1: {  	v1 =	vadd.f32 v4, v1  }
0x2b2: {  	v4 =	vld [tilespmem:s0+$0xCE80]  }
0x2b3: {  	v1 =	vadd.f32 v2, v1  }
0x2b4: {  	v2 =	vld [tilespmem:s0+$0xCF80]  }
0x2b5: {  	v1 =	vadd.f32 v3, v1;
	_ =	sdelay $0x1  }
0x2b6: {  	v1 =	vadd.f32 v4, v1;
	_ =	sdelay $0x1  }
0x2b7: {  	v1 =	vadd.f32 v2, v1;
	_ =	sdelay $0x1  }
0x2b8: {  	[tilespmem:s19+$0x0] =	vst.add.f32.msk $0xffff, v1  }
0x2b9: {  	v1 =	vld [tilespmem:s0+$0xC890]  }
0x2ba: {  	v2 =	vld [tilespmem:s0+$0xC990];
	_ =	sdelay $0x1  }
0x2bb: {  	v3 =	vld [tilespmem:s0+$0xCA90];
	_ =	sdelay $0x1  }
0x2bc: {  	v4 =	vld [tilespmem:s0+$0xCB90]  }
0x2bd: {  	v1 =	vadd.f32 v2, v1  }
0x2be: {  	v2 =	vld [tilespmem:s0+$0xCC90]  }
0x2bf: {  	v1 =	vadd.f32 v3, v1  }
0x2c0: {  	v3 =	vld [tilespmem:s0+$0xCD90]  }
0x2c1: {  	v1 =	vadd.f32 v4, v1  }
0x2c2: {  	v4 =	vld [tilespmem:s0+$0xCE90]  }
0x2c3: {  	v1 =	vadd.f32 v2, v1  }
0x2c4: {  	v2 =	vld [tilespmem:s0+$0xCF90]  }
0x2c5: {  	v1 =	vadd.f32 v3, v1;
	_ =	sdelay $0x1  }
0x2c6: {  	v1 =	vadd.f32 v4, v1;
	_ =	sdelay $0x1  }
0x2c7: {  	v1 =	vadd.f32 v2, v1;
	_ =	sdelay $0x1  }
0x2c8: {  	[tilespmem:s20+$0x0] =	vst.add.f32.msk $0xffff, v1  }
0x2c9: {  	v1 =	vld [tilespmem:s0+$0xC8A0]  }
0x2ca: {  	v2 =	vld [tilespmem:s0+$0xC9A0];
	_ =	sdelay $0x1  }
0x2cb: {  	v3 =	vld [tilespmem:s0+$0xCAA0];
	_ =	sdelay $0x1  }
0x2cc: {  	v4 =	vld [tilespmem:s0+$0xCBA0]  }
0x2cd: {  	v1 =	vadd.f32 v2, v1  }
0x2ce: {  	v2 =	vld [tilespmem:s0+$0xCCA0]  }
0x2cf: {  	v1 =	vadd.f32 v3, v1  }
0x2d0: {  	v3 =	vld [tilespmem:s0+$0xCDA0]  }
0x2d1: {  	v1 =	vadd.f32 v4, v1  }
0x2d2: {  	v4 =	vld [tilespmem:s0+$0xCEA0]  }
0x2d3: {  	v1 =	vadd.f32 v2, v1  }
0x2d4: {  	v2 =	vld [tilespmem:s0+$0xCFA0]  }
0x2d5: {  	v1 =	vadd.f32 v3, v1;
	_ =	sdelay $0x1  }
0x2d6: {  	v1 =	vadd.f32 v4, v1;
	_ =	sdelay $0x1  }
0x2d7: {  	v1 =	vadd.f32 v2, v1;
	_ =	sdelay $0x1  }
0x2d8: {  	[tilespmem:s21+$0x0] =	vst.add.f32.msk $0xffff, v1  }
0x2d9: {  	v1 =	vld [tilespmem:s0+$0xC8B0]  }
0x2da: {  	v2 =	vld [tilespmem:s0+$0xC9B0];
	_ =	sdelay $0x1  }
0x2db: {  	v3 =	vld [tilespmem:s0+$0xCAB0];
	_ =	sdelay $0x1  }
0x2dc: {  	v4 =	vld [tilespmem:s0+$0xCBB0]  }
0x2dd: {  	v1 =	vadd.f32 v2, v1  }
0x2de: {  	v2 =	vld [tilespmem:s0+$0xCCB0]  }
0x2df: {  	v1 =	vadd.f32 v3, v1  }
0x2e0: {  	v3 =	vld [tilespmem:s0+$0xCDB0]  }
0x2e1: {  	v1 =	vadd.f32 v4, v1  }
0x2e2: {  	v4 =	vld [tilespmem:s0+$0xCEB0]  }
0x2e3: {  	v1 =	vadd.f32 v2, v1  }
0x2e4: {  	v2 =	vld [tilespmem:s0+$0xCFB0]  }
0x2e5: {  	v1 =	vadd.f32 v3, v1;
	_ =	sdelay $0x1  }
0x2e6: {  	v1 =	vadd.f32 v4, v1;
	_ =	sdelay $0x1  }
0x2e7: {  	v1 =	vadd.f32 v2, v1;
	_ =	sdelay $0x1  }
0x2e8: {  	[tilespmem:s22+$0x0] =	vst.add.f32.msk $0xffff, v1  }
0x2e9: {  	v1 =	vld [tilespmem:s0+$0xC8C0]  }
0x2ea: {  	v2 =	vld [tilespmem:s0+$0xC9C0];
	_ =	sdelay $0x1  }
0x2eb: {  	v3 =	vld [tilespmem:s0+$0xCAC0];
	_ =	sdelay $0x1  }
0x2ec: {  	v4 =	vld [tilespmem:s0+$0xCBC0]  }
0x2ed: {  	v1 =	vadd.f32 v2, v1  }
0x2ee: {  	v2 =	vld [tilespmem:s0+$0xCCC0]  }
0x2ef: {  	v1 =	vadd.f32 v3, v1  }
0x2f0: {  	v3 =	vld [tilespmem:s0+$0xCDC0]  }
0x2f1: {  	v1 =	vadd.f32 v4, v1  }
0x2f2: {  	v4 =	vld [tilespmem:s0+$0xCEC0]  }
0x2f3: {  	v1 =	vadd.f32 v2, v1  }
0x2f4: {  	v2 =	vld [tilespmem:s0+$0xCFC0]  }
0x2f5: {  	v1 =	vadd.f32 v3, v1;
	_ =	sdelay $0x1  }
0x2f6: {  	v1 =	vadd.f32 v4, v1;
	_ =	sdelay $0x1  }
0x2f7: {  	v1 =	vadd.f32 v2, v1;
	_ =	sdelay $0x1  }
0x2f8: {  	[tilespmem:s23+$0x0] =	vst.add.f32.msk $0xffff, v1  }
0x2f9: {  	v1 =	vld [tilespmem:s0+$0xC8D0]  }
0x2fa: {  	v2 =	vld [tilespmem:s0+$0xC9D0];
	_ =	sdelay $0x1  }
0x2fb: {  	v3 =	vld [tilespmem:s0+$0xCAD0];
	_ =	sdelay $0x1  }
0x2fc: {  	v4 =	vld [tilespmem:s0+$0xCBD0]  }
0x2fd: {  	v1 =	vadd.f32 v2, v1  }
0x2fe: {  	v2 =	vld [tilespmem:s0+$0xCCD0]  }
0x2ff: {  	v1 =	vadd.f32 v3, v1  }
0x300: {  	v3 =	vld [tilespmem:s0+$0xCDD0]  }
0x301: {  	v1 =	vadd.f32 v4, v1  }
0x302: {  	v4 =	vld [tilespmem:s0+$0xCED0]  }
0x303: {  	v1 =	vadd.f32 v2, v1  }
0x304: {  	v2 =	vld [tilespmem:s0+$0xCFD0]  }
0x305: {  	v1 =	vadd.f32 v3, v1;
	_ =	sdelay $0x1  }
0x306: {  	v1 =	vadd.f32 v4, v1;
	_ =	sdelay $0x1  }
0x307: {  	v1 =	vadd.f32 v2, v1;
	_ =	sdelay $0x1  }
0x308: {  	[tilespmem:s24+$0x0] =	vst.add.f32.msk $0xffff, v1  }
0x309: {  	v1 =	vld [tilespmem:s0+$0xC8E0]  }
0x30a: {  	v2 =	vld [tilespmem:s0+$0xC9E0];
	_ =	sdelay $0x1  }
0x30b: {  	v3 =	vld [tilespmem:s0+$0xCAE0];
	_ =	sdelay $0x1  }
0x30c: {  	v4 =	vld [tilespmem:s0+$0xCBE0]  }
0x30d: {  	v1 =	vadd.f32 v2, v1  }
0x30e: {  	v2 =	vld [tilespmem:s0+$0xCCE0]  }
0x30f: {  	v1 =	vadd.f32 v3, v1  }
0x310: {  	v3 =	vld [tilespmem:s0+$0xCDE0]  }
0x311: {  	v1 =	vadd.f32 v4, v1  }
0x312: {  	v4 =	vld [tilespmem:s0+$0xCEE0]  }
0x313: {  	v1 =	vadd.f32 v2, v1  }
0x314: {  	v2 =	vld [tilespmem:s0+$0xCFE0]  }
0x315: {  	v1 =	vadd.f32 v3, v1;
	_ =	sdelay $0x1  }
0x316: {  	v1 =	vadd.f32 v4, v1;
	_ =	sdelay $0x1  }
0x317: {  	v1 =	vadd.f32 v2, v1;
	_ =	sdelay $0x1  }
0x318: {  	[tilespmem:s25+$0x0] =	vst.add.f32.msk $0xffff, v1  }
0x319: {  	v1 =	vld [tilespmem:s0+$0xC8F0]  }
0x31a: {  	v3 =	vld [tilespmem:s0+$0xC9F0]  }
0x31b: {  	s1 =	simm.s32 $0x2000;
	v2 =	vld [tilespmem:s0+$0xCAF0]  }
.LBB2_5:
0x31c: {  	p0 =	sne.s32 s1, $0x30000;
	v4 =	vld [tilespmem:s0+$0xCBF0];
	s2 =	smov.u32 s1;
	s1 =	sadd.s32 $0x2000, s1  }
0x31d: {  	v5 =	vld [tilespmem:s0+$0xCCF0]  }
0x31e: {  	v6 =	vld [tilespmem:s0+$0xCDF0]  }
0x31f: {  	v1 =	vadd.f32 v3, v1;
	v3 =	vld [tilespmem:s0+$0xCEF0]  }
0x320: {  	v7 =	vld [tilespmem:s0+$0xCFF0]  }
0x321: {  	v1 =	vadd.f32 v2, v1;
	_ =	sdelay $0x1  }
0x322: {  	v1 =	vadd.f32 v4, v1;
	_ =	sdelay $0x1  }
0x323: {  	v1 =	vadd.f32 v5, v1;
	_ =	sdelay $0x1  }
0x324: {  	v1 =	vadd.f32 v6, v1;
	_ =	sdelay $0x1  }
0x325: {  	v1 =	vadd.f32 v3, v1;
	_ =	sdelay $0x1  }
0x326: {  	v1 =	vadd.f32 v7, v1  }
0x327: {  	s0 =	sshra.s32 s2, $0x2  }
0x328: {  	[tilespmem:s26+$0x0] =	vst.add.f32.msk $0xffff, v1  }
0x329: {  	v1 =	vld [tilespmem:s0+$0xC800]  }
0x32a: {  	v2 =	vld [tilespmem:s0+$0xC900]  }
0x32b: {  	v3 =	vld [tilespmem:s0+$0xCA00];
	_ =	sdelay $0x1  }
0x32c: {  	v4 =	vld [tilespmem:s0+$0xCB00];
	_ =	sdelay $0x1  }
0x32d: {  	v1 =	vadd.f32 v2, v1;
	v2 =	vld [tilespmem:s0+$0xCC00];
	_ =	sdelay $0x1  }
0x32e: {  	v1 =	vadd.f32 v3, v1;
	v3 =	vld [tilespmem:s0+$0xCD00];
	_ =	sdelay $0x1  }
0x32f: {  	v1 =	vadd.f32 v4, v1;
	v4 =	vld [tilespmem:s0+$0xCE00];
	_ =	sdelay $0x1  }
0x330: {  	v1 =	vadd.f32 v2, v1;
	v2 =	vld [tilespmem:s0+$0xCF00];
	_ =	sdelay $0x1  }
0x331: {  	v1 =	vadd.f32 v3, v1;
	_ =	sdelay $0x1  }
0x332: {  	v1 =	vadd.f32 v4, v1;
	_ =	sdelay $0x1  }
0x333: {  	v1 =	vadd.f32 v2, v1;
	_ =	sdelay $0x1  }
0x334: {  	[tilespmem:s11+$0x0] =	vst.add.f32.msk $0xffff, v1  }
0x335: {  	v1 =	vld [tilespmem:s0+$0xC810]  }
0x336: {  	v2 =	vld [tilespmem:s0+$0xC910];
	_ =	sdelay $0x1  }
0x337: {  	v3 =	vld [tilespmem:s0+$0xCA10];
	_ =	sdelay $0x1  }
0x338: {  	v4 =	vld [tilespmem:s0+$0xCB10]  }
0x339: {  	v1 =	vadd.f32 v2, v1  }
0x33a: {  	v2 =	vld [tilespmem:s0+$0xCC10]  }
0x33b: {  	v1 =	vadd.f32 v3, v1  }
0x33c: {  	v3 =	vld [tilespmem:s0+$0xCD10]  }
0x33d: {  	v1 =	vadd.f32 v4, v1  }
0x33e: {  	v4 =	vld [tilespmem:s0+$0xCE10]  }
0x33f: {  	v1 =	vadd.f32 v2, v1  }
0x340: {  	v2 =	vld [tilespmem:s0+$0xCF10]  }
0x341: {  	v1 =	vadd.f32 v3, v1;
	_ =	sdelay $0x1  }
0x342: {  	v1 =	vadd.f32 v4, v1;
	_ =	sdelay $0x1  }
0x343: {  	v1 =	vadd.f32 v2, v1;
	_ =	sdelay $0x1  }
0x344: {  	[tilespmem:s12+$0x0] =	vst.add.f32.msk $0xffff, v1  }
0x345: {  	v1 =	vld [tilespmem:s0+$0xC820]  }
0x346: {  	v2 =	vld [tilespmem:s0+$0xC920]  }
0x347: {  	v3 =	vld [tilespmem:s0+$0xCA20];
	_ =	sdelay $0x2  }
0x348: {  	v4 =	vld [tilespmem:s0+$0xCB20]  }
0x349: {  	v1 =	vadd.f32 v2, v1  }
0x34a: {  	v2 =	vld [tilespmem:s0+$0xCC20]  }
0x34b: {  	v1 =	vadd.f32 v3, v1  }
0x34c: {  	v3 =	vld [tilespmem:s0+$0xCD20]  }
0x34d: {  	v1 =	vadd.f32 v4, v1  }
0x34e: {  	v4 =	vld [tilespmem:s0+$0xCE20]  }
0x34f: {  	v1 =	vadd.f32 v2, v1  }
0x350: {  	v2 =	vld [tilespmem:s0+$0xCF20]  }
0x351: {  	v1 =	vadd.f32 v3, v1;
	_ =	sdelay $0x1  }
0x352: {  	v1 =	vadd.f32 v4, v1;
	_ =	sdelay $0x1  }
0x353: {  	v1 =	vadd.f32 v2, v1;
	_ =	sdelay $0x1  }
0x354: {  	[tilespmem:s13+$0x0] =	vst.add.f32.msk $0xffff, v1  }
0x355: {  	v1 =	vld [tilespmem:s0+$0xC830]  }
0x356: {  	v2 =	vld [tilespmem:s0+$0xC930]  }
0x357: {  	v3 =	vld [tilespmem:s0+$0xCE30]  }
0x358: {  	v4 =	vld [tilespmem:s0+$0xCA30];
	_ =	sdelay $0x1  }
0x359: {  	v5 =	vld [tilespmem:s0+$0xCB30]  }
0x35a: {  	v1 =	vadd.f32 v2, v1  }
0x35b: {  	v2 =	vld [tilespmem:s0+$0xCC30]  }
0x35c: {  	v1 =	vadd.f32 v4, v1  }
0x35d: {  	v4 =	vld [tilespmem:s0+$0xCD30]  }
0x35e: {  	v1 =	vadd.f32 v5, v1;
	_ =	sdelay $0x1  }
0x35f: {  	v1 =	vadd.f32 v2, v1  }
0x360: {  	v2 =	vld [tilespmem:s0+$0xCF30]  }
0x361: {  	v1 =	vadd.f32 v4, v1;
	_ =	sdelay $0x1  }
0x362: {  	v1 =	vadd.f32 v3, v1;
	_ =	sdelay $0x1  }
0x363: {  	v1 =	vadd.f32 v2, v1;
	_ =	sdelay $0x1  }
0x364: {  	[tilespmem:s14+$0x0] =	vst.add.f32.msk $0xffff, v1  }
0x365: {  	v1 =	vld [tilespmem:s0+$0xC840]  }
0x366: {  	v2 =	vld [tilespmem:s0+$0xC940]  }
0x367: {  	v3 =	vld [tilespmem:s0+$0xCB40]  }
0x368: {  	v4 =	vld [tilespmem:s0+$0xCA40];
	_ =	sdelay $0x2  }
0x369: {  	v1 =	vadd.f32 v2, v1  }
0x36a: {  	v2 =	vld [tilespmem:s0+$0xCC40]  }
0x36b: {  	v1 =	vadd.f32 v4, v1  }
0x36c: {  	v4 =	vld [tilespmem:s0+$0xCD40]  }
0x36d: {  	v1 =	vadd.f32 v3, v1  }
0x36e: {  	v3 =	vld [tilespmem:s0+$0xCE40]  }
0x36f: {  	v1 =	vadd.f32 v2, v1  }
0x370: {  	v2 =	vld [tilespmem:s0+$0xCF40]  }
0x371: {  	v1 =	vadd.f32 v4, v1;
	_ =	sdelay $0x1  }
0x372: {  	v1 =	vadd.f32 v3, v1;
	_ =	sdelay $0x1  }
0x373: {  	v1 =	vadd.f32 v2, v1;
	_ =	sdelay $0x1  }
0x374: {  	[tilespmem:s15+$0x0] =	vst.add.f32.msk $0xffff, v1  }
0x375: {  	v1 =	vld [tilespmem:s0+$0xC850]  }
0x376: {  	v2 =	vld [tilespmem:s0+$0xC950]  }
0x377: {  	v3 =	vld [tilespmem:s0+$0xCB50]  }
0x378: {  	v4 =	vld [tilespmem:s0+$0xCA50];
	_ =	sdelay $0x2  }
0x379: {  	v1 =	vadd.f32 v2, v1  }
0x37a: {  	v2 =	vld [tilespmem:s0+$0xCC50]  }
0x37b: {  	v1 =	vadd.f32 v4, v1  }
0x37c: {  	v4 =	vld [tilespmem:s0+$0xCD50]  }
0x37d: {  	v1 =	vadd.f32 v3, v1  }
0x37e: {  	v3 =	vld [tilespmem:s0+$0xCE50]  }
0x37f: {  	v1 =	vadd.f32 v2, v1  }
0x380: {  	v2 =	vld [tilespmem:s0+$0xCF50]  }
0x381: {  	v1 =	vadd.f32 v4, v1;
	_ =	sdelay $0x1  }
0x382: {  	v1 =	vadd.f32 v3, v1;
	_ =	sdelay $0x1  }
0x383: {  	v1 =	vadd.f32 v2, v1;
	_ =	sdelay $0x1  }
0x384: {  	[tilespmem:s16+$0x0] =	vst.add.f32.msk $0xffff, v1  }
0x385: {  	v1 =	vld [tilespmem:s0+$0xC860]  }
0x386: {  	v2 =	vld [tilespmem:s0+$0xC960]  }
0x387: {  	v3 =	vld [tilespmem:s0+$0xCB60]  }
0x388: {  	v4 =	vld [tilespmem:s0+$0xCA60];
	_ =	sdelay $0x2  }
0x389: {  	v1 =	vadd.f32 v2, v1  }
0x38a: {  	v2 =	vld [tilespmem:s0+$0xCC60]  }
0x38b: {  	v1 =	vadd.f32 v4, v1  }
0x38c: {  	v4 =	vld [tilespmem:s0+$0xCD60]  }
0x38d: {  	v1 =	vadd.f32 v3, v1  }
0x38e: {  	v3 =	vld [tilespmem:s0+$0xCE60]  }
0x38f: {  	v1 =	vadd.f32 v2, v1  }
0x390: {  	v2 =	vld [tilespmem:s0+$0xCF60]  }
0x391: {  	v1 =	vadd.f32 v4, v1;
	_ =	sdelay $0x1  }
0x392: {  	v1 =	vadd.f32 v3, v1;
	_ =	sdelay $0x1  }
0x393: {  	v1 =	vadd.f32 v2, v1;
	_ =	sdelay $0x1  }
0x394: {  	[tilespmem:s17+$0x0] =	vst.add.f32.msk $0xffff, v1  }
0x395: {  	v1 =	vld [tilespmem:s0+$0xC870]  }
0x396: {  	v2 =	vld [tilespmem:s0+$0xC970]  }
0x397: {  	v3 =	vld [tilespmem:s0+$0xCB70]  }
0x398: {  	v4 =	vld [tilespmem:s0+$0xCA70];
	_ =	sdelay $0x2  }
0x399: {  	v1 =	vadd.f32 v2, v1  }
0x39a: {  	v2 =	vld [tilespmem:s0+$0xCC70]  }
0x39b: {  	v1 =	vadd.f32 v4, v1  }
0x39c: {  	v4 =	vld [tilespmem:s0+$0xCD70]  }
0x39d: {  	v1 =	vadd.f32 v3, v1  }
0x39e: {  	v3 =	vld [tilespmem:s0+$0xCE70]  }
0x39f: {  	v1 =	vadd.f32 v2, v1  }
0x3a0: {  	v2 =	vld [tilespmem:s0+$0xCF70]  }
0x3a1: {  	v1 =	vadd.f32 v4, v1;
	_ =	sdelay $0x1  }
0x3a2: {  	v1 =	vadd.f32 v3, v1;
	_ =	sdelay $0x1  }
0x3a3: {  	v1 =	vadd.f32 v2, v1;
	_ =	sdelay $0x1  }
0x3a4: {  	[tilespmem:s18+$0x0] =	vst.add.f32.msk $0xffff, v1  }
0x3a5: {  	v1 =	vld [tilespmem:s0+$0xC880]  }
0x3a6: {  	v2 =	vld [tilespmem:s0+$0xC980]  }
0x3a7: {  	v3 =	vld [tilespmem:s0+$0xCC80]  }
0x3a8: {  	v4 =	vld [tilespmem:s0+$0xCA80];
	_ =	sdelay $0x1  }
0x3a9: {  	v5 =	vld [tilespmem:s0+$0xCB80]  }
0x3aa: {  	v1 =	vadd.f32 v2, v1;
	_ =	sdelay $0x1  }
0x3ab: {  	v1 =	vadd.f32 v4, v1  }
0x3ac: {  	v2 =	vld [tilespmem:s0+$0xCD80]  }
0x3ad: {  	v1 =	vadd.f32 v5, v1  }
0x3ae: {  	v4 =	vld [tilespmem:s0+$0xCE80]  }
0x3af: {  	v1 =	vadd.f32 v3, v1  }
0x3b0: {  	v3 =	vld [tilespmem:s0+$0xCF80]  }
0x3b1: {  	v1 =	vadd.f32 v2, v1;
	_ =	sdelay $0x1  }
0x3b2: {  	v1 =	vadd.f32 v4, v1;
	_ =	sdelay $0x1  }
0x3b3: {  	v1 =	vadd.f32 v3, v1;
	_ =	sdelay $0x1  }
0x3b4: {  	[tilespmem:s19+$0x0] =	vst.add.f32.msk $0xffff, v1  }
0x3b5: {  	v1 =	vld [tilespmem:s0+$0xC890]  }
0x3b6: {  	v2 =	vld [tilespmem:s0+$0xC990]  }
0x3b7: {  	v3 =	vld [tilespmem:s0+$0xCA90]  }
0x3b8: {  	v4 =	vld [tilespmem:s0+$0xCB90]  }
0x3b9: {  	v5 =	vld [tilespmem:s0+$0xCC90]  }
0x3ba: {  	v6 =	vld [tilespmem:s0+$0xCD90]  }
0x3bb: {  	v1 =	vadd.f32 v2, v1;
	v2 =	vld [tilespmem:s0+$0xCE90]  }
0x3bc: {  	v7 =	vld [tilespmem:s0+$0xCF90]  }
0x3bd: {  	v1 =	vadd.f32 v3, v1;
	_ =	sdelay $0x1  }
0x3be: {  	v1 =	vadd.f32 v4, v1;
	_ =	sdelay $0x1  }
0x3bf: {  	v1 =	vadd.f32 v5, v1;
	_ =	sdelay $0x1  }
0x3c0: {  	v1 =	vadd.f32 v6, v1;
	_ =	sdelay $0x1  }
0x3c1: {  	v1 =	vadd.f32 v2, v1;
	_ =	sdelay $0x1  }
0x3c2: {  	v1 =	vadd.f32 v7, v1;
	_ =	sdelay $0x1  }
0x3c3: {  	[tilespmem:s20+$0x0] =	vst.add.f32.msk $0xffff, v1  }
0x3c4: {  	v1 =	vld [tilespmem:s0+$0xC8A0]  }
0x3c5: {  	v2 =	vld [tilespmem:s0+$0xC9A0]  }
0x3c6: {  	v3 =	vld [tilespmem:s0+$0xCBA0]  }
0x3c7: {  	v4 =	vld [tilespmem:s0+$0xCAA0]  }
0x3c8: {  	v5 =	vld [tilespmem:s0+$0xCCA0]  }
0x3c9: {  	v6 =	vld [tilespmem:s0+$0xCDA0]  }
0x3ca: {  	v1 =	vadd.f32 v2, v1;
	v2 =	vld [tilespmem:s0+$0xCEA0]  }
0x3cb: {  	v7 =	vld [tilespmem:s0+$0xCFA0]  }
0x3cc: {  	v1 =	vadd.f32 v4, v1;
	_ =	sdelay $0x1  }
0x3cd: {  	v1 =	vadd.f32 v3, v1;
	_ =	sdelay $0x1  }
0x3ce: {  	v1 =	vadd.f32 v5, v1;
	_ =	sdelay $0x1  }
0x3cf: {  	v1 =	vadd.f32 v6, v1;
	_ =	sdelay $0x1  }
0x3d0: {  	v1 =	vadd.f32 v2, v1;
	_ =	sdelay $0x1  }
0x3d1: {  	v1 =	vadd.f32 v7, v1;
	_ =	sdelay $0x1  }
0x3d2: {  	[tilespmem:s21+$0x0] =	vst.add.f32.msk $0xffff, v1  }
0x3d3: {  	v1 =	vld [tilespmem:s0+$0xC8B0]  }
0x3d4: {  	v2 =	vld [tilespmem:s0+$0xC9B0]  }
0x3d5: {  	v3 =	vld [tilespmem:s0+$0xCAB0]  }
0x3d6: {  	v4 =	vld [tilespmem:s0+$0xCBB0]  }
0x3d7: {  	v5 =	vld [tilespmem:s0+$0xCCB0]  }
0x3d8: {  	v6 =	vld [tilespmem:s0+$0xCDB0]  }
0x3d9: {  	v1 =	vadd.f32 v2, v1;
	v2 =	vld [tilespmem:s0+$0xCEB0]  }
0x3da: {  	v7 =	vld [tilespmem:s0+$0xCFB0]  }
0x3db: {  	v1 =	vadd.f32 v3, v1;
	_ =	sdelay $0x1  }
0x3dc: {  	v1 =	vadd.f32 v4, v1;
	_ =	sdelay $0x1  }
0x3dd: {  	v1 =	vadd.f32 v5, v1;
	_ =	sdelay $0x1  }
0x3de: {  	v1 =	vadd.f32 v6, v1;
	_ =	sdelay $0x1  }
0x3df: {  	v1 =	vadd.f32 v2, v1;
	_ =	sdelay $0x1  }
0x3e0: {  	v1 =	vadd.f32 v7, v1;
	_ =	sdelay $0x1  }
0x3e1: {  	[tilespmem:s22+$0x0] =	vst.add.f32.msk $0xffff, v1  }
0x3e2: {  	v1 =	vld [tilespmem:s0+$0xC8C0]  }
0x3e3: {  	v2 =	vld [tilespmem:s0+$0xC9C0]  }
0x3e4: {  	v3 =	vld [tilespmem:s0+$0xCAC0]  }
0x3e5: {  	v4 =	vld [tilespmem:s0+$0xCBC0]  }
0x3e6: {  	v5 =	vld [tilespmem:s0+$0xCCC0]  }
0x3e7: {  	v6 =	vld [tilespmem:s0+$0xCDC0]  }
0x3e8: {  	v1 =	vadd.f32 v2, v1;
	v2 =	vld [tilespmem:s0+$0xCEC0]  }
0x3e9: {  	v7 =	vld [tilespmem:s0+$0xCFC0]  }
0x3ea: {  	v1 =	vadd.f32 v3, v1;
	_ =	sdelay $0x1  }
0x3eb: {  	v1 =	vadd.f32 v4, v1;
	_ =	sdelay $0x1  }
0x3ec: {  	v1 =	vadd.f32 v5, v1;
	_ =	sdelay $0x1  }
0x3ed: {  	v1 =	vadd.f32 v6, v1;
	_ =	sdelay $0x1  }
0x3ee: {  	v1 =	vadd.f32 v2, v1;
	_ =	sdelay $0x1  }
0x3ef: {  	v1 =	vadd.f32 v7, v1;
	_ =	sdelay $0x1  }
0x3f0: {  	[tilespmem:s23+$0x0] =	vst.add.f32.msk $0xffff, v1  }
0x3f1: {  	v1 =	vld [tilespmem:s0+$0xC8D0]  }
0x3f2: {  	v2 =	vld [tilespmem:s0+$0xC9D0]  }
0x3f3: {  	v3 =	vld [tilespmem:s0+$0xCAD0]  }
0x3f4: {  	v4 =	vld [tilespmem:s0+$0xCBD0]  }
0x3f5: {  	v5 =	vld [tilespmem:s0+$0xCCD0]  }
0x3f6: {  	v6 =	vld [tilespmem:s0+$0xCDD0]  }
0x3f7: {  	v1 =	vadd.f32 v2, v1;
	v2 =	vld [tilespmem:s0+$0xCED0]  }
0x3f8: {  	v7 =	vld [tilespmem:s0+$0xCFD0]  }
0x3f9: {  	v1 =	vadd.f32 v3, v1;
	_ =	sdelay $0x1  }
0x3fa: {  	v1 =	vadd.f32 v4, v1;
	_ =	sdelay $0x1  }
0x3fb: {  	v1 =	vadd.f32 v5, v1;
	_ =	sdelay $0x1  }
0x3fc: {  	v1 =	vadd.f32 v6, v1;
	_ =	sdelay $0x1  }
0x3fd: {  	v1 =	vadd.f32 v2, v1;
	_ =	sdelay $0x1  }
0x3fe: {  	v1 =	vadd.f32 v7, v1;
	_ =	sdelay $0x1  }
0x3ff: {  	[tilespmem:s24+$0x0] =	vst.add.f32.msk $0xffff, v1  }
0x400: {  	v1 =	vld [tilespmem:s0+$0xC8E0]  }
0x401: {  	v2 =	vld [tilespmem:s0+$0xC9E0]  }
0x402: {  	v3 =	vld [tilespmem:s0+$0xCAE0]  }
0x403: {  	v4 =	vld [tilespmem:s0+$0xCBE0]  }
0x404: {  	v5 =	vld [tilespmem:s0+$0xCCE0]  }
0x405: {  	v6 =	vld [tilespmem:s0+$0xCDE0]  }
0x406: {  	v1 =	vadd.f32 v2, v1;
	v2 =	vld [tilespmem:s0+$0xCEE0]  }
0x407: {  	v7 =	vld [tilespmem:s0+$0xCFE0]  }
0x408: {  	v1 =	vadd.f32 v3, v1;
	_ =	sdelay $0x1  }
0x409: {  	v1 =	vadd.f32 v4, v1;
	_ =	sdelay $0x1  }
0x40a: {  	v1 =	vadd.f32 v5, v1;
	_ =	sdelay $0x1  }
0x40b: {  	v1 =	vadd.f32 v6, v1;
	_ =	sdelay $0x1  }
0x40c: {  	v1 =	vadd.f32 v2, v1;
	_ =	sdelay $0x1  }
0x40d: {  	v1 =	vadd.f32 v7, v1  }
.Ltmp1:
0x40e: {  	(pc) =	sbr.rel @p0 .LBB2_5-.Ltmp1, $4  }
0x40f: {  	[tilespmem:s25+$0x0] =	vst.add.f32.msk $0xffff, v1  }
0x410: {  	v1 =	vld [tilespmem:s0+$0xC8F0]  }
0x411: {  	v3 =	vld [tilespmem:s0+$0xC9F0]  }
0x412: {  	v2 =	vld [tilespmem:s0+$0xCAF0]  }
0x413: {  	_ =	sdelay $0x1  }
0x414: {  	v4 =	vld [tilespmem:s0+$0xCBF0]  }
0x415: {  	v1 =	vadd.f32 v3, v1  }
0x416: {  	v3 =	vld [tilespmem:s0+$0xCCF0]  }
0x417: {  	v1 =	vadd.f32 v2, v1  }
0x418: {  	v2 =	vld [tilespmem:s0+$0xCDF0]  }
0x419: {  	v1 =	vadd.f32 v4, v1  }
0x41a: {  	v63 =	vld [tilespmem:s0+$0xCEF0]  }
0x41b: {  	v1 =	vadd.f32 v3, v1  }
0x41c: {  	v3 =	vld [tilespmem:s0+$0xCFF0]  }
0x41d: {  	s31 =	sadd.s32 $0x1, s31;
	v1 =	vadd.f32 v2, v1  }
0x41e: {  	p0 =	sne.s32 s31, $0x5  }
.Ltmp2:
0x41f: {  	v1 =	vadd.f32 v63, v1;
	(pc) =	sbr.rel @p0 .LBB2_2-.Ltmp2, $3  }
0x420: {  	_ = 	snop  }
0x421: {  	v1 =	vadd.f32 v3, v1;
	_ =	sdelay $0x1  }
0x422: {  	[tilespmem:s26+$0x0] =	vst.add.f32.msk $0xffff, v1  }
0x423: {  	s30 =	sadd.s32 $0x1, s30  }
0x424: {  	p0 =	sne.s32 s30, s8  }
.Ltmp3:
0x425: {  	s31 =	simm.s32 $0x0;
	(pc) =	sbr.rel @p0 .LBB2_1-.Ltmp3, $4  }
0x426: {  	[hbm4b:s7+s31] =	stream.linear.scatter [tilespmem:s11], [sflag:$0x3], $0x100, $0x38;
	[tilespmem:$0x19100] =	vst v63  }
0x427: {  	_ =	swait.ge [sflag:s29], $0x100  }
0x428: {  	[sflag:s29] =	ssyncset.done $0x0  }
0x429: {  	[sflag:s29] =	ssyncadd.s32 $0xFFFFFF00  }
0x42a: {  	_ =	sfence.sel $0x180000  }
0x42b: {  	[bflag:$0x0] =	sbarrier.arrive $0xFFFF  }
0x42c: {  	_ =	strace $0x9000004A  }
0x42d: {  	s0 =	stileid.u32;
	[bflag:$0x2] =	sbarrier.arrive $0xFFFF  }
0x42e: {  	p0 =	sne.s32 s0, $0x0;
	s0 =	rddreg [dreg:$0x1]  }
0x42f: {  	s0 =	sadd.s32 @!p0 $0x100000, s0  }
0x430: {  	[sflag:s0] =	ssyncadd.tile.s32 @!p0 $0x1;
	_ =	shalt  }
.Lfunc_end2:
_tile_overlayer_lowered:
.L_overlay_start_2:
0x431: {  	(tag) =	ssettag $0x2  }
0x432: {  	s0 =	rddreg [dreg:$0x0];
	s2 =	stileid.u32  }
0x433: {  	s1 =	rddreg [dreg:$0x1];
	p0 =	sne.s32 s2, $0x0  }
0x434: {  	s3 =	rddreg [dreg:$0x2];
	[bflag:$0x3] =	sbarrier.arrive $0xFFFF;
	s2 =	simm.s32 @!p0 $0x1C03  }
0x435: {  	[timem:s3], [sflag:s2] =	dma.local @!p0 [hbm:s0], s1  }
0x436: {  	s0 =	simm.s32 @!p0 $0x3  }
0x437: {  	_ =	swait.ge @!p0 [sflag:s0], s1  }
0x438: {  	s1 =	ssub.s32 @!p0 $0x0, s1;
	[sflag:s0] =	ssyncset.done @!p0 $0x0  }
0x439: {  	[sflag:s0] =	ssyncadd.s32 @!p0 s1  }
0x43a: {  	[bflag:$0x3] =	sbarrier.arrive $0xFFFF  }
0x43b: {  	_ =	shalt  }

// kernel: sparse-core-data-format-call.cloned.1.call-start
scs
called_computation_lowered:
.L_overlay_start_0:
0x0: {  	s1 =	sld [smem:$0x3FD9]  }
0x1: {  	s2 =	sld [smem:$0x3FFE];
	_ =	sdelay $0x1  }
0x2: {  	s3 =	srdreg.scid  }
0x3: {  	s0 =	sand.u32 $0x1, s3  }
0x4: {  	s17 =	sshll.u32 s0, $0xA;
	s1 =	sadd.s32 s2, s1  }
0x5: {  	s1 =	sadd.s32 s1, s17  }
0x6: {  	[smem:$0x3FC5] =	sst s1  }
0x7: {  	_ = 	snop  }
0x8: {  	(tm) =	ssettm $0x1  }
0x9: {  	s18 =	sld [smem:$0x3FFB];
	_ =	sdelay $0x3  }
0xa: {  	_ =	strace s18  }
0xb: {  	s1 =	sld [smem:$0x3FFC];
	_ =	sdelay $0x3  }
0xc: {  	_ =	strace s1  }
0xd: {  	s1 =	sld [smem:$0x3FFD];
	_ =	sdelay $0x3  }
0xe: {  	_ =	strace s1  }
0xf: {  	_ =	strace $0x8FFFFFFF  }
0x10: {  	s19 =	sld [smem:$0x3FDB];
	_ =	sdelay $0x1  }
0x11: {  	s20 =	simm.s32 $_scs_section_size  }
0x12: {  	s4 =	simm.s32 $_size__tile_overlayer_lowered;
	s5 =	simm.s32 $_tile_overlayer_lowered  }
0x13: {  	s23 =	simm.s32 $0x1BFF;
	s22 =	sshll.u32 s5, $0x1;
	s1 =	sadd.s32 s20, s19  }
0x14: {  	s6 =	simm.s32 $0x0;
	s21 =	sshll.u32 s4, $0x1;
	s4 =	sadd.s32 s22, s1  }
0x15: {  	[timem:s6], [sflag:s23] =	dma.local [hbm:s4], s21  }
0x16: {  	_ =	swait.ge [sflag:s23], s21  }
0x17: {  	s2 =	ssub.s32 $0x0, s21;
	[sflag:s23] =	ssyncset.done $0x0  }
0x18: {  	[sflag:s23] =	ssyncadd.s32 s2;
	_ =	sdelay $0x1  }
0x19: {  	s24 =	simm.s32 $0x1B8B  }
0x1a: {  	_ =	swait.ge [sflag:s24], $0x1  }
0x1b: {  	[sflag:s24] =	ssyncset.done $0x0  }
0x1c: {  	s26 =	simm.s32 $0x1B8E;
	s25 =	sld [smem:$0x3FFE];
	[sflag:s24] =	ssyncadd.s32 $0xFFFFFFFF  }
0x1d: {  	s27 =	simm.s32 $execute0_lowered;
	[smem:$0x3FD2] =	sst s26  }
0x1e: {  	s4 =	sshll.u32 s27, $0x1;
	_ =	strace $0x80000046;
	[dreg:$0x1] =	wrdreg $0xFFFFFFFF  }
0x1f: {  	s28 =	simm.s32 $_size_execute0_lowered;
	s1 =	sadd.s32 s1, s4;
	[dreg:$0x0] =	wrdreg $0x0  }
0x20: {  	s4 =	sshll.u32 s28, $0x1;
	[dreg:$0x2] =	wrdreg s1  }
0x21: {  	[dreg:$0x3] =	wrdreg s4  }
0x22: {  	[dreg:$0x4] =	wrdreg $0xC0  }
0x23: {  	_ =	task [dreg:s6], $0x5FFFF  }
0x24: {  	[dreg:$0x1] =	wrdreg $0xFFFFFFFF  }
0x25: {  	[dreg:$0x0] =	wrdreg $0x60  }
0x26: {  	[dreg:$0x2] =	wrdreg s25  }
0x27: {  	[dreg:$0x3] =	wrdreg $0x9  }
0x28: {  	_ =	task.clear_ibuf [dreg:s6], $0x4FFFF;
	_ =	strace $0x90000046  }
0x29: {  	s29 =	simm.s32 $0x9;
	_ =	strace $0x80000048  }
0x2a: {  	_ =	swait.ge [sflag:s29], $0x1  }
0x2b: {  	[sflag:s29] =	ssyncadd.s32 $0xFFFFFFFF  }
0x2c: {  	_ =	strace $0x90000048  }
0x2d: {  	_ =	sfence  }
0x2e: {  	s30 =	sld [smem:$0x0];
	_ =	sdelay $0x2  }
0x2f: {  	s31 =	sshll.u32 s3, $0xD;
	s3 =	sshrl.u32 s3, $0x2  }
0x30: {  	s2 =	sand.u32 $0x4000, s31;
	s1 =	sadd.s32 s3, s30  }
0x31: {  	s0 =	sor.u32 s2, s0;
	s1 =	sshll.u32 s1, $0x11  }
0x32: {  	s0 =	sor.u32 s1, s0  }
0x33: {  	s0 =	sadd.s32 $0x8F2B, s0  }
0x34: {  	[sflag:s0] =	ssyncadd.remote.s32 $0x1  }
0x35: {  	_ =	sfence.sel $0xFFFF  }
0x36: {  	[dreg:$0x0] =	wrdreg $0xFFFFFFFF;
	(pc) =	sbr.abs _section_cstart, $3  }
0x37: {  	[dreg:$0x1] =	wrdreg $0xFFFFFFFF  }
0x38: {  	_ =	task.clear_ibuf [dreg:s6], $0x2FFFF;
	_ =	strace $0x9FFFFFFF  }
0x39: {  	(tm) =	ssettm $0x7FFFFFFF  }
tec
execute0_lowered:
.L_overlay_start_1:
0x0: {  	(tag) =	ssettag $0x1  }
0x1: {  	s0 =	srdreg.scid  }
0x2: {  	s1 =	sshll.u32 s0, $0x4  }
0x3: {  	s4 =	rddreg [dreg:$0x0];
	s0 =	stileid.u32;
	s1 =	sand.u32 $0x10, s1  }
0x4: {  	s7 =	simm.s32 $0x1;
	s8 =	simm.s32 $0x2;
	s1 =	sor.u32 s0, s1  }
0x5: {  	s9 =	simm.s32 $0x0;
	s12 =	simm.s32 $0x0;
	s2 =	sshll.u32 s1, $0x3  }
0x6: {  	s11 =	simm.s32 $0x0;
	s3 =	sadd.s32 $0x1E00, s4;
	s6 =	ssub.s32 $0x1F40, s2  }
.Ltmp0:
0x7: {  	s4 =	sadd.s32 $0x1F5E00, s4;
	s5 =	sand.u32 $0xF8, s6;
	(pc) =	sbr.rel .LBB1_1-.Ltmp0, $4  }
0x8: {  	s1 =	rddreg [dreg:$0x1];
	_ =	strace $0x80000047;
	p0 =	sne.s32 s5, $0x0  }
0x9: {  	s6 =	sshrl.u32 s6, $0x8;
	s5 =	simm.s32 $0x1;
	s7 =	simm.s32 @!p0 $0x0  }
0xa: {  	s10 =	smov.u32 s2;
	[sflag:s5] =	ssyncpa.u1 $0x0;
	s6 =	sadd.s32 s7, s6  }
0xb: {  	[sflag:s8] =	ssyncpa.u1 $0x0;
	s8 =	simm.s32 $0x0;
	s7 =	sadd.s32 $0x1, s6  }
.LBB1_9:
0xc: {  	s14 =	sadd.s32 $0x100, s10  }
0xd: {  	p1 =	sgt.s32 s14, $0x1F3F  }
0xe: {  	s14 =	smov.u32 @p1 s2;
	p1 =	sne.s32 s11, s7  }
.Ltmp1:
0xf: {  	p0 =	slt.u32 s11, $0x2;
	(pc) =	sbr.rel @!p1 .LBB1_10-.Ltmp1, $4  }
0x10: {  	s13 =	simm.s32 @!p0 $0x2  }
0x11: {  	s15 =	sadd.s32 $0x1, s11;
	_ =	swait.ge @!p0 [sflag:s13], $0x4000  }
0x12: {  	s12 =	smov.u32 s10;
	s9 =	sadd.s32 $0x4000, s9;
	[sflag:s13] =	ssyncset.done @!p0 $0x0  }
0x13: {  	s11 =	smov.u32 s15;
	s10 =	smov.u32 s14;
	[sflag:s13] =	ssyncadd.s32 @!p0 $0xFFFFC000  }
.LBB1_1:
0x14: {  	p0 =	sge.u32 s11, s6  }
0x15: {  	s13 =	sxor.u32 @!p0 $0xFFFFFFFF, s11  }
0x16: {  	s31 =	sadd.s32 $0xFFFFFFFF, s11;
	s14 =	sshll.u32 @!p0 s10, $0x8;
	s13 =	sshll.u32 @!p0 s13, $0xE  }
0x17: {  	s15 =	simm.s32 @!p0 $0x0;
	s14 =	sadd.s32 @!p0 s3, s14;
	s13 =	sand.u32 @!p0 $0x4000, s13  }
0x18: {  	[tilespmem:s13], [sflag:$0x1] =	stream.linear.gather @!p0 [hbm4b:s14+s15], $0x4000, $0x38;
	[tilespmem:$0x10000] =	vst v63  }
0x19: {  	p0 =	sge.u32 s31, s6  }
.Ltmp2:
0x1a: {  	_ = 	snop;
	(pc) =	sbr.rel @p0 .LBB1_9-.Ltmp2, $1  }
0x1b: {  	_ =	sdelay $0x3  }
0x1c: {  	s13 =	sshll.u32 s9, $0x2;
	_ =	swait.ge [sflag:s5], $0x4000;
	s14 =	sshll.u32 s11, $0xE  }
0x1d: {  	s16 =	simm.s32 $0x0;
	s17 =	simm.s32 $0x0;
	s15 =	sand.u32 $0x10000, s13  }
0x1e: {  	[sflag:s5] =	ssyncset.done $0x0;
	s31 =	sand.u32 $0x4000, s14;
	s14 =	sshrl.u32 s15, $0x2  }
0x1f: {  	[sflag:s5] =	ssyncadd.s32 $0xFFFFC000;
	s13 =	sor.u32 $0x8000, s31;
	s15 =	sor.u32 $0x8000, s14  }
.LBB1_3:
0x20: {  	s18 =	sshra.s32 s16, $0x2  }
0x21: {  	v0 =	vmov s18;
	_ =	sdelay $0x3  }
0x22: {  	p1 =	por $0x1, $0x1;
	s18 =	simm.s32 $0x0  }
.LBB1_4:
0x23: {  	_ = 	snop  }
0x24: {  	s19 =	sshll.u32 s18, $0xA  }
0x25: {  	s19 =	sand.u32 $0x3FFFFC00, s19  }
0x26: {  	s19 =	sadd.s32 s19, s14  }
0x27: {  	v5 =	vld.idx.msk [tilespmem:v0+s19+$0x70 ss:$0x1], $0xffff  }
0x28: {  	v6 =	vld.idx.msk [tilespmem:v0+s19+$0x10 ss:$0x1], $0xffff  }
0x29: {  	v7 =	vld.idx.msk [tilespmem:v0+s19+$0x20 ss:$0x1], $0xffff  }
0x2a: {  	s31 =	sshll.u32 s18, $0x7;
	v1 =	vld.idx.msk [tilespmem:v0+s19+$0x30 ss:$0x1], $0xffff  }
0x2b: {  	s18 =	sand.u32 $0x3FFFFF80, s31;
	v2 =	vld.idx.msk [tilespmem:v0+s19+$0x40 ss:$0x1], $0xffff  }
0x2c: {  	s18 =	sadd.s32 s18, s15;
	v3 =	vld.idx.msk [tilespmem:v0+s19+$0x50 ss:$0x1], $0xffff  }
0x2d: {  	v4 =	vld.idx.msk [tilespmem:v0+s19+$0x60 ss:$0x1], $0xffff;
	[tilespmem:v0+s18+$0x70 ss:$0x1] =	vst.idx.msk $0xffff, v5  }
0x2e: {  	v5 =	vld.idx.msk [tilespmem:v0+s19+$0x0 ss:$0x1], $0xffff;
	[tilespmem:v0+s18+$0x10 ss:$0x1] =	vst.idx.msk $0xffff, v6;
	s19 =	sadd.s32 $0x80, s19  }
0x2f: {  	p0 =	por p1, p1;
	s20 =	simm.s32 $0x6;
	[tilespmem:v0+s18+$0x20 ss:$0x1] =	vst.idx.msk $0xffff, v7;
	v6 =	vld.idx.msk [tilespmem:v0+s19+$0x70 ss:$0x1], $0xffff  }
.LBB1_5:
0x30: {  	p1 =	sne.s32 s20, $0x1;
	v7 =	vld.idx.msk [tilespmem:v0+s19+$0x10 ss:$0x1], $0xffff;
	[tilespmem:v0+s18+$0x30 ss:$0x1] =	vst.idx.msk $0xffff, v1  }
0x31: {  	v8 =	vld.idx.msk [tilespmem:v0+s19+$0x20 ss:$0x1], $0xffff;
	[tilespmem:v0+s18+$0x40 ss:$0x1] =	vst.idx.msk $0xffff, v2  }
0x32: {  	v1 =	vld.idx.msk [tilespmem:v0+s19+$0x30 ss:$0x1], $0xffff;
	[tilespmem:v0+s18+$0x50 ss:$0x1] =	vst.idx.msk $0xffff, v3  }
.Ltmp3:
0x33: {  	v2 =	vld.idx.msk [tilespmem:v0+s19+$0x40 ss:$0x1], $0xffff;
	[tilespmem:v0+s18+$0x60 ss:$0x1] =	vst.idx.msk $0xffff, v4;
	(pc) =	sbr.rel @p1 .LBB1_5-.Ltmp3, $4  }
0x34: {  	v3 =	vld.idx.msk [tilespmem:v0+s19+$0x50 ss:$0x1], $0xffff;
	[tilespmem:v0+s18+$0x0 ss:$0x1] =	vst.idx.msk $0xffff, v5;
	s18 =	sadd.s32 $0x100, s18  }
0x35: {  	v4 =	vld.idx.msk [tilespmem:v0+s19+$0x60 ss:$0x1], $0xffff;
	[tilespmem:v0+s18+$0x70 ss:$0x1] =	vst.idx.msk $0xffff, v6  }
0x36: {  	v5 =	vld.idx.msk [tilespmem:v0+s19+$0x0 ss:$0x1], $0xffff;
	[tilespmem:v0+s18+$0x10 ss:$0x1] =	vst.idx.msk $0xffff, v7;
	s19 =	sadd.s32 $0x80, s19  }
0x37: {  	s20 =	sadd.s32 $0xFFFFFFFF, s20;
	v6 =	vld.idx.msk [tilespmem:v0+s19+$0x70 ss:$0x1], $0xffff;
	[tilespmem:v0+s18+$0x20 ss:$0x1] =	vst.idx.msk $0xffff, v8  }
0x38: {  	_ =	sdelay $0x3  }
0x39: {  	[tilespmem:v0+s18+$0x30 ss:$0x1] =	vst.idx.msk $0xffff, v1  }
0x3a: {  	v1 =	vld.idx.msk [tilespmem:v0+s19+$0x10 ss:$0x1], $0xffff;
	[tilespmem:v0+s18+$0x40 ss:$0x1] =	vst.idx.msk $0xffff, v2  }
0x3b: {  	v2 =	vld.idx.msk [tilespmem:v0+s19+$0x20 ss:$0x1], $0xffff;
	[tilespmem:v0+s18+$0x50 ss:$0x1] =	vst.idx.msk $0xffff, v3  }
0x3c: {  	v61 =	vld.idx.msk [tilespmem:v0+s19+$0x40 ss:$0x1], $0xffff;
	[tilespmem:v0+s18+$0x60 ss:$0x1] =	vst.idx.msk $0xffff, v4  }
0x3d: {  	s31 =	sadd.s32 $0x100, s18;
	v62 =	vld.idx.msk [tilespmem:v0+s19+$0x50 ss:$0x1], $0xffff;
	[tilespmem:v0+s18+$0x0 ss:$0x1] =	vst.idx.msk $0xffff, v5  }
0x3e: {  	v63 =	vld.idx.msk [tilespmem:v0+s19+$0x60 ss:$0x1], $0xffff;
	[tilespmem:v0+s31+$0x70 ss:$0x1] =	vst.idx.msk $0xffff, v6  }
0x3f: {  	v3 =	vld.idx.msk [tilespmem:v0+s19+$0x30 ss:$0x1], $0xffff;
	[tilespmem:v0+s31+$0x10 ss:$0x1] =	vst.idx.msk $0xffff, v1  }
0x40: {  	v1 =	vld.idx.msk [tilespmem:v0+s19+$0x0 ss:$0x1], $0xffff;
	[tilespmem:v0+s31+$0x20 ss:$0x1] =	vst.idx.msk $0xffff, v2  }
.Ltmp4:
0x41: {  	[tilespmem:v0+s31+$0x40 ss:$0x1] =	vst.idx.msk $0xffff, v61;
	(pc) =	sbr.rel @p0 .LBB1_4-.Ltmp4, $4  }
0x42: {  	[tilespmem:v0+s31+$0x50 ss:$0x1] =	vst.idx.msk $0xffff, v62  }
0x43: {  	[tilespmem:v0+s31+$0x60 ss:$0x1] =	vst.idx.msk $0xffff, v63  }
0x44: {  	[tilespmem:v0+s31+$0x30 ss:$0x1] =	vst.idx.msk $0xffff, v3  }
0x45: {  	p1 =	por $0x0, $0x0;
	s18 =	simm.s32 $0x1;
	[tilespmem:v0+s31+$0x0 ss:$0x1] =	vst.idx.msk $0xffff, v1  }
0x46: {  	s17 =	sadd.s32 $0x1, s17  }
0x47: {  	p0 =	sne.s32 s17, $0x8  }
.Ltmp5:
0x48: {  	_ = 	snop;
	(pc) =	sbr.rel @p0 .LBB1_3-.Ltmp5, $2  }
0x49: {  	_ =	sdelay $0x2  }
0x4a: {  	s16 =	sadd.s32 $0x2000, s16  }
.Ltmp6:
0x4b: {  	(pc) =	sbr.rel .LBB1_9-.Ltmp6, $4  }
0x4c: {  	_ = 	snop  }
0x4d: {  	s12 =	sshll.u32 s12, $0x8  }
0x4e: {  	s12 =	sadd.s32 s4, s12  }
0x4f: {  	[hbm4b:s12+s8] =	stream.linear.scatter [tilespmem:s13], [sflag:$0x2], $0x4000, $0x38;
	[tilespmem:$0x10000] =	vst v63  }
.LBB1_10:
0x50: {  	_ =	sfence.sel $0x180000  }
0x51: {  	s2 =	simm.s32 $0x1;
	[bflag:$0x0] =	sbarrier.arrive $0xFFFF  }
0x52: {  	s31 =	simm.s32 $0x2;
	[sflag:s2] =	ssyncpa.u1 $0x1  }
0x53: {  	[sflag:s31] =	ssyncpa.u1 $0x1  }
0x54: {  	p0 =	sne.s32 s0, $0x0;
	_ =	strace $0x90000047  }
0x55: {  	s0 =	sadd.s32 @!p0 $0x100000, s1;
	[bflag:$0x2] =	sbarrier.arrive $0xFFFF  }
0x56: {  	[sflag:s0] =	ssyncadd.tile.s32 @!p0 $0x1;
	_ =	shalt  }
.Lfunc_end1:
_tile_overlayer_lowered:
.L_overlay_start_2:
0x57: {  	(tag) =	ssettag $0x2  }
0x58: {  	s0 =	rddreg [dreg:$0x0];
	s2 =	stileid.u32  }
0x59: {  	s1 =	rddreg [dreg:$0x1];
	p0 =	sne.s32 s2, $0x0  }
0x5a: {  	s3 =	rddreg [dreg:$0x2];
	[bflag:$0x3] =	sbarrier.arrive $0xFFFF;
	s2 =	simm.s32 @!p0 $0x1C01  }
0x5b: {  	[timem:s3], [sflag:s2] =	dma.local @!p0 [hbm:s0], s1  }
0x5c: {  	s0 =	simm.s32 @!p0 $0x1  }
0x5d: {  	_ =	swait.ge @!p0 [sflag:s0], s1  }
0x5e: {  	s1 =	ssub.s32 @!p0 $0x0, s1;
	[sflag:s0] =	ssyncset.done @!p0 $0x0  }
0x5f: {  	[sflag:s0] =	ssyncadd.s32 @!p0 s1  }
0x60: {  	[bflag:$0x3] =	sbarrier.arrive $0xFFFF  }
0x61: {  	_ =	shalt  }

</sc_bundles>
